<compile_context>
chip_gen: v7x
topology: tpu7x:2x2x1
jax: 0.10.2.dev20260603
libtpu: 0.0.44.dev20260713+nightly
codegen_flags: <defaults>
</compile_context>

<pallas_src>
import functools

import jax
import jax.numpy as jnp
from jax import lax
from jax.experimental import pallas as pl
from jax.experimental.pallas import tpu as pltpu
from jax.experimental.pallas import tpu_sc as plsc

N = 10000
E = 160000
G = 8
NUM_POINTS = 1024

NC = 2
NS = 16
NW = NC * NS

CHUNK_G = 128
CPW = 40
E_PAD = NW * CPW * CHUNK_G
BE = 512
NBLK = E_PAD // BE
CPW2 = 3
NIDX2 = NW * CPW2 * CHUNK_G


def _mesh():
    return plsc.VectorSubcoreMesh(core_axis_name="c", subcore_axis_name="s",
                                  num_cores=NC, num_subcores=NS)


def _wid():
    return lax.axis_index("s") * NC + lax.axis_index("c")


def _gather2_body(dst_hbm, src_hbm, p_hbm, q_hbm, pd_hbm, qs_hbm,
                  idx_d, idx_s, rows_p, rows_q, sem):
    wid = _wid()

    def chunk(i, carry):
        base = (wid * CPW + i) * CHUNK_G
        pltpu.sync_copy(dst_hbm.at[pl.ds(base, CHUNK_G)], idx_d)
        pltpu.sync_copy(src_hbm.at[pl.ds(base, CHUNK_G)], idx_s)
        pltpu.async_copy(p_hbm.at[idx_d], rows_p, sem).wait()
        pltpu.async_copy(q_hbm.at[idx_s], rows_q, sem).wait()
        pltpu.sync_copy(rows_p, pd_hbm.at[pl.ds(base, CHUNK_G)])
        pltpu.sync_copy(rows_q, qs_hbm.at[pl.ds(base, CHUNK_G)])
        return carry

    lax.fori_loop(0, CPW, chunk, 0)


def _make_gather2(h):
    out = jax.ShapeDtypeStruct((E_PAD, h), jnp.float32)
    return pl.kernel(
        _gather2_body,
        out_type=[out, out],
        mesh=_mesh(),
        scratch_types=[
            pltpu.VMEM((CHUNK_G,), jnp.int32),
            pltpu.VMEM((CHUNK_G,), jnp.int32),
            pltpu.VMEM((CHUNK_G, h), jnp.float32),
            pltpu.VMEM((CHUNK_G, h), jnp.float32),
            pltpu.SemaphoreType.DMA,
        ],
    )


def _gather1_body(idx_hbm, s_hbm, out_hbm, idxv, rows, sem):
    wid = _wid()

    def chunk(i, carry):
        base = (wid * CPW2 + i) * CHUNK_G
        pltpu.sync_copy(idx_hbm.at[pl.ds(base, CHUNK_G)], idxv)
        pltpu.async_copy(s_hbm.at[idxv], rows, sem).wait()
        pltpu.sync_copy(rows, out_hbm.at[pl.ds(base, CHUNK_G)])
        return carry

    lax.fori_loop(0, CPW2, chunk, 0)


def _make_gather1(h):
    return pl.kernel(
        _gather1_body,
        out_type=jax.ShapeDtypeStruct((NIDX2, h), jnp.float32),
        mesh=_mesh(),
        scratch_types=[
            pltpu.VMEM((CHUNK_G,), jnp.int32),
            pltpu.VMEM((CHUNK_G, h), jnp.float32),
            pltpu.SemaphoreType.DMA,
        ],
    )


def _pq_body(hin, x_ref, wa_ref, ba_ref, p_ref, q_ref):
    xb = x_ref[...]
    wa = wa_ref[...]
    wq = wa[hin:, :]
    wp = wa[:hin, :] - wq
    p_ref[...] = (jnp.dot(xb, wp, preferred_element_type=jnp.float32)
                  + ba_ref[...])
    q_ref[...] = jnp.dot(xb, wq, preferred_element_type=jnp.float32)


def _pq_call(x, wa, ba):
    n, hin = x.shape
    h = wa.shape[1]
    bn = 1000
    out = jax.ShapeDtypeStruct((n, h), jnp.float32)
    return pl.pallas_call(
        functools.partial(_pq_body, hin),
        grid=(n // bn,),
        in_specs=[
            pl.BlockSpec((bn, hin), lambda i: (i, 0)),
            pl.BlockSpec((2 * hin, h), lambda i: (0, 0)),
            pl.BlockSpec((1, h), lambda i: (0, 0)),
        ],
        out_specs=[
            pl.BlockSpec((bn, h), lambda i: (i, 0)),
            pl.BlockSpec((bn, h), lambda i: (i, 0)),
        ],
        out_shape=[out, out],
    )(x, wa, ba.reshape(1, h))


def _msg_scan_body(pd_ref, qs_ref, d_ref, wb_ref, bb_ref, s_ref):
    hact = jnp.maximum(pd_ref[...] + qs_ref[...], 0.0)
    m = (jnp.dot(hact, wb_ref[...], preferred_element_type=jnp.float32)
         + bb_ref[...])
    dcol = d_ref[...]
    k = 1
    while k < BE:
        dsh = jnp.concatenate(
            [dcol[k:], jnp.full((k, 1), -2, jnp.int32)], axis=0)
        msh = jnp.concatenate(
            [m[k:], jnp.zeros((k, m.shape[1]), m.dtype)], axis=0)
        m = jnp.where(dsh == dcol, jnp.maximum(m, msh), m)
        k *= 2
    s_ref[...] = m


def _msg_scan_call(pd, qs, dcol, wb, bb):
    e, h = pd.shape
    return pl.pallas_call(
        _msg_scan_body,
        grid=(e // BE,),
        in_specs=[
            pl.BlockSpec((BE, h), lambda i: (i, 0)),
            pl.BlockSpec((BE, h), lambda i: (i, 0)),
            pl.BlockSpec((BE, 1), lambda i: (i, 0)),
            pl.BlockSpec((h, h), lambda i: (0, 0)),
            pl.BlockSpec((1, h), lambda i: (0, 0)),
        ],
        out_specs=pl.BlockSpec((BE, h), lambda i: (i, 0)),
        out_shape=jax.ShapeDtypeStruct((e, h), jnp.float32),
    )(pd, qs, dcol, wb, bb.reshape(1, h))


def _merge_body(g_ref, cnt_ref, sb_ref, bdst_ref, o_ref):
    o_ref[...] = jnp.where(cnt_ref[...] > 0, g_ref[...], 0.0)

    def mrg(i, carry):
        n = bdst_ref[i]

        @pl.when(n >= 0)
        def _():
            cur = o_ref[pl.ds(n, 1), :]
            o_ref[pl.ds(n, 1), :] = jnp.maximum(cur, sb_ref[pl.ds(i, 1), :])

        return carry

    lax.fori_loop(0, NBLK, mrg, 0)


def _merge_call(g, cnt, sb, bdst):
    n, h = g.shape
    return pl.pallas_call(
        _merge_body,
        in_specs=[
            pl.BlockSpec((n, h), lambda: (0, 0)),
            pl.BlockSpec((n, 1), lambda: (0, 0)),
            pl.BlockSpec((NBLK, h), lambda: (0, 0)),
            pl.BlockSpec(memory_space=pltpu.SMEM),
        ],
        out_specs=pl.BlockSpec((n, h), lambda: (0, 0)),
        out_shape=jax.ShapeDtypeStruct((n, h), jnp.float32),
    )(g, cnt, sb, bdst)


def _dec_body(x3_ref, b_ref, wfc_ref, bfc_ref, wd1_ref, bd1_ref,
              wd2_ref, bd2_ref, o_ref):
    x3 = x3_ref[...]
    bcol = b_ref[...]
    rows = []
    for g in range(G):
        mg = jnp.where(bcol == g, x3, -jnp.inf)
        rows.append(jnp.max(mg, axis=0, keepdims=True))
    pooled = jnp.concatenate(rows, axis=0)
    pooled = jnp.where(pooled > jnp.float32(-3e38), pooled, 0.0)
    z = (jnp.dot(pooled, wfc_ref[...], preferred_element_type=jnp.float32)
         + bfc_ref[...])
    hh = jnp.maximum(
        jnp.dot(z, wd1_ref[...], preferred_element_type=jnp.float32)
        + bd1_ref[...], 0.0)
    o_ref[...] = (jnp.dot(hh, wd2_ref[...], preferred_element_type=jnp.float32)
                  + bd2_ref[...])


def _dec_call(x3, batch, wfc, bfc, wd1, bd1, wd2, bd2):
    n, h = x3.shape
    dout = wd2.shape[1]
    return pl.pallas_call(
        _dec_body,
        in_specs=[pl.BlockSpec((n, h), lambda: (0, 0)),
                  pl.BlockSpec((n, 1), lambda: (0, 0)),
                  pl.BlockSpec(wfc.shape, lambda: (0, 0)),
                  pl.BlockSpec((1, wfc.shape[1]), lambda: (0, 0)),
                  pl.BlockSpec(wd1.shape, lambda: (0, 0)),
                  pl.BlockSpec((1, wd1.shape[1]), lambda: (0, 0)),
                  pl.BlockSpec(wd2.shape, lambda: (0, 0)),
                  pl.BlockSpec((1, dout), lambda: (0, 0))],
        out_specs=pl.BlockSpec((G, dout), lambda: (0, 0)),
        out_shape=jax.ShapeDtypeStruct((G, dout), jnp.float32),
    )(x3, batch.reshape(n, 1), wfc, bfc.reshape(1, -1),
      wd1, bd1.reshape(1, -1), wd2, bd2.reshape(1, -1))


def kernel(x, edge_index, batch, W1a, b1a, W1b, b1b, W2a, b2a, W2b, b2b,
           W3a, b3a, W3b, b3b, Wfc, bfc, Wd1, bd1, Wd2, bd2):
    src = edge_index[0]
    dst = edge_index[1]

    order = jnp.argsort(dst)
    dst_s = dst[order]
    src_s = src[order]
    dstp0 = jnp.pad(dst_s, (0, E_PAD - E))
    srcp0 = jnp.pad(src_s, (0, E_PAD - E))
    dstm1 = jnp.pad(dst_s, (0, E_PAD - E),
                    constant_values=-1).reshape(E_PAD, 1)
    bounds = jnp.searchsorted(
        dst_s, jnp.arange(N + 1, dtype=jnp.int32)).astype(jnp.int32)
    start = jnp.minimum(bounds[:N], E - 1)
    cnt = (bounds[1:] - bounds[:N]).reshape(N, 1)
    blockstarts = jnp.arange(0, E_PAD, BE, dtype=jnp.int32)
    bdst = dstm1[::BE, 0]
    idx2 = jnp.pad(jnp.concatenate([start, blockstarts]),
                   (0, NIDX2 - (N + NBLK)))

    w1a_e = jnp.pad(W1a, ((0, 0), (0, 64)))
    b1a_e = jnp.pad(b1a, (0, 64))
    w1b_e = jnp.pad(W1b, ((0, 64), (0, 64)))
    b1b_e = jnp.pad(b1b, (0, 64))
    w2a_e = jnp.concatenate([jnp.pad(W2a[:64], ((0, 64), (0, 0))),
                             jnp.pad(W2a[64:], ((0, 64), (0, 0)))], axis=0)

    xl = x
    for wa, ba, wb, bb in ((w1a_e, b1a_e, w1b_e, b1b_e),
                           (w2a_e, b2a, W2b, b2b),
                           (W3a, b3a, W3b, b3b)):
        h = wa.shape[1]
        p, q = _pq_call(xl, wa, ba)
        pd, qs = _make_gather2(h)(dstp0, srcp0, p, q)
        s = _msg_scan_call(pd, qs, dstm1, wb, bb)
        sg = _make_gather1(h)(idx2, s)
        xl = _merge_call(sg[:N], cnt, sg[N:N + NBLK], bdst)

    out = _dec_call(xl, batch, Wfc, bfc, Wd1, bd1, Wd2, bd2)
    return out.reshape(G, NUM_POINTS, 3)

# --- scband reference (transcript-rebuilt; emitter-appended) ---
"""Pipeline reference for scband-gnnautoencoder-31842887532756 (READ-ONLY COPY).

The authoritative reference and input builder live on the scoring server;
editing this copy changes nothing except your own understanding.
"""

import jax, jax.numpy as jnp
import numpy as np

N = 10000
E = 160000
G = 8
NUM_POINTS = 1024


def _lin(key, fan_in, fan_out):
    k1, k2 = jax.random.split(key)
    s = 1.0 / np.sqrt(fan_in)
    W = jax.random.uniform(k1, (fan_in, fan_out), jnp.float32, -s, s)
    b = jax.random.uniform(k2, (fan_out,), jnp.float32, -s, s)
    return W, b


def setup_inputs(seed: int = 0):
    key = jax.random.key(seed)
    ks = jax.random.split(key, 12)
    x = jax.random.normal(ks[0], (N, 3), dtype=jnp.float32)
    edge_index = jax.random.randint(ks[1], (2, E), 0, N, dtype=jnp.int32)
    batch = jnp.sort(jax.random.randint(ks[2], (N,), 0, G, dtype=jnp.int32))
    W1a, b1a = _lin(ks[3], 6, 64)
    W1b, b1b = _lin(ks[4], 64, 64)
    W2a, b2a = _lin(ks[5], 128, 128)
    W2b, b2b = _lin(ks[6], 128, 128)
    W3a, b3a = _lin(ks[7], 256, 256)
    W3b, b3b = _lin(ks[8], 256, 256)
    Wfc, bfc = _lin(ks[9], 256, 128)
    Wd1, bd1 = _lin(ks[10], 128, 256)
    Wd2, bd2 = _lin(ks[11], 256, NUM_POINTS * 3)
    return {"x": x, "edge_index": edge_index, "batch": batch,
            "W1a": W1a, "b1a": b1a, "W1b": W1b, "b1b": b1b,
            "W2a": W2a, "b2a": b2a, "W2b": W2b, "b2b": b2b,
            "W3a": W3a, "b3a": b3a, "W3b": W3b, "b3b": b3b,
            "Wfc": Wfc, "bfc": bfc, "Wd1": Wd1, "bd1": bd1,
            "Wd2": Wd2, "bd2": bd2}


def _edge_conv(x, src, dst, Wa, ba, Wb, bb):
    # EdgeConv (PyG): message = nn(concat([x_i, x_j - x_i])), aggr='max' at target i
    xi = jnp.take(x, dst, axis=0)
    xj = jnp.take(x, src, axis=0)
    m = jnp.concatenate([xi, xj - xi], axis=-1)
    m = jax.nn.relu(m @ Wa + ba) @ Wb + bb
    agg = jax.ops.segment_max(m, dst, num_segments=x.shape[0])
    return jnp.where(jnp.isfinite(agg), agg, 0.0)


def reference(x, edge_index, batch, W1a, b1a, W1b, b1b, W2a, b2a, W2b, b2b,
              W3a, b3a, W3b, b3b, Wfc, bfc, Wd1, bd1, Wd2, bd2):
    src = edge_index[0]
    dst = edge_index[1]
    x1 = _edge_conv(x, src, dst, W1a, b1a, W1b, b1b)
    x2 = _edge_conv(x1, src, dst, W2a, b2a, W2b, b2b)
    x3 = _edge_conv(x2, src, dst, W3a, b3a, W3b, b3b)
    pooled = jax.ops.segment_max(x3, batch, num_segments=G)
    pooled = jnp.where(jnp.isfinite(pooled), pooled, 0.0)
    z = pooled @ Wfc + bfc
    out = jax.nn.relu(z @ Wd1 + bd1) @ Wd2 + bd2
    return out.reshape(-1, NUM_POINTS, 3)

if __name__ == "__main__":
    import jax
    _d = setup_inputs()
    print(jax.jit(kernel)(*tuple(_d.values())))

</pallas_src>

<mosaic_0001>
#map = affine_map<(d0, d1) -> (0)>
#map1 = affine_map<(d0, d1) -> (0, 0)>
module attributes {stable_mosaic.version = 14 : i64} {
  func.func @_gather1_body(%arg0: i32, %arg1: i32, %arg2: memref<12288xi32, #tpu.memory_space<hbm>>, %arg3: memref<163840x128xf32, #tpu.memory_space<hbm>>, %arg4: memref<12288x128xf32, #tpu.memory_space<hbm>>, %arg5: memref<128xi32, #tpu.memory_space<vmem>>, %arg6: memref<128x128xf32, #tpu.memory_space<vmem>>, %arg7: memref<!tpu.dma_semaphore, #tpu.memory_space<semaphore_mem>>) attributes {dimension_semantics = [#tpu.dimension_semantics<core_parallel>, #tpu.dimension_semantics<subcore_parallel>], iteration_bounds = array<i64: 2, 16>, scalar_prefetch = 0 : i64, scratch_operands = 3 : i64, tpu.core_type = #tpu.core_type<sc_vector_subcore>, window_params = [{transform_indices = #map}, {transform_indices = #map1}, {transform_indices = #map1}]} {
    %mul3A = arith.constant 2 : i32
    %mul3A_0 = arith.muli %arg1, %mul3A : i32
    %add3A = arith.addi %mul3A_0, %arg0 : i32
    %scan3A = arith.constant 0 : i32
    %scan3A_1 = arith.constant 0 : i32
    %scan3A_2 = arith.constant 3 : i32
    %scan3A_3 = arith.addi %scan3A_1, %scan3A_2 : i32
    %scan3A_4 = arith.constant 1 : i32
    scf.for %scan3A_6 = %scan3A_1 to %scan3A_3 step %scan3A_4  : i32 {
      %mul3A_7 = arith.constant 3 : i32
      %mul3A_8 = arith.muli %add3A, %mul3A_7 : i32
      %add3A_9 = arith.addi %mul3A_8, %scan3A_6 : i32
      %mul3A_10 = arith.constant 128 : i32
      %mul3A_11 = arith.muli %add3A_9, %mul3A_10 : i32
      "tpu.region"() ({
        %run_scoped3A = tpu.sem_alloc : memref<!tpu.dma_semaphore, #tpu.memory_space<semaphore_mem>>
        %dma_start3A_16 = tpu.memref_slice %arg2[%mul3A_11] : memref<12288xi32, #tpu.memory_space<hbm>> -> memref<128xi32, #tpu.memory_space<hbm>>
        %dma_start3A_17 = tpu.memref_slice %arg2[%mul3A_11] : memref<12288xi32, #tpu.memory_space<hbm>> -> memref<128xi32, #tpu.memory_space<hbm>>
        tpu.enqueue_dma source(%dma_start3A_17 : memref<128xi32, #tpu.memory_space<hbm>>) target(%arg5 : memref<128xi32, #tpu.memory_space<vmem>>) target_semaphore(%run_scoped3A : memref<!tpu.dma_semaphore, #tpu.memory_space<semaphore_mem>>)
        %dma_wait3A_18 = tpu.memref_slice %arg2[%mul3A_11] : memref<12288xi32, #tpu.memory_space<hbm>> -> memref<128xi32, #tpu.memory_space<hbm>>
        %dma_wait3A_19 = tpu.memref_slice %arg2[%mul3A_11] : memref<12288xi32, #tpu.memory_space<hbm>> -> memref<128xi32, #tpu.memory_space<hbm>>
        tpu.wait_dma2 semaphore(%run_scoped3A : memref<!tpu.dma_semaphore, #tpu.memory_space<semaphore_mem>>) src(%dma_wait3A_19 : memref<128xi32, #tpu.memory_space<hbm>>) dst(%arg5 : memref<128xi32, #tpu.memory_space<vmem>>)
        tpu.yield
      }) : () -> ()
      %dma_start3A = arith.constant 0 : i32
      %dma_start3A_12 = arith.constant 0 : i32
      %dma_start3A_13 = tpu.memref_slice %arg3[%dma_start3A, %dma_start3A_12] : memref<163840x128xf32, #tpu.memory_space<hbm>> -> memref<163840x128xf32, #tpu.memory_space<hbm>>
      tpu.enqueue_indirect_dma source(%dma_start3A_13 : memref<163840x128xf32, #tpu.memory_space<hbm>>) target(%arg6 : memref<128x128xf32, #tpu.memory_space<vmem>>) offsets(%arg5 : memref<128xi32, #tpu.memory_space<vmem>>) semaphore(%arg7 : memref<!tpu.dma_semaphore, #tpu.memory_space<semaphore_mem>>)
      %dma_wait3A = arith.constant 0 : i32
      %dma_wait3A_14 = arith.constant 0 : i32
      %dma_wait3A_15 = tpu.memref_slice %arg3[%dma_wait3A, %dma_wait3A_14] : memref<163840x128xf32, #tpu.memory_space<hbm>> -> memref<163840x128xf32, #tpu.memory_space<hbm>>
      tpu.wait_indirect_dma semaphore(%arg7 : memref<!tpu.dma_semaphore, #tpu.memory_space<semaphore_mem>>) src(%dma_wait3A_15 : memref<163840x128xf32, #tpu.memory_space<hbm>>) dst(%arg6 : memref<128x128xf32, #tpu.memory_space<vmem>>)
      "tpu.region"() ({
        %run_scoped3A = tpu.sem_alloc : memref<!tpu.dma_semaphore, #tpu.memory_space<semaphore_mem>>
        %dma_start3A_16 = arith.constant 0 : i32
        %dma_start3A_17 = tpu.memref_slice %arg4[%mul3A_11, %dma_start3A_16] : memref<12288x128xf32, #tpu.memory_space<hbm>> -> memref<128x128xf32, #tpu.memory_space<hbm>>
        %dma_start3A_18 = arith.constant 0 : i32
        %dma_start3A_19 = tpu.memref_slice %arg4[%mul3A_11, %dma_start3A_18] : memref<12288x128xf32, #tpu.memory_space<hbm>> -> memref<128x128xf32, #tpu.memory_space<hbm>>
        tpu.enqueue_dma source(%arg6 : memref<128x128xf32, #tpu.memory_space<vmem>>) target(%dma_start3A_19 : memref<128x128xf32, #tpu.memory_space<hbm>>) target_semaphore(%run_scoped3A : memref<!tpu.dma_semaphore, #tpu.memory_space<semaphore_mem>>)
        %dma_wait3A_20 = arith.constant 0 : i32
        %dma_wait3A_21 = tpu.memref_slice %arg4[%mul3A_11, %dma_wait3A_20] : memref<12288x128xf32, #tpu.memory_space<hbm>> -> memref<128x128xf32, #tpu.memory_space<hbm>>
        %dma_wait3A_22 = arith.constant 0 : i32
        %dma_wait3A_23 = tpu.memref_slice %arg4[%mul3A_11, %dma_wait3A_22] : memref<12288x128xf32, #tpu.memory_space<hbm>> -> memref<128x128xf32, #tpu.memory_space<hbm>>
        tpu.wait_dma2 semaphore(%run_scoped3A : memref<!tpu.dma_semaphore, #tpu.memory_space<semaphore_mem>>) src(%arg6 : memref<128x128xf32, #tpu.memory_space<vmem>>) dst(%dma_wait3A_23 : memref<128x128xf32, #tpu.memory_space<hbm>>)
        tpu.yield
      }) : () -> ()
    }
    %scan3A_5 = arith.constant 3 : i32
    return
  }
}

#map = affine_map<(d0, d1) -> (0)>
#map1 = affine_map<(d0, d1) -> (0, 0)>
module attributes {stable_mosaic.version = 14 : i64} {
  func.func @_gather2_body(%arg0: i32, %arg1: i32, %arg2: memref<163840xi32, #tpu.memory_space<hbm>>, %arg3: memref<163840xi32, #tpu.memory_space<hbm>>, %arg4: memref<10000x128xf32, #tpu.memory_space<hbm>>, %arg5: memref<10000x128xf32, #tpu.memory_space<hbm>>, %arg6: memref<163840x128xf32, #tpu.memory_space<hbm>>, %arg7: memref<163840x128xf32, #tpu.memory_space<hbm>>, %arg8: memref<128xi32, #tpu.memory_space<vmem>>, %arg9: memref<128xi32, #tpu.memory_space<vmem>>, %arg10: memref<128x128xf32, #tpu.memory_space<vmem>>, %arg11: memref<128x128xf32, #tpu.memory_space<vmem>>, %arg12: memref<!tpu.dma_semaphore, #tpu.memory_space<semaphore_mem>>) attributes {dimension_semantics = [#tpu.dimension_semantics<core_parallel>, #tpu.dimension_semantics<subcore_parallel>], iteration_bounds = array<i64: 2, 16>, scalar_prefetch = 0 : i64, scratch_operands = 5 : i64, tpu.core_type = #tpu.core_type<sc_vector_subcore>, window_params = [{transform_indices = #map}, {transform_indices = #map}, {transform_indices = #map1}, {transform_indices = #map1}, {transform_indices = #map1}, {transform_indices = #map1}]} {
    %mul3A = arith.constant 2 : i32
    %mul3A_0 = arith.muli %arg1, %mul3A : i32
    %add3A = arith.addi %mul3A_0, %arg0 : i32
    %scan3A = arith.constant 0 : i32
    %scan3A_1 = arith.constant 0 : i32
    %scan3A_2 = arith.constant 40 : i32
    %scan3A_3 = arith.addi %scan3A_1, %scan3A_2 : i32
    %scan3A_4 = arith.constant 1 : i32
    scf.for %scan3A_6 = %scan3A_1 to %scan3A_3 step %scan3A_4  : i32 {
      %mul3A_7 = arith.constant 40 : i32
      %mul3A_8 = arith.muli %add3A, %mul3A_7 : i32
      %add3A_9 = arith.addi %mul3A_8, %scan3A_6 : i32
      %mul3A_10 = arith.constant 128 : i32
      %mul3A_11 = arith.muli %add3A_9, %mul3A_10 : i32
      "tpu.region"() ({
        %run_scoped3A = tpu.sem_alloc : memref<!tpu.dma_semaphore, #tpu.memory_space<semaphore_mem>>
        %dma_start3A_22 = tpu.memref_slice %arg2[%mul3A_11] : memref<163840xi32, #tpu.memory_space<hbm>> -> memref<128xi32, #tpu.memory_space<hbm>>
        %dma_start3A_23 = tpu.memref_slice %arg2[%mul3A_11] : memref<163840xi32, #tpu.memory_space<hbm>> -> memref<128xi32, #tpu.memory_space<hbm>>
        tpu.enqueue_dma source(%dma_start3A_23 : memref<128xi32, #tpu.memory_space<hbm>>) target(%arg8 : memref<128xi32, #tpu.memory_space<vmem>>) target_semaphore(%run_scoped3A : memref<!tpu.dma_semaphore, #tpu.memory_space<semaphore_mem>>)
        %dma_wait3A_24 = tpu.memref_slice %arg2[%mul3A_11] : memref<163840xi32, #tpu.memory_space<hbm>> -> memref<128xi32, #tpu.memory_space<hbm>>
        %dma_wait3A_25 = tpu.memref_slice %arg2[%mul3A_11] : memref<163840xi32, #tpu.memory_space<hbm>> -> memref<128xi32, #tpu.memory_space<hbm>>
        tpu.wait_dma2 semaphore(%run_scoped3A : memref<!tpu.dma_semaphore, #tpu.memory_space<semaphore_mem>>) src(%dma_wait3A_25 : memref<128xi32, #tpu.memory_space<hbm>>) dst(%arg8 : memref<128xi32, #tpu.memory_space<vmem>>)
        tpu.yield
      }) : () -> ()
      "tpu.region"() ({
        %run_scoped3A = tpu.sem_alloc : memref<!tpu.dma_semaphore, #tpu.memory_space<semaphore_mem>>
        %dma_start3A_22 = tpu.memref_slice %arg3[%mul3A_11] : memref<163840xi32, #tpu.memory_space<hbm>> -> memref<128xi32, #tpu.memory_space<hbm>>
        %dma_start3A_23 = tpu.memref_slice %arg3[%mul3A_11] : memref<163840xi32, #tpu.memory_space<hbm>> -> memref<128xi32, #tpu.memory_space<hbm>>
        tpu.enqueue_dma source(%dma_start3A_23 : memref<128xi32, #tpu.memory_space<hbm>>) target(%arg9 : memref<128xi32, #tpu.memory_space<vmem>>) target_semaphore(%run_scoped3A : memref<!tpu.dma_semaphore, #tpu.memory_space<semaphore_mem>>)
        %dma_wait3A_24 = tpu.memref_slice %arg3[%mul3A_11] : memref<163840xi32, #tpu.memory_space<hbm>> -> memref<128xi32, #tpu.memory_space<hbm>>
        %dma_wait3A_25 = tpu.memref_slice %arg3[%mul3A_11] : memref<163840xi32, #tpu.memory_space<hbm>> -> memref<128xi32, #tpu.memory_space<hbm>>
        tpu.wait_dma2 semaphore(%run_scoped3A : memref<!tpu.dma_semaphore, #tpu.memory_space<semaphore_mem>>) src(%dma_wait3A_25 : memref<128xi32, #tpu.memory_space<hbm>>) dst(%arg9 : memref<128xi32, #tpu.memory_space<vmem>>)
        tpu.yield
      }) : () -> ()
      %dma_start3A = arith.constant 0 : i32
      %dma_start3A_12 = arith.constant 0 : i32
      %dma_start3A_13 = tpu.memref_slice %arg4[%dma_start3A, %dma_start3A_12] : memref<10000x128xf32, #tpu.memory_space<hbm>> -> memref<10000x128xf32, #tpu.memory_space<hbm>>
      tpu.enqueue_indirect_dma source(%dma_start3A_13 : memref<10000x128xf32, #tpu.memory_space<hbm>>) target(%arg10 : memref<128x128xf32, #tpu.memory_space<vmem>>) offsets(%arg8 : memref<128xi32, #tpu.memory_space<vmem>>) semaphore(%arg12 : memref<!tpu.dma_semaphore, #tpu.memory_space<semaphore_mem>>)
      %dma_wait3A = arith.constant 0 : i32
      %dma_wait3A_14 = arith.constant 0 : i32
      %dma_wait3A_15 = tpu.memref_slice %arg4[%dma_wait3A, %dma_wait3A_14] : memref<10000x128xf32, #tpu.memory_space<hbm>> -> memref<10000x128xf32, #tpu.memory_space<hbm>>
      tpu.wait_indirect_dma semaphore(%arg12 : memref<!tpu.dma_semaphore, #tpu.memory_space<semaphore_mem>>) src(%dma_wait3A_15 : memref<10000x128xf32, #tpu.memory_space<hbm>>) dst(%arg10 : memref<128x128xf32, #tpu.memory_space<vmem>>)
      %dma_start3A_16 = arith.constant 0 : i32
      %dma_start3A_17 = arith.constant 0 : i32
      %dma_start3A_18 = tpu.memref_slice %arg5[%dma_start3A_16, %dma_start3A_17] : memref<10000x128xf32, #tpu.memory_space<hbm>> -> memref<10000x128xf32, #tpu.memory_space<hbm>>
      tpu.enqueue_indirect_dma source(%dma_start3A_18 : memref<10000x128xf32, #tpu.memory_space<hbm>>) target(%arg11 : memref<128x128xf32, #tpu.memory_space<vmem>>) offsets(%arg9 : memref<128xi32, #tpu.memory_space<vmem>>) semaphore(%arg12 : memref<!tpu.dma_semaphore, #tpu.memory_space<semaphore_mem>>)
      %dma_wait3A_19 = arith.constant 0 : i32
      %dma_wait3A_20 = arith.constant 0 : i32
      %dma_wait3A_21 = tpu.memref_slice %arg5[%dma_wait3A_19, %dma_wait3A_20] : memref<10000x128xf32, #tpu.memory_space<hbm>> -> memref<10000x128xf32, #tpu.memory_space<hbm>>
      tpu.wait_indirect_dma semaphore(%arg12 : memref<!tpu.dma_semaphore, #tpu.memory_space<semaphore_mem>>) src(%dma_wait3A_21 : memref<10000x128xf32, #tpu.memory_space<hbm>>) dst(%arg11 : memref<128x128xf32, #tpu.memory_space<vmem>>)
      "tpu.region"() ({
        %run_scoped3A = tpu.sem_alloc : memref<!tpu.dma_semaphore, #tpu.memory_space<semaphore_mem>>
        %dma_start3A_22 = arith.constant 0 : i32
        %dma_start3A_23 = tpu.memref_slice %arg6[%mul3A_11, %dma_start3A_22] : memref<163840x128xf32, #tpu.memory_space<hbm>> -> memref<128x128xf32, #tpu.memory_space<hbm>>
        %dma_start3A_24 = arith.constant 0 : i32
        %dma_start3A_25 = tpu.memref_slice %arg6[%mul3A_11, %dma_start3A_24] : memref<163840x128xf32, #tpu.memory_space<hbm>> -> memref<128x128xf32, #tpu.memory_space<hbm>>
        tpu.enqueue_dma source(%arg10 : memref<128x128xf32, #tpu.memory_space<vmem>>) target(%dma_start3A_25 : memref<128x128xf32, #tpu.memory_space<hbm>>) target_semaphore(%run_scoped3A : memref<!tpu.dma_semaphore, #tpu.memory_space<semaphore_mem>>)
        %dma_wait3A_26 = arith.constant 0 : i32
        %dma_wait3A_27 = tpu.memref_slice %arg6[%mul3A_11, %dma_wait3A_26] : memref<163840x128xf32, #tpu.memory_space<hbm>> -> memref<128x128xf32, #tpu.memory_space<hbm>>
        %dma_wait3A_28 = arith.constant 0 : i32
        %dma_wait3A_29 = tpu.memref_slice %arg6[%mul3A_11, %dma_wait3A_28] : memref<163840x128xf32, #tpu.memory_space<hbm>> -> memref<128x128xf32, #tpu.memory_space<hbm>>
        tpu.wait_dma2 semaphore(%run_scoped3A : memref<!tpu.dma_semaphore, #tpu.memory_space<semaphore_mem>>) src(%arg10 : memref<128x128xf32, #tpu.memory_space<vmem>>) dst(%dma_wait3A_29 : memref<128x128xf32, #tpu.memory_space<hbm>>)
        tpu.yield
      }) : () -> ()
      "tpu.region"() ({
        %run_scoped3A = tpu.sem_alloc : memref<!tpu.dma_semaphore, #tpu.memory_space<semaphore_mem>>
        %dma_start3A_22 = arith.constant 0 : i32
        %dma_start3A_23 = tpu.memref_slice %arg7[%mul3A_11, %dma_start3A_22] : memref<163840x128xf32, #tpu.memory_space<hbm>> -> memref<128x128xf32, #tpu.memory_space<hbm>>
        %dma_start3A_24 = arith.constant 0 : i32
        %dma_start3A_25 = tpu.memref_slice %arg7[%mul3A_11, %dma_start3A_24] : memref<163840x128xf32, #tpu.memory_space<hbm>> -> memref<128x128xf32, #tpu.memory_space<hbm>>
        tpu.enqueue_dma source(%arg11 : memref<128x128xf32, #tpu.memory_space<vmem>>) target(%dma_start3A_25 : memref<128x128xf32, #tpu.memory_space<hbm>>) target_semaphore(%run_scoped3A : memref<!tpu.dma_semaphore, #tpu.memory_space<semaphore_mem>>)
        %dma_wait3A_26 = arith.constant 0 : i32
        %dma_wait3A_27 = tpu.memref_slice %arg7[%mul3A_11, %dma_wait3A_26] : memref<163840x128xf32, #tpu.memory_space<hbm>> -> memref<128x128xf32, #tpu.memory_space<hbm>>
        %dma_wait3A_28 = arith.constant 0 : i32
        %dma_wait3A_29 = tpu.memref_slice %arg7[%mul3A_11, %dma_wait3A_28] : memref<163840x128xf32, #tpu.memory_space<hbm>> -> memref<128x128xf32, #tpu.memory_space<hbm>>
        tpu.wait_dma2 semaphore(%run_scoped3A : memref<!tpu.dma_semaphore, #tpu.memory_space<semaphore_mem>>) src(%arg11 : memref<128x128xf32, #tpu.memory_space<vmem>>) dst(%dma_wait3A_29 : memref<128x128xf32, #tpu.memory_space<hbm>>)
        tpu.yield
      }) : () -> ()
    }
    %scan3A_5 = arith.constant 40 : i32
    return
  }
}

#map = affine_map<(d0, d1) -> (0)>
#map1 = affine_map<(d0, d1) -> (0, 0)>
module attributes {stable_mosaic.version = 14 : i64} {
  func.func @_gather2_body(%arg0: i32, %arg1: i32, %arg2: memref<163840xi32, #tpu.memory_space<hbm>>, %arg3: memref<163840xi32, #tpu.memory_space<hbm>>, %arg4: memref<10000x128xf32, #tpu.memory_space<hbm>>, %arg5: memref<10000x128xf32, #tpu.memory_space<hbm>>, %arg6: memref<163840x128xf32, #tpu.memory_space<hbm>>, %arg7: memref<163840x128xf32, #tpu.memory_space<hbm>>, %arg8: memref<128xi32, #tpu.memory_space<vmem>>, %arg9: memref<128xi32, #tpu.memory_space<vmem>>, %arg10: memref<128x128xf32, #tpu.memory_space<vmem>>, %arg11: memref<128x128xf32, #tpu.memory_space<vmem>>, %arg12: memref<!tpu.dma_semaphore, #tpu.memory_space<semaphore_mem>>) attributes {dimension_semantics = [#tpu.dimension_semantics<core_parallel>, #tpu.dimension_semantics<subcore_parallel>], iteration_bounds = array<i64: 2, 16>, scalar_prefetch = 0 : i64, scratch_operands = 5 : i64, tpu.core_type = #tpu.core_type<sc_vector_subcore>, window_params = [{transform_indices = #map}, {transform_indices = #map}, {transform_indices = #map1}, {transform_indices = #map1}, {transform_indices = #map1}, {transform_indices = #map1}]} {
    %mul3A = arith.constant 2 : i32
    %mul3A_0 = arith.muli %arg1, %mul3A : i32
    %add3A = arith.addi %mul3A_0, %arg0 : i32
    %scan3A = arith.constant 0 : i32
    %scan3A_1 = arith.constant 0 : i32
    %scan3A_2 = arith.constant 40 : i32
    %scan3A_3 = arith.addi %scan3A_1, %scan3A_2 : i32
    %scan3A_4 = arith.constant 1 : i32
    scf.for %scan3A_6 = %scan3A_1 to %scan3A_3 step %scan3A_4  : i32 {
      %mul3A_7 = arith.constant 40 : i32
      %mul3A_8 = arith.muli %add3A, %mul3A_7 : i32
      %add3A_9 = arith.addi %mul3A_8, %scan3A_6 : i32
      %mul3A_10 = arith.constant 128 : i32
      %mul3A_11 = arith.muli %add3A_9, %mul3A_10 : i32
      "tpu.region"() ({
        %run_scoped3A = tpu.sem_alloc : memref<!tpu.dma_semaphore, #tpu.memory_space<semaphore_mem>>
        %dma_start3A_22 = tpu.memref_slice %arg2[%mul3A_11] : memref<163840xi32, #tpu.memory_space<hbm>> -> memref<128xi32, #tpu.memory_space<hbm>>
        %dma_start3A_23 = tpu.memref_slice %arg2[%mul3A_11] : memref<163840xi32, #tpu.memory_space<hbm>> -> memref<128xi32, #tpu.memory_space<hbm>>
        tpu.enqueue_dma source(%dma_start3A_23 : memref<128xi32, #tpu.memory_space<hbm>>) target(%arg8 : memref<128xi32, #tpu.memory_space<vmem>>) target_semaphore(%run_scoped3A : memref<!tpu.dma_semaphore, #tpu.memory_space<semaphore_mem>>)
        %dma_wait3A_24 = tpu.memref_slice %arg2[%mul3A_11] : memref<163840xi32, #tpu.memory_space<hbm>> -> memref<128xi32, #tpu.memory_space<hbm>>
        %dma_wait3A_25 = tpu.memref_slice %arg2[%mul3A_11] : memref<163840xi32, #tpu.memory_space<hbm>> -> memref<128xi32, #tpu.memory_space<hbm>>
        tpu.wait_dma2 semaphore(%run_scoped3A : memref<!tpu.dma_semaphore, #tpu.memory_space<semaphore_mem>>) src(%dma_wait3A_25 : memref<128xi32, #tpu.memory_space<hbm>>) dst(%arg8 : memref<128xi32, #tpu.memory_space<vmem>>)
        tpu.yield
      }) : () -> ()
      "tpu.region"() ({
        %run_scoped3A = tpu.sem_alloc : memref<!tpu.dma_semaphore, #tpu.memory_space<semaphore_mem>>
        %dma_start3A_22 = tpu.memref_slice %arg3[%mul3A_11] : memref<163840xi32, #tpu.memory_space<hbm>> -> memref<128xi32, #tpu.memory_space<hbm>>
        %dma_start3A_23 = tpu.memref_slice %arg3[%mul3A_11] : memref<163840xi32, #tpu.memory_space<hbm>> -> memref<128xi32, #tpu.memory_space<hbm>>
        tpu.enqueue_dma source(%dma_start3A_23 : memref<128xi32, #tpu.memory_space<hbm>>) target(%arg9 : memref<128xi32, #tpu.memory_space<vmem>>) target_semaphore(%run_scoped3A : memref<!tpu.dma_semaphore, #tpu.memory_space<semaphore_mem>>)
        %dma_wait3A_24 = tpu.memref_slice %arg3[%mul3A_11] : memref<163840xi32, #tpu.memory_space<hbm>> -> memref<128xi32, #tpu.memory_space<hbm>>
        %dma_wait3A_25 = tpu.memref_slice %arg3[%mul3A_11] : memref<163840xi32, #tpu.memory_space<hbm>> -> memref<128xi32, #tpu.memory_space<hbm>>
        tpu.wait_dma2 semaphore(%run_scoped3A : memref<!tpu.dma_semaphore, #tpu.memory_space<semaphore_mem>>) src(%dma_wait3A_25 : memref<128xi32, #tpu.memory_space<hbm>>) dst(%arg9 : memref<128xi32, #tpu.memory_space<vmem>>)
        tpu.yield
      }) : () -> ()
      %dma_start3A = arith.constant 0 : i32
      %dma_start3A_12 = arith.constant 0 : i32
      %dma_start3A_13 = tpu.memref_slice %arg4[%dma_start3A, %dma_start3A_12] : memref<10000x128xf32, #tpu.memory_space<hbm>> -> memref<10000x128xf32, #tpu.memory_space<hbm>>
      tpu.enqueue_indirect_dma source(%dma_start3A_13 : memref<10000x128xf32, #tpu.memory_space<hbm>>) target(%arg10 : memref<128x128xf32, #tpu.memory_space<vmem>>) offsets(%arg8 : memref<128xi32, #tpu.memory_space<vmem>>) semaphore(%arg12 : memref<!tpu.dma_semaphore, #tpu.memory_space<semaphore_mem>>)
      %dma_wait3A = arith.constant 0 : i32
      %dma_wait3A_14 = arith.constant 0 : i32
      %dma_wait3A_15 = tpu.memref_slice %arg4[%dma_wait3A, %dma_wait3A_14] : memref<10000x128xf32, #tpu.memory_space<hbm>> -> memref<10000x128xf32, #tpu.memory_space<hbm>>
      tpu.wait_indirect_dma semaphore(%arg12 : memref<!tpu.dma_semaphore, #tpu.memory_space<semaphore_mem>>) src(%dma_wait3A_15 : memref<10000x128xf32, #tpu.memory_space<hbm>>) dst(%arg10 : memref<128x128xf32, #tpu.memory_space<vmem>>)
      %dma_start3A_16 = arith.constant 0 : i32
      %dma_start3A_17 = arith.constant 0 : i32
      %dma_start3A_18 = tpu.memref_slice %arg5[%dma_start3A_16, %dma_start3A_17] : memref<10000x128xf32, #tpu.memory_space<hbm>> -> memref<10000x128xf32, #tpu.memory_space<hbm>>
      tpu.enqueue_indirect_dma source(%dma_start3A_18 : memref<10000x128xf32, #tpu.memory_space<hbm>>) target(%arg11 : memref<128x128xf32, #tpu.memory_space<vmem>>) offsets(%arg9 : memref<128xi32, #tpu.memory_space<vmem>>) semaphore(%arg12 : memref<!tpu.dma_semaphore, #tpu.memory_space<semaphore_mem>>)
      %dma_wait3A_19 = arith.constant 0 : i32
      %dma_wait3A_20 = arith.constant 0 : i32
      %dma_wait3A_21 = tpu.memref_slice %arg5[%dma_wait3A_19, %dma_wait3A_20] : memref<10000x128xf32, #tpu.memory_space<hbm>> -> memref<10000x128xf32, #tpu.memory_space<hbm>>
      tpu.wait_indirect_dma semaphore(%arg12 : memref<!tpu.dma_semaphore, #tpu.memory_space<semaphore_mem>>) src(%dma_wait3A_21 : memref<10000x128xf32, #tpu.memory_space<hbm>>) dst(%arg11 : memref<128x128xf32, #tpu.memory_space<vmem>>)
      "tpu.region"() ({
        %run_scoped3A = tpu.sem_alloc : memref<!tpu.dma_semaphore, #tpu.memory_space<semaphore_mem>>
        %dma_start3A_22 = arith.constant 0 : i32
        %dma_start3A_23 = tpu.memref_slice %arg6[%mul3A_11, %dma_start3A_22] : memref<163840x128xf32, #tpu.memory_space<hbm>> -> memref<128x128xf32, #tpu.memory_space<hbm>>
        %dma_start3A_24 = arith.constant 0 : i32
        %dma_start3A_25 = tpu.memref_slice %arg6[%mul3A_11, %dma_start3A_24] : memref<163840x128xf32, #tpu.memory_space<hbm>> -> memref<128x128xf32, #tpu.memory_space<hbm>>
        tpu.enqueue_dma source(%arg10 : memref<128x128xf32, #tpu.memory_space<vmem>>) target(%dma_start3A_25 : memref<128x128xf32, #tpu.memory_space<hbm>>) target_semaphore(%run_scoped3A : memref<!tpu.dma_semaphore, #tpu.memory_space<semaphore_mem>>)
        %dma_wait3A_26 = arith.constant 0 : i32
        %dma_wait3A_27 = tpu.memref_slice %arg6[%mul3A_11, %dma_wait3A_26] : memref<163840x128xf32, #tpu.memory_space<hbm>> -> memref<128x128xf32, #tpu.memory_space<hbm>>
        %dma_wait3A_28 = arith.constant 0 : i32
        %dma_wait3A_29 = tpu.memref_slice %arg6[%mul3A_11, %dma_wait3A_28] : memref<163840x128xf32, #tpu.memory_space<hbm>> -> memref<128x128xf32, #tpu.memory_space<hbm>>
        tpu.wait_dma2 semaphore(%run_scoped3A : memref<!tpu.dma_semaphore, #tpu.memory_space<semaphore_mem>>) src(%arg10 : memref<128x128xf32, #tpu.memory_space<vmem>>) dst(%dma_wait3A_29 : memref<128x128xf32, #tpu.memory_space<hbm>>)
        tpu.yield
      }) : () -> ()
      "tpu.region"() ({
        %run_scoped3A = tpu.sem_alloc : memref<!tpu.dma_semaphore, #tpu.memory_space<semaphore_mem>>
        %dma_start3A_22 = arith.constant 0 : i32
        %dma_start3A_23 = tpu.memref_slice %arg7[%mul3A_11, %dma_start3A_22] : memref<163840x128xf32, #tpu.memory_space<hbm>> -> memref<128x128xf32, #tpu.memory_space<hbm>>
        %dma_start3A_24 = arith.constant 0 : i32
        %dma_start3A_25 = tpu.memref_slice %arg7[%mul3A_11, %dma_start3A_24] : memref<163840x128xf32, #tpu.memory_space<hbm>> -> memref<128x128xf32, #tpu.memory_space<hbm>>
        tpu.enqueue_dma source(%arg11 : memref<128x128xf32, #tpu.memory_space<vmem>>) target(%dma_start3A_25 : memref<128x128xf32, #tpu.memory_space<hbm>>) target_semaphore(%run_scoped3A : memref<!tpu.dma_semaphore, #tpu.memory_space<semaphore_mem>>)
        %dma_wait3A_26 = arith.constant 0 : i32
        %dma_wait3A_27 = tpu.memref_slice %arg7[%mul3A_11, %dma_wait3A_26] : memref<163840x128xf32, #tpu.memory_space<hbm>> -> memref<128x128xf32, #tpu.memory_space<hbm>>
        %dma_wait3A_28 = arith.constant 0 : i32
        %dma_wait3A_29 = tpu.memref_slice %arg7[%mul3A_11, %dma_wait3A_28] : memref<163840x128xf32, #tpu.memory_space<hbm>> -> memref<128x128xf32, #tpu.memory_space<hbm>>
        tpu.wait_dma2 semaphore(%run_scoped3A : memref<!tpu.dma_semaphore, #tpu.memory_space<semaphore_mem>>) src(%arg11 : memref<128x128xf32, #tpu.memory_space<vmem>>) dst(%dma_wait3A_29 : memref<128x128xf32, #tpu.memory_space<hbm>>)
        tpu.yield
      }) : () -> ()
    }
    %scan3A_5 = arith.constant 40 : i32
    return
  }
}

#map = affine_map<(d0, d1) -> (0)>
#map1 = affine_map<(d0, d1) -> (0, 0)>
module attributes {stable_mosaic.version = 14 : i64} {
  func.func @_gather1_body(%arg0: i32, %arg1: i32, %arg2: memref<12288xi32, #tpu.memory_space<hbm>>, %arg3: memref<163840x128xf32, #tpu.memory_space<hbm>>, %arg4: memref<12288x128xf32, #tpu.memory_space<hbm>>, %arg5: memref<128xi32, #tpu.memory_space<vmem>>, %arg6: memref<128x128xf32, #tpu.memory_space<vmem>>, %arg7: memref<!tpu.dma_semaphore, #tpu.memory_space<semaphore_mem>>) attributes {dimension_semantics = [#tpu.dimension_semantics<core_parallel>, #tpu.dimension_semantics<subcore_parallel>], iteration_bounds = array<i64: 2, 16>, scalar_prefetch = 0 : i64, scratch_operands = 3 : i64, tpu.core_type = #tpu.core_type<sc_vector_subcore>, window_params = [{transform_indices = #map}, {transform_indices = #map1}, {transform_indices = #map1}]} {
    %mul3A = arith.constant 2 : i32
    %mul3A_0 = arith.muli %arg1, %mul3A : i32
    %add3A = arith.addi %mul3A_0, %arg0 : i32
    %scan3A = arith.constant 0 : i32
    %scan3A_1 = arith.constant 0 : i32
    %scan3A_2 = arith.constant 3 : i32
    %scan3A_3 = arith.addi %scan3A_1, %scan3A_2 : i32
    %scan3A_4 = arith.constant 1 : i32
    scf.for %scan3A_6 = %scan3A_1 to %scan3A_3 step %scan3A_4  : i32 {
      %mul3A_7 = arith.constant 3 : i32
      %mul3A_8 = arith.muli %add3A, %mul3A_7 : i32
      %add3A_9 = arith.addi %mul3A_8, %scan3A_6 : i32
      %mul3A_10 = arith.constant 128 : i32
      %mul3A_11 = arith.muli %add3A_9, %mul3A_10 : i32
      "tpu.region"() ({
        %run_scoped3A = tpu.sem_alloc : memref<!tpu.dma_semaphore, #tpu.memory_space<semaphore_mem>>
        %dma_start3A_16 = tpu.memref_slice %arg2[%mul3A_11] : memref<12288xi32, #tpu.memory_space<hbm>> -> memref<128xi32, #tpu.memory_space<hbm>>
        %dma_start3A_17 = tpu.memref_slice %arg2[%mul3A_11] : memref<12288xi32, #tpu.memory_space<hbm>> -> memref<128xi32, #tpu.memory_space<hbm>>
        tpu.enqueue_dma source(%dma_start3A_17 : memref<128xi32, #tpu.memory_space<hbm>>) target(%arg5 : memref<128xi32, #tpu.memory_space<vmem>>) target_semaphore(%run_scoped3A : memref<!tpu.dma_semaphore, #tpu.memory_space<semaphore_mem>>)
        %dma_wait3A_18 = tpu.memref_slice %arg2[%mul3A_11] : memref<12288xi32, #tpu.memory_space<hbm>> -> memref<128xi32, #tpu.memory_space<hbm>>
        %dma_wait3A_19 = tpu.memref_slice %arg2[%mul3A_11] : memref<12288xi32, #tpu.memory_space<hbm>> -> memref<128xi32, #tpu.memory_space<hbm>>
        tpu.wait_dma2 semaphore(%run_scoped3A : memref<!tpu.dma_semaphore, #tpu.memory_space<semaphore_mem>>) src(%dma_wait3A_19 : memref<128xi32, #tpu.memory_space<hbm>>) dst(%arg5 : memref<128xi32, #tpu.memory_space<vmem>>)
        tpu.yield
      }) : () -> ()
      %dma_start3A = arith.constant 0 : i32
      %dma_start3A_12 = arith.constant 0 : i32
      %dma_start3A_13 = tpu.memref_slice %arg3[%dma_start3A, %dma_start3A_12] : memref<163840x128xf32, #tpu.memory_space<hbm>> -> memref<163840x128xf32, #tpu.memory_space<hbm>>
      tpu.enqueue_indirect_dma source(%dma_start3A_13 : memref<163840x128xf32, #tpu.memory_space<hbm>>) target(%arg6 : memref<128x128xf32, #tpu.memory_space<vmem>>) offsets(%arg5 : memref<128xi32, #tpu.memory_space<vmem>>) semaphore(%arg7 : memref<!tpu.dma_semaphore, #tpu.memory_space<semaphore_mem>>)
      %dma_wait3A = arith.constant 0 : i32
      %dma_wait3A_14 = arith.constant 0 : i32
      %dma_wait3A_15 = tpu.memref_slice %arg3[%dma_wait3A, %dma_wait3A_14] : memref<163840x128xf32, #tpu.memory_space<hbm>> -> memref<163840x128xf32, #tpu.memory_space<hbm>>
      tpu.wait_indirect_dma semaphore(%arg7 : memref<!tpu.dma_semaphore, #tpu.memory_space<semaphore_mem>>) src(%dma_wait3A_15 : memref<163840x128xf32, #tpu.memory_space<hbm>>) dst(%arg6 : memref<128x128xf32, #tpu.memory_space<vmem>>)
      "tpu.region"() ({
        %run_scoped3A = tpu.sem_alloc : memref<!tpu.dma_semaphore, #tpu.memory_space<semaphore_mem>>
        %dma_start3A_16 = arith.constant 0 : i32
        %dma_start3A_17 = tpu.memref_slice %arg4[%mul3A_11, %dma_start3A_16] : memref<12288x128xf32, #tpu.memory_space<hbm>> -> memref<128x128xf32, #tpu.memory_space<hbm>>
        %dma_start3A_18 = arith.constant 0 : i32
        %dma_start3A_19 = tpu.memref_slice %arg4[%mul3A_11, %dma_start3A_18] : memref<12288x128xf32, #tpu.memory_space<hbm>> -> memref<128x128xf32, #tpu.memory_space<hbm>>
        tpu.enqueue_dma source(%arg6 : memref<128x128xf32, #tpu.memory_space<vmem>>) target(%dma_start3A_19 : memref<128x128xf32, #tpu.memory_space<hbm>>) target_semaphore(%run_scoped3A : memref<!tpu.dma_semaphore, #tpu.memory_space<semaphore_mem>>)
        %dma_wait3A_20 = arith.constant 0 : i32
        %dma_wait3A_21 = tpu.memref_slice %arg4[%mul3A_11, %dma_wait3A_20] : memref<12288x128xf32, #tpu.memory_space<hbm>> -> memref<128x128xf32, #tpu.memory_space<hbm>>
        %dma_wait3A_22 = arith.constant 0 : i32
        %dma_wait3A_23 = tpu.memref_slice %arg4[%mul3A_11, %dma_wait3A_22] : memref<12288x128xf32, #tpu.memory_space<hbm>> -> memref<128x128xf32, #tpu.memory_space<hbm>>
        tpu.wait_dma2 semaphore(%run_scoped3A : memref<!tpu.dma_semaphore, #tpu.memory_space<semaphore_mem>>) src(%arg6 : memref<128x128xf32, #tpu.memory_space<vmem>>) dst(%dma_wait3A_23 : memref<128x128xf32, #tpu.memory_space<hbm>>)
        tpu.yield
      }) : () -> ()
    }
    %scan3A_5 = arith.constant 3 : i32
    return
  }
}

#map = affine_map<(d0, d1) -> (0)>
#map1 = affine_map<(d0, d1) -> (0, 0)>
module attributes {stable_mosaic.version = 14 : i64} {
  func.func @_gather2_body(%arg0: i32, %arg1: i32, %arg2: memref<163840xi32, #tpu.memory_space<hbm>>, %arg3: memref<163840xi32, #tpu.memory_space<hbm>>, %arg4: memref<10000x256xf32, #tpu.memory_space<hbm>>, %arg5: memref<10000x256xf32, #tpu.memory_space<hbm>>, %arg6: memref<163840x256xf32, #tpu.memory_space<hbm>>, %arg7: memref<163840x256xf32, #tpu.memory_space<hbm>>, %arg8: memref<128xi32, #tpu.memory_space<vmem>>, %arg9: memref<128xi32, #tpu.memory_space<vmem>>, %arg10: memref<128x256xf32, #tpu.memory_space<vmem>>, %arg11: memref<128x256xf32, #tpu.memory_space<vmem>>, %arg12: memref<!tpu.dma_semaphore, #tpu.memory_space<semaphore_mem>>) attributes {dimension_semantics = [#tpu.dimension_semantics<core_parallel>, #tpu.dimension_semantics<subcore_parallel>], iteration_bounds = array<i64: 2, 16>, scalar_prefetch = 0 : i64, scratch_operands = 5 : i64, tpu.core_type = #tpu.core_type<sc_vector_subcore>, window_params = [{transform_indices = #map}, {transform_indices = #map}, {transform_indices = #map1}, {transform_indices = #map1}, {transform_indices = #map1}, {transform_indices = #map1}]} {
    %mul3A = arith.constant 2 : i32
    %mul3A_0 = arith.muli %arg1, %mul3A : i32
    %add3A = arith.addi %mul3A_0, %arg0 : i32
    %scan3A = arith.constant 0 : i32
    %scan3A_1 = arith.constant 0 : i32
    %scan3A_2 = arith.constant 40 : i32
    %scan3A_3 = arith.addi %scan3A_1, %scan3A_2 : i32
    %scan3A_4 = arith.constant 1 : i32
    scf.for %scan3A_6 = %scan3A_1 to %scan3A_3 step %scan3A_4  : i32 {
      %mul3A_7 = arith.constant 40 : i32
      %mul3A_8 = arith.muli %add3A, %mul3A_7 : i32
      %add3A_9 = arith.addi %mul3A_8, %scan3A_6 : i32
      %mul3A_10 = arith.constant 128 : i32
      %mul3A_11 = arith.muli %add3A_9, %mul3A_10 : i32
      "tpu.region"() ({
        %run_scoped3A = tpu.sem_alloc : memref<!tpu.dma_semaphore, #tpu.memory_space<semaphore_mem>>
        %dma_start3A_22 = tpu.memref_slice %arg2[%mul3A_11] : memref<163840xi32, #tpu.memory_space<hbm>> -> memref<128xi32, #tpu.memory_space<hbm>>
        %dma_start3A_23 = tpu.memref_slice %arg2[%mul3A_11] : memref<163840xi32, #tpu.memory_space<hbm>> -> memref<128xi32, #tpu.memory_space<hbm>>
        tpu.enqueue_dma source(%dma_start3A_23 : memref<128xi32, #tpu.memory_space<hbm>>) target(%arg8 : memref<128xi32, #tpu.memory_space<vmem>>) target_semaphore(%run_scoped3A : memref<!tpu.dma_semaphore, #tpu.memory_space<semaphore_mem>>)
        %dma_wait3A_24 = tpu.memref_slice %arg2[%mul3A_11] : memref<163840xi32, #tpu.memory_space<hbm>> -> memref<128xi32, #tpu.memory_space<hbm>>
        %dma_wait3A_25 = tpu.memref_slice %arg2[%mul3A_11] : memref<163840xi32, #tpu.memory_space<hbm>> -> memref<128xi32, #tpu.memory_space<hbm>>
        tpu.wait_dma2 semaphore(%run_scoped3A : memref<!tpu.dma_semaphore, #tpu.memory_space<semaphore_mem>>) src(%dma_wait3A_25 : memref<128xi32, #tpu.memory_space<hbm>>) dst(%arg8 : memref<128xi32, #tpu.memory_space<vmem>>)
        tpu.yield
      }) : () -> ()
      "tpu.region"() ({
        %run_scoped3A = tpu.sem_alloc : memref<!tpu.dma_semaphore, #tpu.memory_space<semaphore_mem>>
        %dma_start3A_22 = tpu.memref_slice %arg3[%mul3A_11] : memref<163840xi32, #tpu.memory_space<hbm>> -> memref<128xi32, #tpu.memory_space<hbm>>
        %dma_start3A_23 = tpu.memref_slice %arg3[%mul3A_11] : memref<163840xi32, #tpu.memory_space<hbm>> -> memref<128xi32, #tpu.memory_space<hbm>>
        tpu.enqueue_dma source(%dma_start3A_23 : memref<128xi32, #tpu.memory_space<hbm>>) target(%arg9 : memref<128xi32, #tpu.memory_space<vmem>>) target_semaphore(%run_scoped3A : memref<!tpu.dma_semaphore, #tpu.memory_space<semaphore_mem>>)
        %dma_wait3A_24 = tpu.memref_slice %arg3[%mul3A_11] : memref<163840xi32, #tpu.memory_space<hbm>> -> memref<128xi32, #tpu.memory_space<hbm>>
        %dma_wait3A_25 = tpu.memref_slice %arg3[%mul3A_11] : memref<163840xi32, #tpu.memory_space<hbm>> -> memref<128xi32, #tpu.memory_space<hbm>>
        tpu.wait_dma2 semaphore(%run_scoped3A : memref<!tpu.dma_semaphore, #tpu.memory_space<semaphore_mem>>) src(%dma_wait3A_25 : memref<128xi32, #tpu.memory_space<hbm>>) dst(%arg9 : memref<128xi32, #tpu.memory_space<vmem>>)
        tpu.yield
      }) : () -> ()
      %dma_start3A = arith.constant 0 : i32
      %dma_start3A_12 = arith.constant 0 : i32
      %dma_start3A_13 = tpu.memref_slice %arg4[%dma_start3A, %dma_start3A_12] : memref<10000x256xf32, #tpu.memory_space<hbm>> -> memref<10000x256xf32, #tpu.memory_space<hbm>>
      tpu.enqueue_indirect_dma source(%dma_start3A_13 : memref<10000x256xf32, #tpu.memory_space<hbm>>) target(%arg10 : memref<128x256xf32, #tpu.memory_space<vmem>>) offsets(%arg8 : memref<128xi32, #tpu.memory_space<vmem>>) semaphore(%arg12 : memref<!tpu.dma_semaphore, #tpu.memory_space<semaphore_mem>>)
      %dma_wait3A = arith.constant 0 : i32
      %dma_wait3A_14 = arith.constant 0 : i32
      %dma_wait3A_15 = tpu.memref_slice %arg4[%dma_wait3A, %dma_wait3A_14] : memref<10000x256xf32, #tpu.memory_space<hbm>> -> memref<10000x256xf32, #tpu.memory_space<hbm>>
      tpu.wait_indirect_dma semaphore(%arg12 : memref<!tpu.dma_semaphore, #tpu.memory_space<semaphore_mem>>) src(%dma_wait3A_15 : memref<10000x256xf32, #tpu.memory_space<hbm>>) dst(%arg10 : memref<128x256xf32, #tpu.memory_space<vmem>>)
      %dma_start3A_16 = arith.constant 0 : i32
      %dma_start3A_17 = arith.constant 0 : i32
      %dma_start3A_18 = tpu.memref_slice %arg5[%dma_start3A_16, %dma_start3A_17] : memref<10000x256xf32, #tpu.memory_space<hbm>> -> memref<10000x256xf32, #tpu.memory_space<hbm>>
      tpu.enqueue_indirect_dma source(%dma_start3A_18 : memref<10000x256xf32, #tpu.memory_space<hbm>>) target(%arg11 : memref<128x256xf32, #tpu.memory_space<vmem>>) offsets(%arg9 : memref<128xi32, #tpu.memory_space<vmem>>) semaphore(%arg12 : memref<!tpu.dma_semaphore, #tpu.memory_space<semaphore_mem>>)
      %dma_wait3A_19 = arith.constant 0 : i32
      %dma_wait3A_20 = arith.constant 0 : i32
      %dma_wait3A_21 = tpu.memref_slice %arg5[%dma_wait3A_19, %dma_wait3A_20] : memref<10000x256xf32, #tpu.memory_space<hbm>> -> memref<10000x256xf32, #tpu.memory_space<hbm>>
      tpu.wait_indirect_dma semaphore(%arg12 : memref<!tpu.dma_semaphore, #tpu.memory_space<semaphore_mem>>) src(%dma_wait3A_21 : memref<10000x256xf32, #tpu.memory_space<hbm>>) dst(%arg11 : memref<128x256xf32, #tpu.memory_space<vmem>>)
      "tpu.region"() ({
        %run_scoped3A = tpu.sem_alloc : memref<!tpu.dma_semaphore, #tpu.memory_space<semaphore_mem>>
        %dma_start3A_22 = arith.constant 0 : i32
        %dma_start3A_23 = tpu.memref_slice %arg6[%mul3A_11, %dma_start3A_22] : memref<163840x256xf32, #tpu.memory_space<hbm>> -> memref<128x256xf32, #tpu.memory_space<hbm>>
        %dma_start3A_24 = arith.constant 0 : i32
        %dma_start3A_25 = tpu.memref_slice %arg6[%mul3A_11, %dma_start3A_24] : memref<163840x256xf32, #tpu.memory_space<hbm>> -> memref<128x256xf32, #tpu.memory_space<hbm>>
        tpu.enqueue_dma source(%arg10 : memref<128x256xf32, #tpu.memory_space<vmem>>) target(%dma_start3A_25 : memref<128x256xf32, #tpu.memory_space<hbm>>) target_semaphore(%run_scoped3A : memref<!tpu.dma_semaphore, #tpu.memory_space<semaphore_mem>>)
        %dma_wait3A_26 = arith.constant 0 : i32
        %dma_wait3A_27 = tpu.memref_slice %arg6[%mul3A_11, %dma_wait3A_26] : memref<163840x256xf32, #tpu.memory_space<hbm>> -> memref<128x256xf32, #tpu.memory_space<hbm>>
        %dma_wait3A_28 = arith.constant 0 : i32
        %dma_wait3A_29 = tpu.memref_slice %arg6[%mul3A_11, %dma_wait3A_28] : memref<163840x256xf32, #tpu.memory_space<hbm>> -> memref<128x256xf32, #tpu.memory_space<hbm>>
        tpu.wait_dma2 semaphore(%run_scoped3A : memref<!tpu.dma_semaphore, #tpu.memory_space<semaphore_mem>>) src(%arg10 : memref<128x256xf32, #tpu.memory_space<vmem>>) dst(%dma_wait3A_29 : memref<128x256xf32, #tpu.memory_space<hbm>>)
        tpu.yield
      }) : () -> ()
      "tpu.region"() ({
        %run_scoped3A = tpu.sem_alloc : memref<!tpu.dma_semaphore, #tpu.memory_space<semaphore_mem>>
        %dma_start3A_22 = arith.constant 0 : i32
        %dma_start3A_23 = tpu.memref_slice %arg7[%mul3A_11, %dma_start3A_22] : memref<163840x256xf32, #tpu.memory_space<hbm>> -> memref<128x256xf32, #tpu.memory_space<hbm>>
        %dma_start3A_24 = arith.constant 0 : i32
        %dma_start3A_25 = tpu.memref_slice %arg7[%mul3A_11, %dma_start3A_24] : memref<163840x256xf32, #tpu.memory_space<hbm>> -> memref<128x256xf32, #tpu.memory_space<hbm>>
        tpu.enqueue_dma source(%arg11 : memref<128x256xf32, #tpu.memory_space<vmem>>) target(%dma_start3A_25 : memref<128x256xf32, #tpu.memory_space<hbm>>) target_semaphore(%run_scoped3A : memref<!tpu.dma_semaphore, #tpu.memory_space<semaphore_mem>>)
        %dma_wait3A_26 = arith.constant 0 : i32
        %dma_wait3A_27 = tpu.memref_slice %arg7[%mul3A_11, %dma_wait3A_26] : memref<163840x256xf32, #tpu.memory_space<hbm>> -> memref<128x256xf32, #tpu.memory_space<hbm>>
        %dma_wait3A_28 = arith.constant 0 : i32
        %dma_wait3A_29 = tpu.memref_slice %arg7[%mul3A_11, %dma_wait3A_28] : memref<163840x256xf32, #tpu.memory_space<hbm>> -> memref<128x256xf32, #tpu.memory_space<hbm>>
        tpu.wait_dma2 semaphore(%run_scoped3A : memref<!tpu.dma_semaphore, #tpu.memory_space<semaphore_mem>>) src(%arg11 : memref<128x256xf32, #tpu.memory_space<vmem>>) dst(%dma_wait3A_29 : memref<128x256xf32, #tpu.memory_space<hbm>>)
        tpu.yield
      }) : () -> ()
    }
    %scan3A_5 = arith.constant 40 : i32
    return
  }
}

#map = affine_map<(d0, d1) -> (0)>
#map1 = affine_map<(d0, d1) -> (0, 0)>
module attributes {stable_mosaic.version = 14 : i64} {
  func.func @_gather1_body(%arg0: i32, %arg1: i32, %arg2: memref<12288xi32, #tpu.memory_space<hbm>>, %arg3: memref<163840x256xf32, #tpu.memory_space<hbm>>, %arg4: memref<12288x256xf32, #tpu.memory_space<hbm>>, %arg5: memref<128xi32, #tpu.memory_space<vmem>>, %arg6: memref<128x256xf32, #tpu.memory_space<vmem>>, %arg7: memref<!tpu.dma_semaphore, #tpu.memory_space<semaphore_mem>>) attributes {dimension_semantics = [#tpu.dimension_semantics<core_parallel>, #tpu.dimension_semantics<subcore_parallel>], iteration_bounds = array<i64: 2, 16>, scalar_prefetch = 0 : i64, scratch_operands = 3 : i64, tpu.core_type = #tpu.core_type<sc_vector_subcore>, window_params = [{transform_indices = #map}, {transform_indices = #map1}, {transform_indices = #map1}]} {
    %mul3A = arith.constant 2 : i32
    %mul3A_0 = arith.muli %arg1, %mul3A : i32
    %add3A = arith.addi %mul3A_0, %arg0 : i32
    %scan3A = arith.constant 0 : i32
    %scan3A_1 = arith.constant 0 : i32
    %scan3A_2 = arith.constant 3 : i32
    %scan3A_3 = arith.addi %scan3A_1, %scan3A_2 : i32
    %scan3A_4 = arith.constant 1 : i32
    scf.for %scan3A_6 = %scan3A_1 to %scan3A_3 step %scan3A_4  : i32 {
      %mul3A_7 = arith.constant 3 : i32
      %mul3A_8 = arith.muli %add3A, %mul3A_7 : i32
      %add3A_9 = arith.addi %mul3A_8, %scan3A_6 : i32
      %mul3A_10 = arith.constant 128 : i32
      %mul3A_11 = arith.muli %add3A_9, %mul3A_10 : i32
      "tpu.region"() ({
        %run_scoped3A = tpu.sem_alloc : memref<!tpu.dma_semaphore, #tpu.memory_space<semaphore_mem>>
        %dma_start3A_16 = tpu.memref_slice %arg2[%mul3A_11] : memref<12288xi32, #tpu.memory_space<hbm>> -> memref<128xi32, #tpu.memory_space<hbm>>
        %dma_start3A_17 = tpu.memref_slice %arg2[%mul3A_11] : memref<12288xi32, #tpu.memory_space<hbm>> -> memref<128xi32, #tpu.memory_space<hbm>>
        tpu.enqueue_dma source(%dma_start3A_17 : memref<128xi32, #tpu.memory_space<hbm>>) target(%arg5 : memref<128xi32, #tpu.memory_space<vmem>>) target_semaphore(%run_scoped3A : memref<!tpu.dma_semaphore, #tpu.memory_space<semaphore_mem>>)
        %dma_wait3A_18 = tpu.memref_slice %arg2[%mul3A_11] : memref<12288xi32, #tpu.memory_space<hbm>> -> memref<128xi32, #tpu.memory_space<hbm>>
        %dma_wait3A_19 = tpu.memref_slice %arg2[%mul3A_11] : memref<12288xi32, #tpu.memory_space<hbm>> -> memref<128xi32, #tpu.memory_space<hbm>>
        tpu.wait_dma2 semaphore(%run_scoped3A : memref<!tpu.dma_semaphore, #tpu.memory_space<semaphore_mem>>) src(%dma_wait3A_19 : memref<128xi32, #tpu.memory_space<hbm>>) dst(%arg5 : memref<128xi32, #tpu.memory_space<vmem>>)
        tpu.yield
      }) : () -> ()
      %dma_start3A = arith.constant 0 : i32
      %dma_start3A_12 = arith.constant 0 : i32
      %dma_start3A_13 = tpu.memref_slice %arg3[%dma_start3A, %dma_start3A_12] : memref<163840x256xf32, #tpu.memory_space<hbm>> -> memref<163840x256xf32, #tpu.memory_space<hbm>>
      tpu.enqueue_indirect_dma source(%dma_start3A_13 : memref<163840x256xf32, #tpu.memory_space<hbm>>) target(%arg6 : memref<128x256xf32, #tpu.memory_space<vmem>>) offsets(%arg5 : memref<128xi32, #tpu.memory_space<vmem>>) semaphore(%arg7 : memref<!tpu.dma_semaphore, #tpu.memory_space<semaphore_mem>>)
      %dma_wait3A = arith.constant 0 : i32
      %dma_wait3A_14 = arith.constant 0 : i32
      %dma_wait3A_15 = tpu.memref_slice %arg3[%dma_wait3A, %dma_wait3A_14] : memref<163840x256xf32, #tpu.memory_space<hbm>> -> memref<163840x256xf32, #tpu.memory_space<hbm>>
      tpu.wait_indirect_dma semaphore(%arg7 : memref<!tpu.dma_semaphore, #tpu.memory_space<semaphore_mem>>) src(%dma_wait3A_15 : memref<163840x256xf32, #tpu.memory_space<hbm>>) dst(%arg6 : memref<128x256xf32, #tpu.memory_space<vmem>>)
      "tpu.region"() ({
        %run_scoped3A = tpu.sem_alloc : memref<!tpu.dma_semaphore, #tpu.memory_space<semaphore_mem>>
        %dma_start3A_16 = arith.constant 0 : i32
        %dma_start3A_17 = tpu.memref_slice %arg4[%mul3A_11, %dma_start3A_16] : memref<12288x256xf32, #tpu.memory_space<hbm>> -> memref<128x256xf32, #tpu.memory_space<hbm>>
        %dma_start3A_18 = arith.constant 0 : i32
        %dma_start3A_19 = tpu.memref_slice %arg4[%mul3A_11, %dma_start3A_18] : memref<12288x256xf32, #tpu.memory_space<hbm>> -> memref<128x256xf32, #tpu.memory_space<hbm>>
        tpu.enqueue_dma source(%arg6 : memref<128x256xf32, #tpu.memory_space<vmem>>) target(%dma_start3A_19 : memref<128x256xf32, #tpu.memory_space<hbm>>) target_semaphore(%run_scoped3A : memref<!tpu.dma_semaphore, #tpu.memory_space<semaphore_mem>>)
        %dma_wait3A_20 = arith.constant 0 : i32
        %dma_wait3A_21 = tpu.memref_slice %arg4[%mul3A_11, %dma_wait3A_20] : memref<12288x256xf32, #tpu.memory_space<hbm>> -> memref<128x256xf32, #tpu.memory_space<hbm>>
        %dma_wait3A_22 = arith.constant 0 : i32
        %dma_wait3A_23 = tpu.memref_slice %arg4[%mul3A_11, %dma_wait3A_22] : memref<12288x256xf32, #tpu.memory_space<hbm>> -> memref<128x256xf32, #tpu.memory_space<hbm>>
        tpu.wait_dma2 semaphore(%run_scoped3A : memref<!tpu.dma_semaphore, #tpu.memory_space<semaphore_mem>>) src(%arg6 : memref<128x256xf32, #tpu.memory_space<vmem>>) dst(%dma_wait3A_23 : memref<128x256xf32, #tpu.memory_space<hbm>>)
        tpu.yield
      }) : () -> ()
    }
    %scan3A_5 = arith.constant 3 : i32
    return
  }
}

module attributes {stable_mosaic.version = 14 : i64} {
  func.func @_pq_body(%arg0: i32, %arg1: memref<1000x3xf32, #tpu.memory_space<vmem>>, %arg2: memref<6x128xf32, #tpu.memory_space<vmem>>, %arg3: memref<1x128xf32, #tpu.memory_space<vmem>>, %arg4: memref<1000x128xf32, #tpu.memory_space<vmem>>, %arg5: memref<1000x128xf32, #tpu.memory_space<vmem>>) attributes {dimension_semantics = [#tpu.dimension_semantics<arbitrary>], iteration_bounds = array<i64: 10>, scalar_prefetch = 0 : i64, scratch_operands = 0 : i64, tpu.core_type = #tpu.core_type<tc>, window_params = [{transform_indices = @transform_0, window_bounds = array<i64: 1000, 3>}, {pipeline_mode = #tpu.pipeline_mode<synchronous>, transform_indices = @transform_1, window_bounds = array<i64: 6, 128>}, {pipeline_mode = #tpu.pipeline_mode<synchronous>, transform_indices = @transform_2, window_bounds = array<i64: 1, 128>}, {transform_indices = @transform_3, window_bounds = array<i64: 1000, 128>}, {transform_indices = @transform_4, window_bounds = array<i64: 1000, 128>}]} {
    %get3A = arith.constant 0 : index
    %get3A_0 = arith.constant 0 : index
    %get3A_1 = vector.load %arg1[%get3A, %get3A_0] : memref<1000x3xf32, #tpu.memory_space<vmem>>, vector<1000x3xf32>
    %get3A_2 = arith.constant 0 : index
    %get3A_3 = arith.constant 0 : index
    %get3A_4 = vector.load %arg2[%get3A_2, %get3A_3] : memref<6x128xf32, #tpu.memory_space<vmem>>, vector<6x128xf32>
    %slice3A = vector.extract_strided_slice %get3A_4 {offsets = [3, 0], sizes = [3, 128], strides = [1, 1]} : vector<6x128xf32> to vector<3x128xf32>
    %slice3A_5 = vector.extract_strided_slice %get3A_4 {offsets = [0, 0], sizes = [3, 128], strides = [1, 1]} : vector<6x128xf32> to vector<3x128xf32>
    %sub3A = arith.subf %slice3A_5, %slice3A : vector<3x128xf32>
    %dot_general3A = arith.constant dense<0.000000e+00> : vector<1000x128xf32>
    %dot_general3A_6 = tpu.matmul %get3A_1, %sub3A, %dot_general3A {dimension_numbers = #tpu.dot_dimension_numbers<[1], [0], [0], [1], [0, 0, 1, 1], [], []>, transpose_lhs_hint = false} : vector<1000x3xf32>, vector<3x128xf32>, vector<1000x128xf32> -> vector<1000x128xf32>
    %get3A_7 = arith.constant 0 : index
    %get3A_8 = arith.constant 0 : index
    %get3A_9 = vector.load %arg3[%get3A_7, %get3A_8] : memref<1x128xf32, #tpu.memory_space<vmem>>, vector<1x128xf32>
    %add3A = vector.broadcast %get3A_9 : vector<1x128xf32> to vector<1000x128xf32>
    %add3A_10 = arith.addf %dot_general3A_6, %add3A : vector<1000x128xf32>
    %swap3A = arith.constant 0 : index
    %swap3A_11 = arith.constant 0 : index
    %swap3A_12 = vector.load %arg4[%swap3A, %swap3A_11] : memref<1000x128xf32, #tpu.memory_space<vmem>>, vector<1000x128xf32>
    tpu.vector_store %arg4[%swap3A, %swap3A_11], %add3A_10 {strides = array<i32>} : memref<1000x128xf32, #tpu.memory_space<vmem>>, vector<1000x128xf32>,
    %dot_general3A_13 = arith.constant dense<0.000000e+00> : vector<1000x128xf32>
    %dot_general3A_14 = tpu.matmul %get3A_1, %slice3A, %dot_general3A_13 {dimension_numbers = #tpu.dot_dimension_numbers<[1], [0], [0], [1], [0, 0, 1, 1], [], []>, transpose_lhs_hint = false} : vector<1000x3xf32>, vector<3x128xf32>, vector<1000x128xf32> -> vector<1000x128xf32>
    %swap3A_15 = arith.constant 0 : index
    %swap3A_16 = arith.constant 0 : index
    %swap3A_17 = vector.load %arg5[%swap3A_15, %swap3A_16] : memref<1000x128xf32, #tpu.memory_space<vmem>>, vector<1000x128xf32>
    tpu.vector_store %arg5[%swap3A_15, %swap3A_16], %dot_general3A_14 {strides = array<i32>} : memref<1000x128xf32, #tpu.memory_space<vmem>>, vector<1000x128xf32>,
    return
  }
  func.func @transform_0(%arg0: i32) -> (i32, i32) {
    %c0_i32 = arith.constant 0 : i32
    %c0_i32_0 = arith.constant 0 : i32
    return %arg0, %c0_i32 : i32, i32
  }
  func.func @transform_1(%arg0: i32) -> (i32, i32) {
    %c0_i32 = arith.constant 0 : i32
    %c0_i32_0 = arith.constant 0 : i32
    %c0_i32_1 = arith.constant 0 : i32
    return %c0_i32, %c0_i32_0 : i32, i32
  }
  func.func @transform_2(%arg0: i32) -> (i32, i32) {
    %c0_i32 = arith.constant 0 : i32
    %c0_i32_0 = arith.constant 0 : i32
    %c0_i32_1 = arith.constant 0 : i32
    return %c0_i32, %c0_i32_0 : i32, i32
  }
  func.func @transform_3(%arg0: i32) -> (i32, i32) {
    %c0_i32 = arith.constant 0 : i32
    %c0_i32_0 = arith.constant 0 : i32
    return %arg0, %c0_i32 : i32, i32
  }
  func.func @transform_4(%arg0: i32) -> (i32, i32) {
    %c0_i32 = arith.constant 0 : i32
    %c0_i32_0 = arith.constant 0 : i32
    return %arg0, %c0_i32 : i32, i32
  }
}

module attributes {stable_mosaic.version = 14 : i64} {
  func.func @_msg_scan_body(%arg0: i32, %arg1: memref<512x128xf32, #tpu.memory_space<vmem>>, %arg2: memref<512x128xf32, #tpu.memory_space<vmem>>, %arg3: memref<512x1xi32, #tpu.memory_space<vmem>>, %arg4: memref<128x128xf32, #tpu.memory_space<vmem>>, %arg5: memref<1x128xf32, #tpu.memory_space<vmem>>, %arg6: memref<512x128xf32, #tpu.memory_space<vmem>>) attributes {dimension_semantics = [#tpu.dimension_semantics<arbitrary>], iteration_bounds = array<i64: 320>, scalar_prefetch = 0 : i64, scratch_operands = 0 : i64, tpu.core_type = #tpu.core_type<tc>, window_params = [{transform_indices = @transform_0, window_bounds = array<i64: 512, 128>}, {transform_indices = @transform_1, window_bounds = array<i64: 512, 128>}, {transform_indices = @transform_2, window_bounds = array<i64: 512, 1>}, {pipeline_mode = #tpu.pipeline_mode<synchronous>, transform_indices = @transform_3, window_bounds = array<i64: 128, 128>}, {pipeline_mode = #tpu.pipeline_mode<synchronous>, transform_indices = @transform_4, window_bounds = array<i64: 1, 128>}, {transform_indices = @transform_5, window_bounds = array<i64: 512, 128>}]} {
    %get3A = arith.constant 0 : index
    %get3A_0 = arith.constant 0 : index
    %get3A_1 = vector.load %arg1[%get3A, %get3A_0] : memref<512x128xf32, #tpu.memory_space<vmem>>, vector<512x128xf32>
    %get3A_2 = arith.constant 0 : index
    %get3A_3 = arith.constant 0 : index
    %get3A_4 = vector.load %arg2[%get3A_2, %get3A_3] : memref<512x128xf32, #tpu.memory_space<vmem>>, vector<512x128xf32>
    %add3A = arith.addf %get3A_1, %get3A_4 : vector<512x128xf32>
    %max3A = arith.constant 0.000000e+00 : f32
    %max3A_5 = vector.broadcast %max3A : f32 to vector<512x128xf32>
    %max3A_6 = arith.maximumf %add3A, %max3A_5 : vector<512x128xf32>
    %get3A_7 = arith.constant 0 : index
    %get3A_8 = arith.constant 0 : index
    %get3A_9 = vector.load %arg4[%get3A_7, %get3A_8] : memref<128x128xf32, #tpu.memory_space<vmem>>, vector<128x128xf32>
    %dot_general3A = arith.constant dense<0.000000e+00> : vector<512x128xf32>
    %dot_general3A_10 = tpu.matmul %max3A_6, %get3A_9, %dot_general3A {dimension_numbers = #tpu.dot_dimension_numbers<[1], [0], [0], [1], [0, 0, 1, 1], [], []>, transpose_lhs_hint = false} : vector<512x128xf32>, vector<128x128xf32>, vector<512x128xf32> -> vector<512x128xf32>
    %get3A_11 = arith.constant 0 : index
    %get3A_12 = arith.constant 0 : index
    %get3A_13 = vector.load %arg5[%get3A_11, %get3A_12] : memref<1x128xf32, #tpu.memory_space<vmem>>, vector<1x128xf32>
    %add3A_14 = vector.broadcast %get3A_13 : vector<1x128xf32> to vector<512x128xf32>
    %add3A_15 = arith.addf %dot_general3A_10, %add3A_14 : vector<512x128xf32>
    %get3A_16 = arith.constant 0 : index
    %get3A_17 = arith.constant 0 : index
    %get3A_18 = vector.load %arg3[%get3A_16, %get3A_17] : memref<512x1xi32, #tpu.memory_space<vmem>>, vector<512x1xi32>
    %slice3A = vector.extract_strided_slice %get3A_18 {offsets = [1, 0], sizes = [511, 1], strides = [1, 1]} : vector<512x1xi32> to vector<511x1xi32>
    %broadcast_in_dim3A = arith.constant -2 : i32
    %broadcast_in_dim3A_19 = vector.broadcast %broadcast_in_dim3A : i32 to vector<1x1xi32>
    %concatenate3A = tpu.concatenate %slice3A, %broadcast_in_dim3A_19 in 0 : vector<511x1xi32>, vector<1x1xi32> -> vector<512x1xi32>
    %slice3A_20 = vector.extract_strided_slice %add3A_15 {offsets = [1, 0], sizes = [511, 128], strides = [1, 1]} : vector<512x128xf32> to vector<511x128xf32>
    %broadcast_in_dim3A_21 = arith.constant 0.000000e+00 : f32
    %broadcast_in_dim3A_22 = vector.broadcast %broadcast_in_dim3A_21 : f32 to vector<1x128xf32>
    %concatenate3A_23 = tpu.concatenate %slice3A_20, %broadcast_in_dim3A_22 in 0 : vector<511x128xf32>, vector<1x128xf32> -> vector<512x128xf32>
    %eq3A = arith.cmpi eq, %concatenate3A, %get3A_18 : vector<512x1xi32>
    %max3A_24 = arith.maximumf %add3A_15, %concatenate3A_23 : vector<512x128xf32>
    %broadcast_in_dim3A_25 = vector.shape_cast %eq3A : vector<512x1xi1> to vector<512x1xi1>
    %broadcast_in_dim3A_26 = vector.broadcast %broadcast_in_dim3A_25 : vector<512x1xi1> to vector<512x128xi1>
    %select_n3A = arith.select %broadcast_in_dim3A_26, %max3A_24, %add3A_15 : vector<512x128xi1>, vector<512x128xf32>
    %slice3A_27 = vector.extract_strided_slice %get3A_18 {offsets = [2, 0], sizes = [510, 1], strides = [1, 1]} : vector<512x1xi32> to vector<510x1xi32>
    %broadcast_in_dim3A_28 = arith.constant -2 : i32
    %broadcast_in_dim3A_29 = vector.broadcast %broadcast_in_dim3A_28 : i32 to vector<2x1xi32>
    %concatenate3A_30 = tpu.concatenate %slice3A_27, %broadcast_in_dim3A_29 in 0 : vector<510x1xi32>, vector<2x1xi32> -> vector<512x1xi32>
    %slice3A_31 = vector.extract_strided_slice %select_n3A {offsets = [2, 0], sizes = [510, 128], strides = [1, 1]} : vector<512x128xf32> to vector<510x128xf32>
    %broadcast_in_dim3A_32 = arith.constant 0.000000e+00 : f32
    %broadcast_in_dim3A_33 = vector.broadcast %broadcast_in_dim3A_32 : f32 to vector<2x128xf32>
    %concatenate3A_34 = tpu.concatenate %slice3A_31, %broadcast_in_dim3A_33 in 0 : vector<510x128xf32>, vector<2x128xf32> -> vector<512x128xf32>
    %eq3A_35 = arith.cmpi eq, %concatenate3A_30, %get3A_18 : vector<512x1xi32>
    %max3A_36 = arith.maximumf %select_n3A, %concatenate3A_34 : vector<512x128xf32>
    %broadcast_in_dim3A_37 = vector.shape_cast %eq3A_35 : vector<512x1xi1> to vector<512x1xi1>
    %broadcast_in_dim3A_38 = vector.broadcast %broadcast_in_dim3A_37 : vector<512x1xi1> to vector<512x128xi1>
    %select_n3A_39 = arith.select %broadcast_in_dim3A_38, %max3A_36, %select_n3A : vector<512x128xi1>, vector<512x128xf32>
    %slice3A_40 = vector.extract_strided_slice %get3A_18 {offsets = [4, 0], sizes = [508, 1], strides = [1, 1]} : vector<512x1xi32> to vector<508x1xi32>
    %broadcast_in_dim3A_41 = arith.constant -2 : i32
    %broadcast_in_dim3A_42 = vector.broadcast %broadcast_in_dim3A_41 : i32 to vector<4x1xi32>
    %concatenate3A_43 = tpu.concatenate %slice3A_40, %broadcast_in_dim3A_42 in 0 : vector<508x1xi32>, vector<4x1xi32> -> vector<512x1xi32>
    %slice3A_44 = vector.extract_strided_slice %select_n3A_39 {offsets = [4, 0], sizes = [508, 128], strides = [1, 1]} : vector<512x128xf32> to vector<508x128xf32>
    %broadcast_in_dim3A_45 = arith.constant 0.000000e+00 : f32
    %broadcast_in_dim3A_46 = vector.broadcast %broadcast_in_dim3A_45 : f32 to vector<4x128xf32>
    %concatenate3A_47 = tpu.concatenate %slice3A_44, %broadcast_in_dim3A_46 in 0 : vector<508x128xf32>, vector<4x128xf32> -> vector<512x128xf32>
    %eq3A_48 = arith.cmpi eq, %concatenate3A_43, %get3A_18 : vector<512x1xi32>
    %max3A_49 = arith.maximumf %select_n3A_39, %concatenate3A_47 : vector<512x128xf32>
    %broadcast_in_dim3A_50 = vector.shape_cast %eq3A_48 : vector<512x1xi1> to vector<512x1xi1>
    %broadcast_in_dim3A_51 = vector.broadcast %broadcast_in_dim3A_50 : vector<512x1xi1> to vector<512x128xi1>
    %select_n3A_52 = arith.select %broadcast_in_dim3A_51, %max3A_49, %select_n3A_39 : vector<512x128xi1>, vector<512x128xf32>
    %slice3A_53 = vector.extract_strided_slice %get3A_18 {offsets = [8, 0], sizes = [504, 1], strides = [1, 1]} : vector<512x1xi32> to vector<504x1xi32>
    %broadcast_in_dim3A_54 = arith.constant -2 : i32
    %broadcast_in_dim3A_55 = vector.broadcast %broadcast_in_dim3A_54 : i32 to vector<8x1xi32>
    %concatenate3A_56 = tpu.concatenate %slice3A_53, %broadcast_in_dim3A_55 in 0 : vector<504x1xi32>, vector<8x1xi32> -> vector<512x1xi32>
    %slice3A_57 = vector.extract_strided_slice %select_n3A_52 {offsets = [8, 0], sizes = [504, 128], strides = [1, 1]} : vector<512x128xf32> to vector<504x128xf32>
    %broadcast_in_dim3A_58 = arith.constant 0.000000e+00 : f32
    %broadcast_in_dim3A_59 = vector.broadcast %broadcast_in_dim3A_58 : f32 to vector<8x128xf32>
    %concatenate3A_60 = tpu.concatenate %slice3A_57, %broadcast_in_dim3A_59 in 0 : vector<504x128xf32>, vector<8x128xf32> -> vector<512x128xf32>
    %eq3A_61 = arith.cmpi eq, %concatenate3A_56, %get3A_18 : vector<512x1xi32>
    %max3A_62 = arith.maximumf %select_n3A_52, %concatenate3A_60 : vector<512x128xf32>
    %broadcast_in_dim3A_63 = vector.shape_cast %eq3A_61 : vector<512x1xi1> to vector<512x1xi1>
    %broadcast_in_dim3A_64 = vector.broadcast %broadcast_in_dim3A_63 : vector<512x1xi1> to vector<512x128xi1>
    %select_n3A_65 = arith.select %broadcast_in_dim3A_64, %max3A_62, %select_n3A_52 : vector<512x128xi1>, vector<512x128xf32>
    %slice3A_66 = vector.extract_strided_slice %get3A_18 {offsets = [16, 0], sizes = [496, 1], strides = [1, 1]} : vector<512x1xi32> to vector<496x1xi32>
    %broadcast_in_dim3A_67 = arith.constant -2 : i32
    %broadcast_in_dim3A_68 = vector.broadcast %broadcast_in_dim3A_67 : i32 to vector<16x1xi32>
    %concatenate3A_69 = tpu.concatenate %slice3A_66, %broadcast_in_dim3A_68 in 0 : vector<496x1xi32>, vector<16x1xi32> -> vector<512x1xi32>
    %slice3A_70 = vector.extract_strided_slice %select_n3A_65 {offsets = [16, 0], sizes = [496, 128], strides = [1, 1]} : vector<512x128xf32> to vector<496x128xf32>
    %broadcast_in_dim3A_71 = arith.constant 0.000000e+00 : f32
    %broadcast_in_dim3A_72 = vector.broadcast %broadcast_in_dim3A_71 : f32 to vector<16x128xf32>
    %concatenate3A_73 = tpu.concatenate %slice3A_70, %broadcast_in_dim3A_72 in 0 : vector<496x128xf32>, vector<16x128xf32> -> vector<512x128xf32>
    %eq3A_74 = arith.cmpi eq, %concatenate3A_69, %get3A_18 : vector<512x1xi32>
    %max3A_75 = arith.maximumf %select_n3A_65, %concatenate3A_73 : vector<512x128xf32>
    %broadcast_in_dim3A_76 = vector.shape_cast %eq3A_74 : vector<512x1xi1> to vector<512x1xi1>
    %broadcast_in_dim3A_77 = vector.broadcast %broadcast_in_dim3A_76 : vector<512x1xi1> to vector<512x128xi1>
    %select_n3A_78 = arith.select %broadcast_in_dim3A_77, %max3A_75, %select_n3A_65 : vector<512x128xi1>, vector<512x128xf32>
    %slice3A_79 = vector.extract_strided_slice %get3A_18 {offsets = [32, 0], sizes = [480, 1], strides = [1, 1]} : vector<512x1xi32> to vector<480x1xi32>
    %broadcast_in_dim3A_80 = arith.constant -2 : i32
    %broadcast_in_dim3A_81 = vector.broadcast %broadcast_in_dim3A_80 : i32 to vector<32x1xi32>
    %concatenate3A_82 = tpu.concatenate %slice3A_79, %broadcast_in_dim3A_81 in 0 : vector<480x1xi32>, vector<32x1xi32> -> vector<512x1xi32>
    %slice3A_83 = vector.extract_strided_slice %select_n3A_78 {offsets = [32, 0], sizes = [480, 128], strides = [1, 1]} : vector<512x128xf32> to vector<480x128xf32>
    %broadcast_in_dim3A_84 = arith.constant 0.000000e+00 : f32
    %broadcast_in_dim3A_85 = vector.broadcast %broadcast_in_dim3A_84 : f32 to vector<32x128xf32>
    %concatenate3A_86 = tpu.concatenate %slice3A_83, %broadcast_in_dim3A_85 in 0 : vector<480x128xf32>, vector<32x128xf32> -> vector<512x128xf32>
    %eq3A_87 = arith.cmpi eq, %concatenate3A_82, %get3A_18 : vector<512x1xi32>
    %max3A_88 = arith.maximumf %select_n3A_78, %concatenate3A_86 : vector<512x128xf32>
    %broadcast_in_dim3A_89 = vector.shape_cast %eq3A_87 : vector<512x1xi1> to vector<512x1xi1>
    %broadcast_in_dim3A_90 = vector.broadcast %broadcast_in_dim3A_89 : vector<512x1xi1> to vector<512x128xi1>
    %select_n3A_91 = arith.select %broadcast_in_dim3A_90, %max3A_88, %select_n3A_78 : vector<512x128xi1>, vector<512x128xf32>
    %slice3A_92 = vector.extract_strided_slice %get3A_18 {offsets = [64, 0], sizes = [448, 1], strides = [1, 1]} : vector<512x1xi32> to vector<448x1xi32>
    %broadcast_in_dim3A_93 = arith.constant -2 : i32
    %broadcast_in_dim3A_94 = vector.broadcast %broadcast_in_dim3A_93 : i32 to vector<64x1xi32>
    %concatenate3A_95 = tpu.concatenate %slice3A_92, %broadcast_in_dim3A_94 in 0 : vector<448x1xi32>, vector<64x1xi32> -> vector<512x1xi32>
    %slice3A_96 = vector.extract_strided_slice %select_n3A_91 {offsets = [64, 0], sizes = [448, 128], strides = [1, 1]} : vector<512x128xf32> to vector<448x128xf32>
    %broadcast_in_dim3A_97 = arith.constant 0.000000e+00 : f32
    %broadcast_in_dim3A_98 = vector.broadcast %broadcast_in_dim3A_97 : f32 to vector<64x128xf32>
    %concatenate3A_99 = tpu.concatenate %slice3A_96, %broadcast_in_dim3A_98 in 0 : vector<448x128xf32>, vector<64x128xf32> -> vector<512x128xf32>
    %eq3A_100 = arith.cmpi eq, %concatenate3A_95, %get3A_18 : vector<512x1xi32>
    %max3A_101 = arith.maximumf %select_n3A_91, %concatenate3A_99 : vector<512x128xf32>
    %broadcast_in_dim3A_102 = vector.shape_cast %eq3A_100 : vector<512x1xi1> to vector<512x1xi1>
    %broadcast_in_dim3A_103 = vector.broadcast %broadcast_in_dim3A_102 : vector<512x1xi1> to vector<512x128xi1>
    %select_n3A_104 = arith.select %broadcast_in_dim3A_103, %max3A_101, %select_n3A_91 : vector<512x128xi1>, vector<512x128xf32>
    %slice3A_105 = vector.extract_strided_slice %get3A_18 {offsets = [128, 0], sizes = [384, 1], strides = [1, 1]} : vector<512x1xi32> to vector<384x1xi32>
    %broadcast_in_dim3A_106 = arith.constant -2 : i32
    %broadcast_in_dim3A_107 = vector.broadcast %broadcast_in_dim3A_106 : i32 to vector<128x1xi32>
    %concatenate3A_108 = tpu.concatenate %slice3A_105, %broadcast_in_dim3A_107 in 0 : vector<384x1xi32>, vector<128x1xi32> -> vector<512x1xi32>
    %slice3A_109 = vector.extract_strided_slice %select_n3A_104 {offsets = [128, 0], sizes = [384, 128], strides = [1, 1]} : vector<512x128xf32> to vector<384x128xf32>
    %broadcast_in_dim3A_110 = arith.constant 0.000000e+00 : f32
    %broadcast_in_dim3A_111 = vector.broadcast %broadcast_in_dim3A_110 : f32 to vector<128x128xf32>
    %concatenate3A_112 = tpu.concatenate %slice3A_109, %broadcast_in_dim3A_111 in 0 : vector<384x128xf32>, vector<128x128xf32> -> vector<512x128xf32>
    %eq3A_113 = arith.cmpi eq, %concatenate3A_108, %get3A_18 : vector<512x1xi32>
    %max3A_114 = arith.maximumf %select_n3A_104, %concatenate3A_112 : vector<512x128xf32>
    %broadcast_in_dim3A_115 = vector.shape_cast %eq3A_113 : vector<512x1xi1> to vector<512x1xi1>
    %broadcast_in_dim3A_116 = vector.broadcast %broadcast_in_dim3A_115 : vector<512x1xi1> to vector<512x128xi1>
    %select_n3A_117 = arith.select %broadcast_in_dim3A_116, %max3A_114, %select_n3A_104 : vector<512x128xi1>, vector<512x128xf32>
    %slice3A_118 = vector.extract_strided_slice %get3A_18 {offsets = [256, 0], sizes = [256, 1], strides = [1, 1]} : vector<512x1xi32> to vector<256x1xi32>
    %broadcast_in_dim3A_119 = arith.constant -2 : i32
    %broadcast_in_dim3A_120 = vector.broadcast %broadcast_in_dim3A_119 : i32 to vector<256x1xi32>
    %concatenate3A_121 = tpu.concatenate %slice3A_118, %broadcast_in_dim3A_120 in 0 : vector<256x1xi32>, vector<256x1xi32> -> vector<512x1xi32>
    %slice3A_122 = vector.extract_strided_slice %select_n3A_117 {offsets = [256, 0], sizes = [256, 128], strides = [1, 1]} : vector<512x128xf32> to vector<256x128xf32>
    %broadcast_in_dim3A_123 = arith.constant 0.000000e+00 : f32
    %broadcast_in_dim3A_124 = vector.broadcast %broadcast_in_dim3A_123 : f32 to vector<256x128xf32>
    %concatenate3A_125 = tpu.concatenate %slice3A_122, %broadcast_in_dim3A_124 in 0 : vector<256x128xf32>, vector<256x128xf32> -> vector<512x128xf32>
    %eq3A_126 = arith.cmpi eq, %concatenate3A_121, %get3A_18 : vector<512x1xi32>
    %max3A_127 = arith.maximumf %select_n3A_117, %concatenate3A_125 : vector<512x128xf32>
    %broadcast_in_dim3A_128 = vector.shape_cast %eq3A_126 : vector<512x1xi1> to vector<512x1xi1>
    %broadcast_in_dim3A_129 = vector.broadcast %broadcast_in_dim3A_128 : vector<512x1xi1> to vector<512x128xi1>
    %select_n3A_130 = arith.select %broadcast_in_dim3A_129, %max3A_127, %select_n3A_117 : vector<512x128xi1>, vector<512x128xf32>
    %swap3A = arith.constant 0 : index
    %swap3A_131 = arith.constant 0 : index
    %swap3A_132 = vector.load %arg6[%swap3A, %swap3A_131] : memref<512x128xf32, #tpu.memory_space<vmem>>, vector<512x128xf32>
    tpu.vector_store %arg6[%swap3A, %swap3A_131], %select_n3A_130 {strides = array<i32>} : memref<512x128xf32, #tpu.memory_space<vmem>>, vector<512x128xf32>,
    return
  }
  func.func @transform_0(%arg0: i32) -> (i32, i32) {
    %c0_i32 = arith.constant 0 : i32
    %c0_i32_0 = arith.constant 0 : i32
    return %arg0, %c0_i32 : i32, i32
  }
  func.func @transform_1(%arg0: i32) -> (i32, i32) {
    %c0_i32 = arith.constant 0 : i32
    %c0_i32_0 = arith.constant 0 : i32
    return %arg0, %c0_i32 : i32, i32
  }
  func.func @transform_2(%arg0: i32) -> (i32, i32) {
    %c0_i32 = arith.constant 0 : i32
    %c0_i32_0 = arith.constant 0 : i32
    return %arg0, %c0_i32 : i32, i32
  }
  func.func @transform_3(%arg0: i32) -> (i32, i32) {
    %c0_i32 = arith.constant 0 : i32
    %c0_i32_0 = arith.constant 0 : i32
    %c0_i32_1 = arith.constant 0 : i32
    return %c0_i32, %c0_i32_0 : i32, i32
  }
  func.func @transform_4(%arg0: i32) -> (i32, i32) {
    %c0_i32 = arith.constant 0 : i32
    %c0_i32_0 = arith.constant 0 : i32
    %c0_i32_1 = arith.constant 0 : i32
    return %c0_i32, %c0_i32_0 : i32, i32
  }
  func.func @transform_5(%arg0: i32) -> (i32, i32) {
    %c0_i32 = arith.constant 0 : i32
    %c0_i32_0 = arith.constant 0 : i32
    return %arg0, %c0_i32 : i32, i32
  }
}

module attributes {stable_mosaic.version = 14 : i64} {
  func.func @_merge_body(%arg0: memref<10000x128xf32, #tpu.memory_space<vmem>>, %arg1: memref<10000x1xi32, #tpu.memory_space<vmem>>, %arg2: memref<320x128xf32, #tpu.memory_space<vmem>>, %arg3: memref<320xi32, #tpu.memory_space<smem>>, %arg4: memref<10000x128xf32, #tpu.memory_space<vmem>>) attributes {dimension_semantics = [], scalar_prefetch = 0 : i64, scratch_operands = 0 : i64, tpu.core_type = #tpu.core_type<tc>} {
    %get3A = arith.constant 0 : index
    %get3A_0 = arith.constant 0 : index
    %get3A_1 = vector.load %arg1[%get3A, %get3A_0] : memref<10000x1xi32, #tpu.memory_space<vmem>>, vector<10000x1xi32>
    %gt3A = arith.constant 0 : i32
    %gt3A_2 = vector.broadcast %gt3A : i32 to vector<10000x1xi32>
    %gt3A_3 = arith.cmpi sgt, %get3A_1, %gt3A_2 : vector<10000x1xi32>
    %get3A_4 = arith.constant 0 : index
    %get3A_5 = arith.constant 0 : index
    %get3A_6 = vector.load %arg0[%get3A_4, %get3A_5] : memref<10000x128xf32, #tpu.memory_space<vmem>>, vector<10000x128xf32>
    %jit3A = arith.constant 0.000000e+00 : f32
    %broadcast_in_dim3A = vector.shape_cast %gt3A_3 : vector<10000x1xi1> to vector<10000x1xi1>
    %broadcast_in_dim3A_7 = vector.broadcast %broadcast_in_dim3A : vector<10000x1xi1> to vector<10000x128xi1>
    %broadcast_in_dim3A_8 = vector.broadcast %jit3A : f32 to vector<10000x128xf32>
    %select_n3A = arith.select %broadcast_in_dim3A_7, %get3A_6, %broadcast_in_dim3A_8 : vector<10000x128xi1>, vector<10000x128xf32>
    %swap3A = arith.constant 0 : index
    %swap3A_9 = arith.constant 0 : index
    %swap3A_10 = vector.load %arg4[%swap3A, %swap3A_9] : memref<10000x128xf32, #tpu.memory_space<vmem>>, vector<10000x128xf32>
    tpu.vector_store %arg4[%swap3A, %swap3A_9], %select_n3A {strides = array<i32>} : memref<10000x128xf32, #tpu.memory_space<vmem>>, vector<10000x128xf32>,
    %scan3A = arith.constant 0 : i32
    %scan3A_11 = arith.constant 320 : i32
    %scan3A_12 = arith.addi %scan3A, %scan3A_11 : i32
    %scan3A_13 = arith.constant 1 : i32
    scf.for %scan3A_15 = %scan3A to %scan3A_12 step %scan3A_13  : i32 {
      %get3A_16 = arith.index_cast %scan3A_15 : i32 to index
      %get3A_17 = memref.load %arg3[%get3A_16] : memref<320xi32, #tpu.memory_space<smem>>
      %ge3A = arith.constant 0 : i32
      %ge3A_18 = arith.cmpi sge, %get3A_17, %ge3A : i32
      %convert_element_type3A = arith.extui %ge3A_18 : i1 to i32
      %cond3A = arith.constant 0 : i32
      %cond3A_19 = arith.cmpi ne, %convert_element_type3A, %cond3A : i32
      scf.if %cond3A_19 {
        %get3A_20 = arith.index_cast %get3A_17 : i32 to index
        %get3A_21 = arith.constant 0 : index
        %get3A_22 = vector.load %arg4[%get3A_20, %get3A_21] : memref<10000x128xf32, #tpu.memory_space<vmem>>, vector<1x128xf32>
        %get3A_23 = arith.index_cast %scan3A_15 : i32 to index
        %get3A_24 = arith.constant 0 : index
        %get3A_25 = vector.load %arg2[%get3A_23, %get3A_24] : memref<320x128xf32, #tpu.memory_space<vmem>>, vector<1x128xf32>
        %max3A = arith.maximumf %get3A_22, %get3A_25 : vector<1x128xf32>
        %swap3A_26 = arith.index_cast %get3A_17 : i32 to index
        %swap3A_27 = arith.constant 0 : index
        %swap3A_28 = vector.load %arg4[%swap3A_26, %swap3A_27] : memref<10000x128xf32, #tpu.memory_space<vmem>>, vector<1x128xf32>
        tpu.vector_store %arg4[%swap3A_26, %swap3A_27], %max3A {strides = array<i32>} : memref<10000x128xf32, #tpu.memory_space<vmem>>, vector<1x128xf32>,
      } else {
      }
    }
    %scan3A_14 = arith.constant 320 : i32
    return
  }
}

module attributes {stable_mosaic.version = 14 : i64} {
  func.func @_pq_body(%arg0: i32, %arg1: memref<1000x128xf32, #tpu.memory_space<vmem>>, %arg2: memref<256x128xf32, #tpu.memory_space<vmem>>, %arg3: memref<1x128xf32, #tpu.memory_space<vmem>>, %arg4: memref<1000x128xf32, #tpu.memory_space<vmem>>, %arg5: memref<1000x128xf32, #tpu.memory_space<vmem>>) attributes {dimension_semantics = [#tpu.dimension_semantics<arbitrary>], iteration_bounds = array<i64: 10>, scalar_prefetch = 0 : i64, scratch_operands = 0 : i64, tpu.core_type = #tpu.core_type<tc>, window_params = [{transform_indices = @transform_0, window_bounds = array<i64: 1000, 128>}, {pipeline_mode = #tpu.pipeline_mode<synchronous>, transform_indices = @transform_1, window_bounds = array<i64: 256, 128>}, {pipeline_mode = #tpu.pipeline_mode<synchronous>, transform_indices = @transform_2, window_bounds = array<i64: 1, 128>}, {transform_indices = @transform_3, window_bounds = array<i64: 1000, 128>}, {transform_indices = @transform_4, window_bounds = array<i64: 1000, 128>}]} {
    %get3A = arith.constant 0 : index
    %get3A_0 = arith.constant 0 : index
    %get3A_1 = vector.load %arg1[%get3A, %get3A_0] : memref<1000x128xf32, #tpu.memory_space<vmem>>, vector<1000x128xf32>
    %get3A_2 = arith.constant 0 : index
    %get3A_3 = arith.constant 0 : index
    %get3A_4 = vector.load %arg2[%get3A_2, %get3A_3] : memref<256x128xf32, #tpu.memory_space<vmem>>, vector<256x128xf32>
    %slice3A = vector.extract_strided_slice %get3A_4 {offsets = [128, 0], sizes = [128, 128], strides = [1, 1]} : vector<256x128xf32> to vector<128x128xf32>
    %slice3A_5 = vector.extract_strided_slice %get3A_4 {offsets = [0, 0], sizes = [128, 128], strides = [1, 1]} : vector<256x128xf32> to vector<128x128xf32>
    %sub3A = arith.subf %slice3A_5, %slice3A : vector<128x128xf32>
    %dot_general3A = arith.constant dense<0.000000e+00> : vector<1000x128xf32>
    %dot_general3A_6 = tpu.matmul %get3A_1, %sub3A, %dot_general3A {dimension_numbers = #tpu.dot_dimension_numbers<[1], [0], [0], [1], [0, 0, 1, 1], [], []>, transpose_lhs_hint = false} : vector<1000x128xf32>, vector<128x128xf32>, vector<1000x128xf32> -> vector<1000x128xf32>
    %get3A_7 = arith.constant 0 : index
    %get3A_8 = arith.constant 0 : index
    %get3A_9 = vector.load %arg3[%get3A_7, %get3A_8] : memref<1x128xf32, #tpu.memory_space<vmem>>, vector<1x128xf32>
    %add3A = vector.broadcast %get3A_9 : vector<1x128xf32> to vector<1000x128xf32>
    %add3A_10 = arith.addf %dot_general3A_6, %add3A : vector<1000x128xf32>
    %swap3A = arith.constant 0 : index
    %swap3A_11 = arith.constant 0 : index
    %swap3A_12 = vector.load %arg4[%swap3A, %swap3A_11] : memref<1000x128xf32, #tpu.memory_space<vmem>>, vector<1000x128xf32>
    tpu.vector_store %arg4[%swap3A, %swap3A_11], %add3A_10 {strides = array<i32>} : memref<1000x128xf32, #tpu.memory_space<vmem>>, vector<1000x128xf32>,
    %dot_general3A_13 = arith.constant dense<0.000000e+00> : vector<1000x128xf32>
    %dot_general3A_14 = tpu.matmul %get3A_1, %slice3A, %dot_general3A_13 {dimension_numbers = #tpu.dot_dimension_numbers<[1], [0], [0], [1], [0, 0, 1, 1], [], []>, transpose_lhs_hint = false} : vector<1000x128xf32>, vector<128x128xf32>, vector<1000x128xf32> -> vector<1000x128xf32>
    %swap3A_15 = arith.constant 0 : index
    %swap3A_16 = arith.constant 0 : index
    %swap3A_17 = vector.load %arg5[%swap3A_15, %swap3A_16] : memref<1000x128xf32, #tpu.memory_space<vmem>>, vector<1000x128xf32>
    tpu.vector_store %arg5[%swap3A_15, %swap3A_16], %dot_general3A_14 {strides = array<i32>} : memref<1000x128xf32, #tpu.memory_space<vmem>>, vector<1000x128xf32>,
    return
  }
  func.func @transform_0(%arg0: i32) -> (i32, i32) {
    %c0_i32 = arith.constant 0 : i32
    %c0_i32_0 = arith.constant 0 : i32
    return %arg0, %c0_i32 : i32, i32
  }
  func.func @transform_1(%arg0: i32) -> (i32, i32) {
    %c0_i32 = arith.constant 0 : i32
    %c0_i32_0 = arith.constant 0 : i32
    %c0_i32_1 = arith.constant 0 : i32
    return %c0_i32, %c0_i32_0 : i32, i32
  }
  func.func @transform_2(%arg0: i32) -> (i32, i32) {
    %c0_i32 = arith.constant 0 : i32
    %c0_i32_0 = arith.constant 0 : i32
    %c0_i32_1 = arith.constant 0 : i32
    return %c0_i32, %c0_i32_0 : i32, i32
  }
  func.func @transform_3(%arg0: i32) -> (i32, i32) {
    %c0_i32 = arith.constant 0 : i32
    %c0_i32_0 = arith.constant 0 : i32
    return %arg0, %c0_i32 : i32, i32
  }
  func.func @transform_4(%arg0: i32) -> (i32, i32) {
    %c0_i32 = arith.constant 0 : i32
    %c0_i32_0 = arith.constant 0 : i32
    return %arg0, %c0_i32 : i32, i32
  }
}

module attributes {stable_mosaic.version = 14 : i64} {
  func.func @_pq_body(%arg0: i32, %arg1: memref<1000x128xf32, #tpu.memory_space<vmem>>, %arg2: memref<256x256xf32, #tpu.memory_space<vmem>>, %arg3: memref<1x256xf32, #tpu.memory_space<vmem>>, %arg4: memref<1000x256xf32, #tpu.memory_space<vmem>>, %arg5: memref<1000x256xf32, #tpu.memory_space<vmem>>) attributes {dimension_semantics = [#tpu.dimension_semantics<arbitrary>], iteration_bounds = array<i64: 10>, scalar_prefetch = 0 : i64, scratch_operands = 0 : i64, tpu.core_type = #tpu.core_type<tc>, window_params = [{transform_indices = @transform_0, window_bounds = array<i64: 1000, 128>}, {pipeline_mode = #tpu.pipeline_mode<synchronous>, transform_indices = @transform_1, window_bounds = array<i64: 256, 256>}, {pipeline_mode = #tpu.pipeline_mode<synchronous>, transform_indices = @transform_2, window_bounds = array<i64: 1, 256>}, {transform_indices = @transform_3, window_bounds = array<i64: 1000, 256>}, {transform_indices = @transform_4, window_bounds = array<i64: 1000, 256>}]} {
    %get3A = arith.constant 0 : index
    %get3A_0 = arith.constant 0 : index
    %get3A_1 = vector.load %arg1[%get3A, %get3A_0] : memref<1000x128xf32, #tpu.memory_space<vmem>>, vector<1000x128xf32>
    %get3A_2 = arith.constant 0 : index
    %get3A_3 = arith.constant 0 : index
    %get3A_4 = vector.load %arg2[%get3A_2, %get3A_3] : memref<256x256xf32, #tpu.memory_space<vmem>>, vector<256x256xf32>
    %slice3A = vector.extract_strided_slice %get3A_4 {offsets = [128, 0], sizes = [128, 256], strides = [1, 1]} : vector<256x256xf32> to vector<128x256xf32>
    %slice3A_5 = vector.extract_strided_slice %get3A_4 {offsets = [0, 0], sizes = [128, 256], strides = [1, 1]} : vector<256x256xf32> to vector<128x256xf32>
    %sub3A = arith.subf %slice3A_5, %slice3A : vector<128x256xf32>
    %dot_general3A = arith.constant dense<0.000000e+00> : vector<1000x256xf32>
    %dot_general3A_6 = tpu.matmul %get3A_1, %sub3A, %dot_general3A {dimension_numbers = #tpu.dot_dimension_numbers<[1], [0], [0], [1], [0, 0, 1, 1], [], []>, transpose_lhs_hint = false} : vector<1000x128xf32>, vector<128x256xf32>, vector<1000x256xf32> -> vector<1000x256xf32>
    %get3A_7 = arith.constant 0 : index
    %get3A_8 = arith.constant 0 : index
    %get3A_9 = vector.load %arg3[%get3A_7, %get3A_8] : memref<1x256xf32, #tpu.memory_space<vmem>>, vector<1x256xf32>
    %add3A = vector.broadcast %get3A_9 : vector<1x256xf32> to vector<1000x256xf32>
    %add3A_10 = arith.addf %dot_general3A_6, %add3A : vector<1000x256xf32>
    %swap3A = arith.constant 0 : index
    %swap3A_11 = arith.constant 0 : index
    %swap3A_12 = vector.load %arg4[%swap3A, %swap3A_11] : memref<1000x256xf32, #tpu.memory_space<vmem>>, vector<1000x256xf32>
    tpu.vector_store %arg4[%swap3A, %swap3A_11], %add3A_10 {strides = array<i32>} : memref<1000x256xf32, #tpu.memory_space<vmem>>, vector<1000x256xf32>,
    %dot_general3A_13 = arith.constant dense<0.000000e+00> : vector<1000x256xf32>
    %dot_general3A_14 = tpu.matmul %get3A_1, %slice3A, %dot_general3A_13 {dimension_numbers = #tpu.dot_dimension_numbers<[1], [0], [0], [1], [0, 0, 1, 1], [], []>, transpose_lhs_hint = false} : vector<1000x128xf32>, vector<128x256xf32>, vector<1000x256xf32> -> vector<1000x256xf32>
    %swap3A_15 = arith.constant 0 : index
    %swap3A_16 = arith.constant 0 : index
    %swap3A_17 = vector.load %arg5[%swap3A_15, %swap3A_16] : memref<1000x256xf32, #tpu.memory_space<vmem>>, vector<1000x256xf32>
    tpu.vector_store %arg5[%swap3A_15, %swap3A_16], %dot_general3A_14 {strides = array<i32>} : memref<1000x256xf32, #tpu.memory_space<vmem>>, vector<1000x256xf32>,
    return
  }
  func.func @transform_0(%arg0: i32) -> (i32, i32) {
    %c0_i32 = arith.constant 0 : i32
    %c0_i32_0 = arith.constant 0 : i32
    return %arg0, %c0_i32 : i32, i32
  }
  func.func @transform_1(%arg0: i32) -> (i32, i32) {
    %c0_i32 = arith.constant 0 : i32
    %c0_i32_0 = arith.constant 0 : i32
    %c0_i32_1 = arith.constant 0 : i32
    return %c0_i32, %c0_i32_0 : i32, i32
  }
  func.func @transform_2(%arg0: i32) -> (i32, i32) {
    %c0_i32 = arith.constant 0 : i32
    %c0_i32_0 = arith.constant 0 : i32
    %c0_i32_1 = arith.constant 0 : i32
    return %c0_i32, %c0_i32_0 : i32, i32
  }
  func.func @transform_3(%arg0: i32) -> (i32, i32) {
    %c0_i32 = arith.constant 0 : i32
    %c0_i32_0 = arith.constant 0 : i32
    return %arg0, %c0_i32 : i32, i32
  }
  func.func @transform_4(%arg0: i32) -> (i32, i32) {
    %c0_i32 = arith.constant 0 : i32
    %c0_i32_0 = arith.constant 0 : i32
    return %arg0, %c0_i32 : i32, i32
  }
}

module attributes {stable_mosaic.version = 14 : i64} {
  func.func @_msg_scan_body(%arg0: i32, %arg1: memref<512x256xf32, #tpu.memory_space<vmem>>, %arg2: memref<512x256xf32, #tpu.memory_space<vmem>>, %arg3: memref<512x1xi32, #tpu.memory_space<vmem>>, %arg4: memref<256x256xf32, #tpu.memory_space<vmem>>, %arg5: memref<1x256xf32, #tpu.memory_space<vmem>>, %arg6: memref<512x256xf32, #tpu.memory_space<vmem>>) attributes {dimension_semantics = [#tpu.dimension_semantics<arbitrary>], iteration_bounds = array<i64: 320>, scalar_prefetch = 0 : i64, scratch_operands = 0 : i64, tpu.core_type = #tpu.core_type<tc>, window_params = [{transform_indices = @transform_0, window_bounds = array<i64: 512, 256>}, {transform_indices = @transform_1, window_bounds = array<i64: 512, 256>}, {transform_indices = @transform_2, window_bounds = array<i64: 512, 1>}, {pipeline_mode = #tpu.pipeline_mode<synchronous>, transform_indices = @transform_3, window_bounds = array<i64: 256, 256>}, {pipeline_mode = #tpu.pipeline_mode<synchronous>, transform_indices = @transform_4, window_bounds = array<i64: 1, 256>}, {transform_indices = @transform_5, window_bounds = array<i64: 512, 256>}]} {
    %get3A = arith.constant 0 : index
    %get3A_0 = arith.constant 0 : index
    %get3A_1 = vector.load %arg1[%get3A, %get3A_0] : memref<512x256xf32, #tpu.memory_space<vmem>>, vector<512x256xf32>
    %get3A_2 = arith.constant 0 : index
    %get3A_3 = arith.constant 0 : index
    %get3A_4 = vector.load %arg2[%get3A_2, %get3A_3] : memref<512x256xf32, #tpu.memory_space<vmem>>, vector<512x256xf32>
    %add3A = arith.addf %get3A_1, %get3A_4 : vector<512x256xf32>
    %max3A = arith.constant 0.000000e+00 : f32
    %max3A_5 = vector.broadcast %max3A : f32 to vector<512x256xf32>
    %max3A_6 = arith.maximumf %add3A, %max3A_5 : vector<512x256xf32>
    %get3A_7 = arith.constant 0 : index
    %get3A_8 = arith.constant 0 : index
    %get3A_9 = vector.load %arg4[%get3A_7, %get3A_8] : memref<256x256xf32, #tpu.memory_space<vmem>>, vector<256x256xf32>
    %dot_general3A = arith.constant dense<0.000000e+00> : vector<512x256xf32>
    %dot_general3A_10 = tpu.matmul %max3A_6, %get3A_9, %dot_general3A {dimension_numbers = #tpu.dot_dimension_numbers<[1], [0], [0], [1], [0, 0, 1, 1], [], []>, transpose_lhs_hint = false} : vector<512x256xf32>, vector<256x256xf32>, vector<512x256xf32> -> vector<512x256xf32>
    %get3A_11 = arith.constant 0 : index
    %get3A_12 = arith.constant 0 : index
    %get3A_13 = vector.load %arg5[%get3A_11, %get3A_12] : memref<1x256xf32, #tpu.memory_space<vmem>>, vector<1x256xf32>
    %add3A_14 = vector.broadcast %get3A_13 : vector<1x256xf32> to vector<512x256xf32>
    %add3A_15 = arith.addf %dot_general3A_10, %add3A_14 : vector<512x256xf32>
    %get3A_16 = arith.constant 0 : index
    %get3A_17 = arith.constant 0 : index
    %get3A_18 = vector.load %arg3[%get3A_16, %get3A_17] : memref<512x1xi32, #tpu.memory_space<vmem>>, vector<512x1xi32>
    %slice3A = vector.extract_strided_slice %get3A_18 {offsets = [1, 0], sizes = [511, 1], strides = [1, 1]} : vector<512x1xi32> to vector<511x1xi32>
    %broadcast_in_dim3A = arith.constant -2 : i32
    %broadcast_in_dim3A_19 = vector.broadcast %broadcast_in_dim3A : i32 to vector<1x1xi32>
    %concatenate3A = tpu.concatenate %slice3A, %broadcast_in_dim3A_19 in 0 : vector<511x1xi32>, vector<1x1xi32> -> vector<512x1xi32>
    %slice3A_20 = vector.extract_strided_slice %add3A_15 {offsets = [1, 0], sizes = [511, 256], strides = [1, 1]} : vector<512x256xf32> to vector<511x256xf32>
    %broadcast_in_dim3A_21 = arith.constant 0.000000e+00 : f32
    %broadcast_in_dim3A_22 = vector.broadcast %broadcast_in_dim3A_21 : f32 to vector<1x256xf32>
    %concatenate3A_23 = tpu.concatenate %slice3A_20, %broadcast_in_dim3A_22 in 0 : vector<511x256xf32>, vector<1x256xf32> -> vector<512x256xf32>
    %eq3A = arith.cmpi eq, %concatenate3A, %get3A_18 : vector<512x1xi32>
    %max3A_24 = arith.maximumf %add3A_15, %concatenate3A_23 : vector<512x256xf32>
    %broadcast_in_dim3A_25 = vector.shape_cast %eq3A : vector<512x1xi1> to vector<512x1xi1>
    %broadcast_in_dim3A_26 = vector.broadcast %broadcast_in_dim3A_25 : vector<512x1xi1> to vector<512x256xi1>
    %select_n3A = arith.select %broadcast_in_dim3A_26, %max3A_24, %add3A_15 : vector<512x256xi1>, vector<512x256xf32>
    %slice3A_27 = vector.extract_strided_slice %get3A_18 {offsets = [2, 0], sizes = [510, 1], strides = [1, 1]} : vector<512x1xi32> to vector<510x1xi32>
    %broadcast_in_dim3A_28 = arith.constant -2 : i32
    %broadcast_in_dim3A_29 = vector.broadcast %broadcast_in_dim3A_28 : i32 to vector<2x1xi32>
    %concatenate3A_30 = tpu.concatenate %slice3A_27, %broadcast_in_dim3A_29 in 0 : vector<510x1xi32>, vector<2x1xi32> -> vector<512x1xi32>
    %slice3A_31 = vector.extract_strided_slice %select_n3A {offsets = [2, 0], sizes = [510, 256], strides = [1, 1]} : vector<512x256xf32> to vector<510x256xf32>
    %broadcast_in_dim3A_32 = arith.constant 0.000000e+00 : f32
    %broadcast_in_dim3A_33 = vector.broadcast %broadcast_in_dim3A_32 : f32 to vector<2x256xf32>
    %concatenate3A_34 = tpu.concatenate %slice3A_31, %broadcast_in_dim3A_33 in 0 : vector<510x256xf32>, vector<2x256xf32> -> vector<512x256xf32>
    %eq3A_35 = arith.cmpi eq, %concatenate3A_30, %get3A_18 : vector<512x1xi32>
    %max3A_36 = arith.maximumf %select_n3A, %concatenate3A_34 : vector<512x256xf32>
    %broadcast_in_dim3A_37 = vector.shape_cast %eq3A_35 : vector<512x1xi1> to vector<512x1xi1>
    %broadcast_in_dim3A_38 = vector.broadcast %broadcast_in_dim3A_37 : vector<512x1xi1> to vector<512x256xi1>
    %select_n3A_39 = arith.select %broadcast_in_dim3A_38, %max3A_36, %select_n3A : vector<512x256xi1>, vector<512x256xf32>
    %slice3A_40 = vector.extract_strided_slice %get3A_18 {offsets = [4, 0], sizes = [508, 1], strides = [1, 1]} : vector<512x1xi32> to vector<508x1xi32>
    %broadcast_in_dim3A_41 = arith.constant -2 : i32
    %broadcast_in_dim3A_42 = vector.broadcast %broadcast_in_dim3A_41 : i32 to vector<4x1xi32>
    %concatenate3A_43 = tpu.concatenate %slice3A_40, %broadcast_in_dim3A_42 in 0 : vector<508x1xi32>, vector<4x1xi32> -> vector<512x1xi32>
    %slice3A_44 = vector.extract_strided_slice %select_n3A_39 {offsets = [4, 0], sizes = [508, 256], strides = [1, 1]} : vector<512x256xf32> to vector<508x256xf32>
    %broadcast_in_dim3A_45 = arith.constant 0.000000e+00 : f32
    %broadcast_in_dim3A_46 = vector.broadcast %broadcast_in_dim3A_45 : f32 to vector<4x256xf32>
    %concatenate3A_47 = tpu.concatenate %slice3A_44, %broadcast_in_dim3A_46 in 0 : vector<508x256xf32>, vector<4x256xf32> -> vector<512x256xf32>
    %eq3A_48 = arith.cmpi eq, %concatenate3A_43, %get3A_18 : vector<512x1xi32>
    %max3A_49 = arith.maximumf %select_n3A_39, %concatenate3A_47 : vector<512x256xf32>
    %broadcast_in_dim3A_50 = vector.shape_cast %eq3A_48 : vector<512x1xi1> to vector<512x1xi1>
    %broadcast_in_dim3A_51 = vector.broadcast %broadcast_in_dim3A_50 : vector<512x1xi1> to vector<512x256xi1>
    %select_n3A_52 = arith.select %broadcast_in_dim3A_51, %max3A_49, %select_n3A_39 : vector<512x256xi1>, vector<512x256xf32>
    %slice3A_53 = vector.extract_strided_slice %get3A_18 {offsets = [8, 0], sizes = [504, 1], strides = [1, 1]} : vector<512x1xi32> to vector<504x1xi32>
    %broadcast_in_dim3A_54 = arith.constant -2 : i32
    %broadcast_in_dim3A_55 = vector.broadcast %broadcast_in_dim3A_54 : i32 to vector<8x1xi32>
    %concatenate3A_56 = tpu.concatenate %slice3A_53, %broadcast_in_dim3A_55 in 0 : vector<504x1xi32>, vector<8x1xi32> -> vector<512x1xi32>
    %slice3A_57 = vector.extract_strided_slice %select_n3A_52 {offsets = [8, 0], sizes = [504, 256], strides = [1, 1]} : vector<512x256xf32> to vector<504x256xf32>
    %broadcast_in_dim3A_58 = arith.constant 0.000000e+00 : f32
    %broadcast_in_dim3A_59 = vector.broadcast %broadcast_in_dim3A_58 : f32 to vector<8x256xf32>
    %concatenate3A_60 = tpu.concatenate %slice3A_57, %broadcast_in_dim3A_59 in 0 : vector<504x256xf32>, vector<8x256xf32> -> vector<512x256xf32>
    %eq3A_61 = arith.cmpi eq, %concatenate3A_56, %get3A_18 : vector<512x1xi32>
    %max3A_62 = arith.maximumf %select_n3A_52, %concatenate3A_60 : vector<512x256xf32>
    %broadcast_in_dim3A_63 = vector.shape_cast %eq3A_61 : vector<512x1xi1> to vector<512x1xi1>
    %broadcast_in_dim3A_64 = vector.broadcast %broadcast_in_dim3A_63 : vector<512x1xi1> to vector<512x256xi1>
    %select_n3A_65 = arith.select %broadcast_in_dim3A_64, %max3A_62, %select_n3A_52 : vector<512x256xi1>, vector<512x256xf32>
    %slice3A_66 = vector.extract_strided_slice %get3A_18 {offsets = [16, 0], sizes = [496, 1], strides = [1, 1]} : vector<512x1xi32> to vector<496x1xi32>
    %broadcast_in_dim3A_67 = arith.constant -2 : i32
    %broadcast_in_dim3A_68 = vector.broadcast %broadcast_in_dim3A_67 : i32 to vector<16x1xi32>
    %concatenate3A_69 = tpu.concatenate %slice3A_66, %broadcast_in_dim3A_68 in 0 : vector<496x1xi32>, vector<16x1xi32> -> vector<512x1xi32>
    %slice3A_70 = vector.extract_strided_slice %select_n3A_65 {offsets = [16, 0], sizes = [496, 256], strides = [1, 1]} : vector<512x256xf32> to vector<496x256xf32>
    %broadcast_in_dim3A_71 = arith.constant 0.000000e+00 : f32
    %broadcast_in_dim3A_72 = vector.broadcast %broadcast_in_dim3A_71 : f32 to vector<16x256xf32>
    %concatenate3A_73 = tpu.concatenate %slice3A_70, %broadcast_in_dim3A_72 in 0 : vector<496x256xf32>, vector<16x256xf32> -> vector<512x256xf32>
    %eq3A_74 = arith.cmpi eq, %concatenate3A_69, %get3A_18 : vector<512x1xi32>
    %max3A_75 = arith.maximumf %select_n3A_65, %concatenate3A_73 : vector<512x256xf32>
    %broadcast_in_dim3A_76 = vector.shape_cast %eq3A_74 : vector<512x1xi1> to vector<512x1xi1>
    %broadcast_in_dim3A_77 = vector.broadcast %broadcast_in_dim3A_76 : vector<512x1xi1> to vector<512x256xi1>
    %select_n3A_78 = arith.select %broadcast_in_dim3A_77, %max3A_75, %select_n3A_65 : vector<512x256xi1>, vector<512x256xf32>
    %slice3A_79 = vector.extract_strided_slice %get3A_18 {offsets = [32, 0], sizes = [480, 1], strides = [1, 1]} : vector<512x1xi32> to vector<480x1xi32>
    %broadcast_in_dim3A_80 = arith.constant -2 : i32
    %broadcast_in_dim3A_81 = vector.broadcast %broadcast_in_dim3A_80 : i32 to vector<32x1xi32>
    %concatenate3A_82 = tpu.concatenate %slice3A_79, %broadcast_in_dim3A_81 in 0 : vector<480x1xi32>, vector<32x1xi32> -> vector<512x1xi32>
    %slice3A_83 = vector.extract_strided_slice %select_n3A_78 {offsets = [32, 0], sizes = [480, 256], strides = [1, 1]} : vector<512x256xf32> to vector<480x256xf32>
    %broadcast_in_dim3A_84 = arith.constant 0.000000e+00 : f32
    %broadcast_in_dim3A_85 = vector.broadcast %broadcast_in_dim3A_84 : f32 to vector<32x256xf32>
    %concatenate3A_86 = tpu.concatenate %slice3A_83, %broadcast_in_dim3A_85 in 0 : vector<480x256xf32>, vector<32x256xf32> -> vector<512x256xf32>
    %eq3A_87 = arith.cmpi eq, %concatenate3A_82, %get3A_18 : vector<512x1xi32>
    %max3A_88 = arith.maximumf %select_n3A_78, %concatenate3A_86 : vector<512x256xf32>
    %broadcast_in_dim3A_89 = vector.shape_cast %eq3A_87 : vector<512x1xi1> to vector<512x1xi1>
    %broadcast_in_dim3A_90 = vector.broadcast %broadcast_in_dim3A_89 : vector<512x1xi1> to vector<512x256xi1>
    %select_n3A_91 = arith.select %broadcast_in_dim3A_90, %max3A_88, %select_n3A_78 : vector<512x256xi1>, vector<512x256xf32>
    %slice3A_92 = vector.extract_strided_slice %get3A_18 {offsets = [64, 0], sizes = [448, 1], strides = [1, 1]} : vector<512x1xi32> to vector<448x1xi32>
    %broadcast_in_dim3A_93 = arith.constant -2 : i32
    %broadcast_in_dim3A_94 = vector.broadcast %broadcast_in_dim3A_93 : i32 to vector<64x1xi32>
    %concatenate3A_95 = tpu.concatenate %slice3A_92, %broadcast_in_dim3A_94 in 0 : vector<448x1xi32>, vector<64x1xi32> -> vector<512x1xi32>
    %slice3A_96 = vector.extract_strided_slice %select_n3A_91 {offsets = [64, 0], sizes = [448, 256], strides = [1, 1]} : vector<512x256xf32> to vector<448x256xf32>
    %broadcast_in_dim3A_97 = arith.constant 0.000000e+00 : f32
    %broadcast_in_dim3A_98 = vector.broadcast %broadcast_in_dim3A_97 : f32 to vector<64x256xf32>
    %concatenate3A_99 = tpu.concatenate %slice3A_96, %broadcast_in_dim3A_98 in 0 : vector<448x256xf32>, vector<64x256xf32> -> vector<512x256xf32>
    %eq3A_100 = arith.cmpi eq, %concatenate3A_95, %get3A_18 : vector<512x1xi32>
    %max3A_101 = arith.maximumf %select_n3A_91, %concatenate3A_99 : vector<512x256xf32>
    %broadcast_in_dim3A_102 = vector.shape_cast %eq3A_100 : vector<512x1xi1> to vector<512x1xi1>
    %broadcast_in_dim3A_103 = vector.broadcast %broadcast_in_dim3A_102 : vector<512x1xi1> to vector<512x256xi1>
    %select_n3A_104 = arith.select %broadcast_in_dim3A_103, %max3A_101, %select_n3A_91 : vector<512x256xi1>, vector<512x256xf32>
    %slice3A_105 = vector.extract_strided_slice %get3A_18 {offsets = [128, 0], sizes = [384, 1], strides = [1, 1]} : vector<512x1xi32> to vector<384x1xi32>
    %broadcast_in_dim3A_106 = arith.constant -2 : i32
    %broadcast_in_dim3A_107 = vector.broadcast %broadcast_in_dim3A_106 : i32 to vector<128x1xi32>
    %concatenate3A_108 = tpu.concatenate %slice3A_105, %broadcast_in_dim3A_107 in 0 : vector<384x1xi32>, vector<128x1xi32> -> vector<512x1xi32>
    %slice3A_109 = vector.extract_strided_slice %select_n3A_104 {offsets = [128, 0], sizes = [384, 256], strides = [1, 1]} : vector<512x256xf32> to vector<384x256xf32>
    %broadcast_in_dim3A_110 = arith.constant 0.000000e+00 : f32
    %broadcast_in_dim3A_111 = vector.broadcast %broadcast_in_dim3A_110 : f32 to vector<128x256xf32>
    %concatenate3A_112 = tpu.concatenate %slice3A_109, %broadcast_in_dim3A_111 in 0 : vector<384x256xf32>, vector<128x256xf32> -> vector<512x256xf32>
    %eq3A_113 = arith.cmpi eq, %concatenate3A_108, %get3A_18 : vector<512x1xi32>
    %max3A_114 = arith.maximumf %select_n3A_104, %concatenate3A_112 : vector<512x256xf32>
    %broadcast_in_dim3A_115 = vector.shape_cast %eq3A_113 : vector<512x1xi1> to vector<512x1xi1>
    %broadcast_in_dim3A_116 = vector.broadcast %broadcast_in_dim3A_115 : vector<512x1xi1> to vector<512x256xi1>
    %select_n3A_117 = arith.select %broadcast_in_dim3A_116, %max3A_114, %select_n3A_104 : vector<512x256xi1>, vector<512x256xf32>
    %slice3A_118 = vector.extract_strided_slice %get3A_18 {offsets = [256, 0], sizes = [256, 1], strides = [1, 1]} : vector<512x1xi32> to vector<256x1xi32>
    %broadcast_in_dim3A_119 = arith.constant -2 : i32
    %broadcast_in_dim3A_120 = vector.broadcast %broadcast_in_dim3A_119 : i32 to vector<256x1xi32>
    %concatenate3A_121 = tpu.concatenate %slice3A_118, %broadcast_in_dim3A_120 in 0 : vector<256x1xi32>, vector<256x1xi32> -> vector<512x1xi32>
    %slice3A_122 = vector.extract_strided_slice %select_n3A_117 {offsets = [256, 0], sizes = [256, 256], strides = [1, 1]} : vector<512x256xf32> to vector<256x256xf32>
    %broadcast_in_dim3A_123 = arith.constant 0.000000e+00 : f32
    %broadcast_in_dim3A_124 = vector.broadcast %broadcast_in_dim3A_123 : f32 to vector<256x256xf32>
    %concatenate3A_125 = tpu.concatenate %slice3A_122, %broadcast_in_dim3A_124 in 0 : vector<256x256xf32>, vector<256x256xf32> -> vector<512x256xf32>
    %eq3A_126 = arith.cmpi eq, %concatenate3A_121, %get3A_18 : vector<512x1xi32>
    %max3A_127 = arith.maximumf %select_n3A_117, %concatenate3A_125 : vector<512x256xf32>
    %broadcast_in_dim3A_128 = vector.shape_cast %eq3A_126 : vector<512x1xi1> to vector<512x1xi1>
    %broadcast_in_dim3A_129 = vector.broadcast %broadcast_in_dim3A_128 : vector<512x1xi1> to vector<512x256xi1>
    %select_n3A_130 = arith.select %broadcast_in_dim3A_129, %max3A_127, %select_n3A_117 : vector<512x256xi1>, vector<512x256xf32>
    %swap3A = arith.constant 0 : index
    %swap3A_131 = arith.constant 0 : index
    %swap3A_132 = vector.load %arg6[%swap3A, %swap3A_131] : memref<512x256xf32, #tpu.memory_space<vmem>>, vector<512x256xf32>
    tpu.vector_store %arg6[%swap3A, %swap3A_131], %select_n3A_130 {strides = array<i32>} : memref<512x256xf32, #tpu.memory_space<vmem>>, vector<512x256xf32>,
    return
  }
  func.func @transform_0(%arg0: i32) -> (i32, i32) {
    %c0_i32 = arith.constant 0 : i32
    %c0_i32_0 = arith.constant 0 : i32
    return %arg0, %c0_i32 : i32, i32
  }
  func.func @transform_1(%arg0: i32) -> (i32, i32) {
    %c0_i32 = arith.constant 0 : i32
    %c0_i32_0 = arith.constant 0 : i32
    return %arg0, %c0_i32 : i32, i32
  }
  func.func @transform_2(%arg0: i32) -> (i32, i32) {
    %c0_i32 = arith.constant 0 : i32
    %c0_i32_0 = arith.constant 0 : i32
    return %arg0, %c0_i32 : i32, i32
  }
  func.func @transform_3(%arg0: i32) -> (i32, i32) {
    %c0_i32 = arith.constant 0 : i32
    %c0_i32_0 = arith.constant 0 : i32
    %c0_i32_1 = arith.constant 0 : i32
    return %c0_i32, %c0_i32_0 : i32, i32
  }
  func.func @transform_4(%arg0: i32) -> (i32, i32) {
    %c0_i32 = arith.constant 0 : i32
    %c0_i32_0 = arith.constant 0 : i32
    %c0_i32_1 = arith.constant 0 : i32
    return %c0_i32, %c0_i32_0 : i32, i32
  }
  func.func @transform_5(%arg0: i32) -> (i32, i32) {
    %c0_i32 = arith.constant 0 : i32
    %c0_i32_0 = arith.constant 0 : i32
    return %arg0, %c0_i32 : i32, i32
  }
}

module attributes {stable_mosaic.version = 14 : i64} {
  func.func @_merge_body(%arg0: memref<10000x256xf32, #tpu.memory_space<vmem>>, %arg1: memref<10000x1xi32, #tpu.memory_space<vmem>>, %arg2: memref<320x256xf32, #tpu.memory_space<vmem>>, %arg3: memref<320xi32, #tpu.memory_space<smem>>, %arg4: memref<10000x256xf32, #tpu.memory_space<vmem>>) attributes {dimension_semantics = [], scalar_prefetch = 0 : i64, scratch_operands = 0 : i64, tpu.core_type = #tpu.core_type<tc>} {
    %get3A = arith.constant 0 : index
    %get3A_0 = arith.constant 0 : index
    %get3A_1 = vector.load %arg1[%get3A, %get3A_0] : memref<10000x1xi32, #tpu.memory_space<vmem>>, vector<10000x1xi32>
    %gt3A = arith.constant 0 : i32
    %gt3A_2 = vector.broadcast %gt3A : i32 to vector<10000x1xi32>
    %gt3A_3 = arith.cmpi sgt, %get3A_1, %gt3A_2 : vector<10000x1xi32>
    %get3A_4 = arith.constant 0 : index
    %get3A_5 = arith.constant 0 : index
    %get3A_6 = vector.load %arg0[%get3A_4, %get3A_5] : memref<10000x256xf32, #tpu.memory_space<vmem>>, vector<10000x256xf32>
    %jit3A = arith.constant 0.000000e+00 : f32
    %broadcast_in_dim3A = vector.shape_cast %gt3A_3 : vector<10000x1xi1> to vector<10000x1xi1>
    %broadcast_in_dim3A_7 = vector.broadcast %broadcast_in_dim3A : vector<10000x1xi1> to vector<10000x256xi1>
    %broadcast_in_dim3A_8 = vector.broadcast %jit3A : f32 to vector<10000x256xf32>
    %select_n3A = arith.select %broadcast_in_dim3A_7, %get3A_6, %broadcast_in_dim3A_8 : vector<10000x256xi1>, vector<10000x256xf32>
    %swap3A = arith.constant 0 : index
    %swap3A_9 = arith.constant 0 : index
    %swap3A_10 = vector.load %arg4[%swap3A, %swap3A_9] : memref<10000x256xf32, #tpu.memory_space<vmem>>, vector<10000x256xf32>
    tpu.vector_store %arg4[%swap3A, %swap3A_9], %select_n3A {strides = array<i32>} : memref<10000x256xf32, #tpu.memory_space<vmem>>, vector<10000x256xf32>,
    %scan3A = arith.constant 0 : i32
    %scan3A_11 = arith.constant 320 : i32
    %scan3A_12 = arith.addi %scan3A, %scan3A_11 : i32
    %scan3A_13 = arith.constant 1 : i32
    scf.for %scan3A_15 = %scan3A to %scan3A_12 step %scan3A_13  : i32 {
      %get3A_16 = arith.index_cast %scan3A_15 : i32 to index
      %get3A_17 = memref.load %arg3[%get3A_16] : memref<320xi32, #tpu.memory_space<smem>>
      %ge3A = arith.constant 0 : i32
      %ge3A_18 = arith.cmpi sge, %get3A_17, %ge3A : i32
      %convert_element_type3A = arith.extui %ge3A_18 : i1 to i32
      %cond3A = arith.constant 0 : i32
      %cond3A_19 = arith.cmpi ne, %convert_element_type3A, %cond3A : i32
      scf.if %cond3A_19 {
        %get3A_20 = arith.index_cast %get3A_17 : i32 to index
        %get3A_21 = arith.constant 0 : index
        %get3A_22 = vector.load %arg4[%get3A_20, %get3A_21] : memref<10000x256xf32, #tpu.memory_space<vmem>>, vector<1x256xf32>
        %get3A_23 = arith.index_cast %scan3A_15 : i32 to index
        %get3A_24 = arith.constant 0 : index
        %get3A_25 = vector.load %arg2[%get3A_23, %get3A_24] : memref<320x256xf32, #tpu.memory_space<vmem>>, vector<1x256xf32>
        %max3A = arith.maximumf %get3A_22, %get3A_25 : vector<1x256xf32>
        %swap3A_26 = arith.index_cast %get3A_17 : i32 to index
        %swap3A_27 = arith.constant 0 : index
        %swap3A_28 = vector.load %arg4[%swap3A_26, %swap3A_27] : memref<10000x256xf32, #tpu.memory_space<vmem>>, vector<1x256xf32>
        tpu.vector_store %arg4[%swap3A_26, %swap3A_27], %max3A {strides = array<i32>} : memref<10000x256xf32, #tpu.memory_space<vmem>>, vector<1x256xf32>,
      } else {
      }
    }
    %scan3A_14 = arith.constant 320 : i32
    return
  }
}

module attributes {stable_mosaic.version = 14 : i64} {
  func.func @_dec_body(%arg0: memref<10000x256xf32, #tpu.memory_space<vmem>>, %arg1: memref<10000x1xi32, #tpu.memory_space<vmem>>, %arg2: memref<256x128xf32, #tpu.memory_space<vmem>>, %arg3: memref<1x128xf32, #tpu.memory_space<vmem>>, %arg4: memref<128x256xf32, #tpu.memory_space<vmem>>, %arg5: memref<1x256xf32, #tpu.memory_space<vmem>>, %arg6: memref<256x3072xf32, #tpu.memory_space<vmem>>, %arg7: memref<1x3072xf32, #tpu.memory_space<vmem>>, %arg8: memref<8x3072xf32, #tpu.memory_space<vmem>>) attributes {dimension_semantics = [], scalar_prefetch = 0 : i64, scratch_operands = 0 : i64, tpu.core_type = #tpu.core_type<tc>} {
    %get3A = arith.constant 0 : index
    %get3A_0 = arith.constant 0 : index
    %get3A_1 = vector.load %arg0[%get3A, %get3A_0] : memref<10000x256xf32, #tpu.memory_space<vmem>>, vector<10000x256xf32>
    %get3A_2 = arith.constant 0 : index
    %get3A_3 = arith.constant 0 : index
    %get3A_4 = vector.load %arg1[%get3A_2, %get3A_3] : memref<10000x1xi32, #tpu.memory_space<vmem>>, vector<10000x1xi32>
    %eq3A = arith.constant 0 : i32
    %eq3A_5 = vector.broadcast %eq3A : i32 to vector<10000x1xi32>
    %eq3A_6 = arith.cmpi eq, %get3A_4, %eq3A_5 : vector<10000x1xi32>
    %jit3A = arith.constant 0xFF800000 : f32
    %broadcast_in_dim3A = vector.shape_cast %eq3A_6 : vector<10000x1xi1> to vector<10000x1xi1>
    %broadcast_in_dim3A_7 = vector.broadcast %broadcast_in_dim3A : vector<10000x1xi1> to vector<10000x256xi1>
    %broadcast_in_dim3A_8 = vector.broadcast %jit3A : f32 to vector<10000x256xf32>
    %select_n3A = arith.select %broadcast_in_dim3A_7, %get3A_1, %broadcast_in_dim3A_8 : vector<10000x256xi1>, vector<10000x256xf32>
    %reduce_max3A = arith.constant dense<0xFF800000> : vector<256xf32>
    %reduce_max3A_9 = vector.multi_reduction <maximumf>, %select_n3A, %reduce_max3A [0] : vector<10000x256xf32> to vector<256xf32>
    %broadcast_in_dim3A_10 = vector.shape_cast %reduce_max3A_9 : vector<256xf32> to vector<1x256xf32>
    %eq3A_11 = arith.constant 1 : i32
    %eq3A_12 = vector.broadcast %eq3A_11 : i32 to vector<10000x1xi32>
    %eq3A_13 = arith.cmpi eq, %get3A_4, %eq3A_12 : vector<10000x1xi32>
    %jit3A_14 = arith.constant 0xFF800000 : f32
    %broadcast_in_dim3A_15 = vector.shape_cast %eq3A_13 : vector<10000x1xi1> to vector<10000x1xi1>
    %broadcast_in_dim3A_16 = vector.broadcast %broadcast_in_dim3A_15 : vector<10000x1xi1> to vector<10000x256xi1>
    %broadcast_in_dim3A_17 = vector.broadcast %jit3A_14 : f32 to vector<10000x256xf32>
    %select_n3A_18 = arith.select %broadcast_in_dim3A_16, %get3A_1, %broadcast_in_dim3A_17 : vector<10000x256xi1>, vector<10000x256xf32>
    %reduce_max3A_19 = arith.constant dense<0xFF800000> : vector<256xf32>
    %reduce_max3A_20 = vector.multi_reduction <maximumf>, %select_n3A_18, %reduce_max3A_19 [0] : vector<10000x256xf32> to vector<256xf32>
    %broadcast_in_dim3A_21 = vector.shape_cast %reduce_max3A_20 : vector<256xf32> to vector<1x256xf32>
    %eq3A_22 = arith.constant 2 : i32
    %eq3A_23 = vector.broadcast %eq3A_22 : i32 to vector<10000x1xi32>
    %eq3A_24 = arith.cmpi eq, %get3A_4, %eq3A_23 : vector<10000x1xi32>
    %jit3A_25 = arith.constant 0xFF800000 : f32
    %broadcast_in_dim3A_26 = vector.shape_cast %eq3A_24 : vector<10000x1xi1> to vector<10000x1xi1>
    %broadcast_in_dim3A_27 = vector.broadcast %broadcast_in_dim3A_26 : vector<10000x1xi1> to vector<10000x256xi1>
    %broadcast_in_dim3A_28 = vector.broadcast %jit3A_25 : f32 to vector<10000x256xf32>
    %select_n3A_29 = arith.select %broadcast_in_dim3A_27, %get3A_1, %broadcast_in_dim3A_28 : vector<10000x256xi1>, vector<10000x256xf32>
    %reduce_max3A_30 = arith.constant dense<0xFF800000> : vector<256xf32>
    %reduce_max3A_31 = vector.multi_reduction <maximumf>, %select_n3A_29, %reduce_max3A_30 [0] : vector<10000x256xf32> to vector<256xf32>
    %broadcast_in_dim3A_32 = vector.shape_cast %reduce_max3A_31 : vector<256xf32> to vector<1x256xf32>
    %eq3A_33 = arith.constant 3 : i32
    %eq3A_34 = vector.broadcast %eq3A_33 : i32 to vector<10000x1xi32>
    %eq3A_35 = arith.cmpi eq, %get3A_4, %eq3A_34 : vector<10000x1xi32>
    %jit3A_36 = arith.constant 0xFF800000 : f32
    %broadcast_in_dim3A_37 = vector.shape_cast %eq3A_35 : vector<10000x1xi1> to vector<10000x1xi1>
    %broadcast_in_dim3A_38 = vector.broadcast %broadcast_in_dim3A_37 : vector<10000x1xi1> to vector<10000x256xi1>
    %broadcast_in_dim3A_39 = vector.broadcast %jit3A_36 : f32 to vector<10000x256xf32>
    %select_n3A_40 = arith.select %broadcast_in_dim3A_38, %get3A_1, %broadcast_in_dim3A_39 : vector<10000x256xi1>, vector<10000x256xf32>
    %reduce_max3A_41 = arith.constant dense<0xFF800000> : vector<256xf32>
    %reduce_max3A_42 = vector.multi_reduction <maximumf>, %select_n3A_40, %reduce_max3A_41 [0] : vector<10000x256xf32> to vector<256xf32>
    %broadcast_in_dim3A_43 = vector.shape_cast %reduce_max3A_42 : vector<256xf32> to vector<1x256xf32>
    %eq3A_44 = arith.constant 4 : i32
    %eq3A_45 = vector.broadcast %eq3A_44 : i32 to vector<10000x1xi32>
    %eq3A_46 = arith.cmpi eq, %get3A_4, %eq3A_45 : vector<10000x1xi32>
    %jit3A_47 = arith.constant 0xFF800000 : f32
    %broadcast_in_dim3A_48 = vector.shape_cast %eq3A_46 : vector<10000x1xi1> to vector<10000x1xi1>
    %broadcast_in_dim3A_49 = vector.broadcast %broadcast_in_dim3A_48 : vector<10000x1xi1> to vector<10000x256xi1>
    %broadcast_in_dim3A_50 = vector.broadcast %jit3A_47 : f32 to vector<10000x256xf32>
    %select_n3A_51 = arith.select %broadcast_in_dim3A_49, %get3A_1, %broadcast_in_dim3A_50 : vector<10000x256xi1>, vector<10000x256xf32>
    %reduce_max3A_52 = arith.constant dense<0xFF800000> : vector<256xf32>
    %reduce_max3A_53 = vector.multi_reduction <maximumf>, %select_n3A_51, %reduce_max3A_52 [0] : vector<10000x256xf32> to vector<256xf32>
    %broadcast_in_dim3A_54 = vector.shape_cast %reduce_max3A_53 : vector<256xf32> to vector<1x256xf32>
    %eq3A_55 = arith.constant 5 : i32
    %eq3A_56 = vector.broadcast %eq3A_55 : i32 to vector<10000x1xi32>
    %eq3A_57 = arith.cmpi eq, %get3A_4, %eq3A_56 : vector<10000x1xi32>
    %jit3A_58 = arith.constant 0xFF800000 : f32
    %broadcast_in_dim3A_59 = vector.shape_cast %eq3A_57 : vector<10000x1xi1> to vector<10000x1xi1>
    %broadcast_in_dim3A_60 = vector.broadcast %broadcast_in_dim3A_59 : vector<10000x1xi1> to vector<10000x256xi1>
    %broadcast_in_dim3A_61 = vector.broadcast %jit3A_58 : f32 to vector<10000x256xf32>
    %select_n3A_62 = arith.select %broadcast_in_dim3A_60, %get3A_1, %broadcast_in_dim3A_61 : vector<10000x256xi1>, vector<10000x256xf32>
    %reduce_max3A_63 = arith.constant dense<0xFF800000> : vector<256xf32>
    %reduce_max3A_64 = vector.multi_reduction <maximumf>, %select_n3A_62, %reduce_max3A_63 [0] : vector<10000x256xf32> to vector<256xf32>
    %broadcast_in_dim3A_65 = vector.shape_cast %reduce_max3A_64 : vector<256xf32> to vector<1x256xf32>
    %eq3A_66 = arith.constant 6 : i32
    %eq3A_67 = vector.broadcast %eq3A_66 : i32 to vector<10000x1xi32>
    %eq3A_68 = arith.cmpi eq, %get3A_4, %eq3A_67 : vector<10000x1xi32>
    %jit3A_69 = arith.constant 0xFF800000 : f32
    %broadcast_in_dim3A_70 = vector.shape_cast %eq3A_68 : vector<10000x1xi1> to vector<10000x1xi1>
    %broadcast_in_dim3A_71 = vector.broadcast %broadcast_in_dim3A_70 : vector<10000x1xi1> to vector<10000x256xi1>
    %broadcast_in_dim3A_72 = vector.broadcast %jit3A_69 : f32 to vector<10000x256xf32>
    %select_n3A_73 = arith.select %broadcast_in_dim3A_71, %get3A_1, %broadcast_in_dim3A_72 : vector<10000x256xi1>, vector<10000x256xf32>
    %reduce_max3A_74 = arith.constant dense<0xFF800000> : vector<256xf32>
    %reduce_max3A_75 = vector.multi_reduction <maximumf>, %select_n3A_73, %reduce_max3A_74 [0] : vector<10000x256xf32> to vector<256xf32>
    %broadcast_in_dim3A_76 = vector.shape_cast %reduce_max3A_75 : vector<256xf32> to vector<1x256xf32>
    %eq3A_77 = arith.constant 7 : i32
    %eq3A_78 = vector.broadcast %eq3A_77 : i32 to vector<10000x1xi32>
    %eq3A_79 = arith.cmpi eq, %get3A_4, %eq3A_78 : vector<10000x1xi32>
    %jit3A_80 = arith.constant 0xFF800000 : f32
    %broadcast_in_dim3A_81 = vector.shape_cast %eq3A_79 : vector<10000x1xi1> to vector<10000x1xi1>
    %broadcast_in_dim3A_82 = vector.broadcast %broadcast_in_dim3A_81 : vector<10000x1xi1> to vector<10000x256xi1>
    %broadcast_in_dim3A_83 = vector.broadcast %jit3A_80 : f32 to vector<10000x256xf32>
    %select_n3A_84 = arith.select %broadcast_in_dim3A_82, %get3A_1, %broadcast_in_dim3A_83 : vector<10000x256xi1>, vector<10000x256xf32>
    %reduce_max3A_85 = arith.constant dense<0xFF800000> : vector<256xf32>
    %reduce_max3A_86 = vector.multi_reduction <maximumf>, %select_n3A_84, %reduce_max3A_85 [0] : vector<10000x256xf32> to vector<256xf32>
    %broadcast_in_dim3A_87 = vector.shape_cast %reduce_max3A_86 : vector<256xf32> to vector<1x256xf32>
    %concatenate3A = tpu.concatenate %broadcast_in_dim3A_10, %broadcast_in_dim3A_21, %broadcast_in_dim3A_32, %broadcast_in_dim3A_43, %broadcast_in_dim3A_54, %broadcast_in_dim3A_65, %broadcast_in_dim3A_76, %broadcast_in_dim3A_87 in 0 : vector<1x256xf32>, vector<1x256xf32>, vector<1x256xf32>, vector<1x256xf32>, vector<1x256xf32>, vector<1x256xf32>, vector<1x256xf32>, vector<1x256xf32> -> vector<8x256xf32>
    %gt3A = arith.constant -3.000000e+38 : f32
    %gt3A_88 = vector.broadcast %gt3A : f32 to vector<8x256xf32>
    %gt3A_89 = arith.cmpf ogt, %concatenate3A, %gt3A_88 : vector<8x256xf32>
    %jit3A_90 = arith.constant 0.000000e+00 : f32
    %broadcast_in_dim3A_91 = vector.broadcast %jit3A_90 : f32 to vector<8x256xf32>
    %select_n3A_92 = arith.select %gt3A_89, %concatenate3A, %broadcast_in_dim3A_91 : vector<8x256xi1>, vector<8x256xf32>
    %get3A_93 = arith.constant 0 : index
    %get3A_94 = arith.constant 0 : index
    %get3A_95 = vector.load %arg2[%get3A_93, %get3A_94] : memref<256x128xf32, #tpu.memory_space<vmem>>, vector<256x128xf32>
    %dot_general3A = arith.constant dense<0.000000e+00> : vector<8x128xf32>
    %dot_general3A_96 = tpu.matmul %select_n3A_92, %get3A_95, %dot_general3A {dimension_numbers = #tpu.dot_dimension_numbers<[1], [0], [0], [1], [0, 0, 1, 1], [], []>, transpose_lhs_hint = false} : vector<8x256xf32>, vector<256x128xf32>, vector<8x128xf32> -> vector<8x128xf32>
    %get3A_97 = arith.constant 0 : index
    %get3A_98 = arith.constant 0 : index
    %get3A_99 = vector.load %arg3[%get3A_97, %get3A_98] : memref<1x128xf32, #tpu.memory_space<vmem>>, vector<1x128xf32>
    %add3A = vector.broadcast %get3A_99 : vector<1x128xf32> to vector<8x128xf32>
    %add3A_100 = arith.addf %dot_general3A_96, %add3A : vector<8x128xf32>
    %get3A_101 = arith.constant 0 : index
    %get3A_102 = arith.constant 0 : index
    %get3A_103 = vector.load %arg4[%get3A_101, %get3A_102] : memref<128x256xf32, #tpu.memory_space<vmem>>, vector<128x256xf32>
    %dot_general3A_104 = arith.constant dense<0.000000e+00> : vector<8x256xf32>
    %dot_general3A_105 = tpu.matmul %add3A_100, %get3A_103, %dot_general3A_104 {dimension_numbers = #tpu.dot_dimension_numbers<[1], [0], [0], [1], [0, 0, 1, 1], [], []>, transpose_lhs_hint = false} : vector<8x128xf32>, vector<128x256xf32>, vector<8x256xf32> -> vector<8x256xf32>
    %get3A_106 = arith.constant 0 : index
    %get3A_107 = arith.constant 0 : index
    %get3A_108 = vector.load %arg5[%get3A_106, %get3A_107] : memref<1x256xf32, #tpu.memory_space<vmem>>, vector<1x256xf32>
    %add3A_109 = vector.broadcast %get3A_108 : vector<1x256xf32> to vector<8x256xf32>
    %add3A_110 = arith.addf %dot_general3A_105, %add3A_109 : vector<8x256xf32>
    %max3A = arith.constant 0.000000e+00 : f32
    %max3A_111 = vector.broadcast %max3A : f32 to vector<8x256xf32>
    %max3A_112 = arith.maximumf %add3A_110, %max3A_111 : vector<8x256xf32>
    %get3A_113 = arith.constant 0 : index
    %get3A_114 = arith.constant 0 : index
    %get3A_115 = vector.load %arg6[%get3A_113, %get3A_114] : memref<256x3072xf32, #tpu.memory_space<vmem>>, vector<256x3072xf32>
    %dot_general3A_116 = arith.constant dense<0.000000e+00> : vector<8x3072xf32>
    %dot_general3A_117 = tpu.matmul %max3A_112, %get3A_115, %dot_general3A_116 {dimension_numbers = #tpu.dot_dimension_numbers<[1], [0], [0], [1], [0, 0, 1, 1], [], []>, transpose_lhs_hint = false} : vector<8x256xf32>, vector<256x3072xf32>, vector<8x3072xf32> -> vector<8x3072xf32>
    %get3A_118 = arith.constant 0 : index
    %get3A_119 = arith.constant 0 : index
    %get3A_120 = vector.load %arg7[%get3A_118, %get3A_119] : memref<1x3072xf32, #tpu.memory_space<vmem>>, vector<1x3072xf32>
    %add3A_121 = vector.broadcast %get3A_120 : vector<1x3072xf32> to vector<8x3072xf32>
    %add3A_122 = arith.addf %dot_general3A_117, %add3A_121 : vector<8x3072xf32>
    %swap3A = arith.constant 0 : index
    %swap3A_123 = arith.constant 0 : index
    %swap3A_124 = vector.load %arg8[%swap3A, %swap3A_123] : memref<8x3072xf32, #tpu.memory_space<vmem>>, vector<8x3072xf32>
    tpu.vector_store %arg8[%swap3A, %swap3A_123], %add3A_122 {strides = array<i32>} : memref<8x3072xf32, #tpu.memory_space<vmem>>, vector<8x3072xf32>,
    return
  }
}

</mosaic_0001>

<sc_bundles>
// kernel: gather_offload_async_start.1
scs
__scs_entry_jumppad:
0x0: {  	(pc) =	sbr.rel $0x88, $3  }
0x1: {  	(tag) =	ssettag $0x0;
	lr =	simm.s32 $0x1  }
0x2: {  	[smem:$0x3F8C] =	sst lr;
	_ =	strace $0xD0000000  }
0x3: {  	_ = 	snop  }
0x4: {  	_ = 	snop  }
0x5: {  	_ = 	snop  }
0x6: {  	_ = 	snop  }
0x7: {  	_ = 	snop  }
__scs_overlays_trampoline_lowered:
0x8: {  	[smem:$0x3F9B] =	sst s0  }
0x9: {  	[smem:$0x3F9C] =	sst s1  }
0xa: {  	[smem:$0x3F9D] =	sst s2  }
0xb: {  	[smem:$0x3F9E] =	sst s3  }
0xc: {  	[smem:$0x3F9F] =	sst s4  }
0xd: {  	[smem:$0x3FA0] =	sst s5  }
0xe: {  	[smem:$0x3FA1] =	sst s6  }
0xf: {  	[smem:$0x3FA2] =	sst s7  }
0x10: {  	[smem:$0x3FA3] =	sst s8  }
0x11: {  	[smem:$0x3FA4] =	sst s9;
	s0 =	simm.s32 @!p0 $0x0  }
0x12: {  	s1 =	sld [smem:$0x3F8A];
	s0 =	simm.s32 @p0 $0x1  }
0x13: {  	[smem:$0x3FA5] =	sst s0;
	s0 =	simm.s32 @!p1 $0x0  }
0x14: {  	s2 =	sld [smem:$0x3F89];
	s0 =	simm.s32 @p1 $0x1  }
0x15: {  	[smem:$0x3FA6] =	sst s0;
	s0 =	simm.s32 @!p2 $0x0  }
0x16: {  	s3 =	sld [smem:$0x3FDB];
	s0 =	simm.s32 @p2 $0x1  }
0x17: {  	s4 =	simm.s32 $0x1BF5;
	[smem:$0x3FA8] =	sst s0  }
0x18: {  	s0 =	sld [smem:$0x3F8B];
	_ =	swait.ge [sflag:s4], $0x0  }
0x19: {  	s7 =	sld [smem:$0x3F8C]  }
0x1a: {  	s8 =	sadd.s32 $0xFFFFE003, lr  }
0x1b: {  	s9 =	sadd.s32 $0xFFFFFEF7, lr;
	s5 =	simm.s32 $0xFFFFFFFF;
	p2 =	slt.u32 s8, $0xFFFFF086  }
0x1c: {  	p1 =	slt.u32 s9, $0xF7A;
	s5 =	simm.s32 @!p2 $0x0  }
0x1d: {  	s5 =	simm.s32 @p1 $0x1;
	p0 =	seq.s32 s7, s2  }
0x1e: {  	s7 =	smul.u32 @!p0 $0xF7A, s2;
	p2 =	seq.s32 @!p0 s5, $0x0  }
0x1f: {  	s9 =	smul.u32 $0xF7A, s1;
	s8 =	simm.s32 @!p0 $0x1BF5;
	p2 =	por !p2, p0  }
0x20: {  	[sflag:s8] =	ssyncset.s32 @!p0 $0xFFFFF086;
	s6 =	sadd.s32 @!p0 s3, s7;
	s7 =	simm.s32 @!p0 $0x108  }
0x21: {  	s3 =	sadd.s32 s3, s9;
	s6 =	sadd.s32 @!p0 $0x88, s6;
	s7 =	simm.s32 @p2 $0x1082  }
0x22: {  	[simem:s7], [sflag:s8] =	dma.local @!p0 [hbm:s6], $0xF7A  }
0x23: {  	s9 =	sor.u32 $0xD0000000, s2;
	s6 =	simm.s32 $0x108;
	_ =	swait.ge @!p0 [sflag:s8], $0x0  }
0x24: {  	s3 =	sadd.s32 $0x88, s3;
	s6 =	simm.s32 @!p1 $0x1082;
	[sflag:s4] =	ssyncset.s32 $0xFFFFF086  }
0x25: {  	[simem:s6], [sflag:s4] =	dma.local [hbm:s3], $0xF7A  }
0x26: {  	[smem:$0x3F8C] =	sst s1;
	(tag) =	ssettag s2;
	_ =	strace s9  }
0x27: {  	s1 =	sld [smem:$0x3F9C]  }
0x28: {  	s2 =	sld [smem:$0x3F9D]  }
0x29: {  	s4 =	sld [smem:$0x3F9F]  }
0x2a: {  	p0 =	seq.s32 s5, $0x0;
	s5 =	sld [smem:$0x3FA0]  }
0x2b: {  	s6 =	sld [smem:$0x3FA1]  }
0x2c: {  	s7 =	sld [smem:$0x3FA2]  }
0x2d: {  	s3 =	simm.s32 $0x108;
	s8 =	sld [smem:$0x3FA3]  }
0x2e: {  	s3 =	simm.s32 @!p0 $0x1082;
	s9 =	sld [smem:$0x3FA4]  }
0x2f: {  	lr =	sadd.s32 s0, s3;
	s0 =	sld [smem:$0x3F9B]  }
0x30: {  	s3 =	sld [smem:$0x3F9E]  }
0x31: {  	[smem:$0x3FA7] =	sst s10  }
0x32: {  	s10 =	sld [smem:$0x3FA5];
	_ =	sdelay $0x3  }
0x33: {  	p0 =	seq.s32 s10, $0x1;
	s10 =	sld [smem:$0x3FA7];
	_ =	sdelay $0x3  }
0x34: {  	[smem:$0x3FA7] =	sst s10  }
0x35: {  	s10 =	sld [smem:$0x3FA6];
	_ =	sdelay $0x3  }
0x36: {  	p1 =	seq.s32 s10, $0x1;
	s10 =	sld [smem:$0x3FA7];
	_ =	sdelay $0x3  }
0x37: {  	[smem:$0x3FA7] =	sst s10  }
0x38: {  	s10 =	sld [smem:$0x3FA8]  }
0x39: {  	_ = 	snop;
	(pc) =	sbr.ind lr, $3  }
0x3a: {  	_ = 	snop  }
0x3b: {  	_ = 	snop  }
0x3c: {  	p2 =	seq.s32 s10, $0x1;
	s10 =	sld [smem:$0x3FA7]  }
0x3d: {  	_ =	shalt  }
0x3e: {  	_ =	shalt  }
0x3f: {  	_ =	shalt  }
0x40: {  	_ =	shalt  }
0x41: {  	_ =	shalt  }
0x42: {  	_ =	shalt  }
0x43: {  	_ =	shalt  }
0x44: {  	_ =	shalt  }
0x45: {  	_ =	shalt  }
0x46: {  	_ =	shalt  }
0x47: {  	_ =	shalt  }
0x48: {  	_ =	shalt  }
0x49: {  	_ =	shalt  }
0x4a: {  	_ =	shalt  }
0x4b: {  	_ =	shalt  }
0x4c: {  	_ =	shalt  }
0x4d: {  	_ =	shalt  }
0x4e: {  	_ =	shalt  }
0x4f: {  	_ =	shalt  }
0x50: {  	_ =	shalt  }
0x51: {  	_ =	shalt  }
0x52: {  	_ =	shalt  }
0x53: {  	_ =	shalt  }
0x54: {  	_ =	shalt  }
0x55: {  	_ =	shalt  }
0x56: {  	_ =	shalt  }
0x57: {  	_ =	shalt  }
0x58: {  	_ =	shalt  }
0x59: {  	_ =	shalt  }
0x5a: {  	_ =	shalt  }
0x5b: {  	_ =	shalt  }
0x5c: {  	_ =	shalt  }
0x5d: {  	_ =	shalt  }
0x5e: {  	_ =	shalt  }
0x5f: {  	_ =	shalt  }
0x60: {  	_ =	shalt  }
0x61: {  	_ =	shalt  }
0x62: {  	_ =	shalt  }
0x63: {  	_ =	shalt  }
0x64: {  	_ =	shalt  }
0x65: {  	_ =	shalt  }
0x66: {  	_ =	shalt  }
0x67: {  	_ =	shalt  }
0x68: {  	_ =	shalt  }
0x69: {  	_ =	shalt  }
0x6a: {  	_ =	shalt  }
0x6b: {  	_ =	shalt  }
0x6c: {  	_ =	shalt  }
0x6d: {  	_ =	shalt  }
0x6e: {  	_ =	shalt  }
0x6f: {  	_ =	shalt  }
0x70: {  	_ =	shalt  }
0x71: {  	_ =	shalt  }
0x72: {  	_ =	shalt  }
0x73: {  	_ =	shalt  }
0x74: {  	_ =	shalt  }
0x75: {  	_ =	shalt  }
0x76: {  	_ =	shalt  }
0x77: {  	_ =	shalt  }
0x78: {  	_ =	shalt  }
0x79: {  	_ =	shalt  }
0x7a: {  	_ =	shalt  }
0x7b: {  	_ =	shalt  }
0x7c: {  	_ =	shalt  }
0x7d: {  	_ =	shalt  }
0x7e: {  	_ =	shalt  }
0x7f: {  	_ =	shalt  }
0x80: {  	_ =	shalt  }
0x81: {  	_ =	shalt  }
0x82: {  	_ =	shalt  }
0x83: {  	_ =	shalt  }
0x84: {  	_ =	shalt  }
0x85: {  	_ =	shalt  }
0x86: {  	_ =	shalt  }
0x87: {  	_ =	shalt  }
.Lfunc_end0:
.L_simem_size_0:
called_computation.1_lowered:
.L_overlay_start_0:
0x88: {  	s2 =	sld [smem:$0x3FD9]  }
0x89: {  	s3 =	sld [smem:$0x3FFE];
	_ =	sdelay $0x1  }
0x8a: {  	s1 =	srdreg.scid  }
0x8b: {  	s0 =	sand.u32 $0x1, s1  }
0x8c: {  	s17 =	sshll.u32 s0, $0xA;
	s2 =	sadd.s32 s3, s2  }
0x8d: {  	s2 =	sadd.s32 s2, s17  }
0x8e: {  	[smem:$0x3FB3] =	sst s2  }
0x8f: {  	_ = 	snop  }
0x90: {  	(tm) =	ssettm $0x1  }
0x91: {  	s18 =	sld [smem:$0x3FFB];
	_ =	sdelay $0x3  }
0x92: {  	_ =	strace s18  }
0x93: {  	s2 =	sld [smem:$0x3FFC];
	_ =	sdelay $0x3  }
0x94: {  	_ =	strace s2  }
0x95: {  	s2 =	sld [smem:$0x3FFD];
	_ =	sdelay $0x3  }
0x96: {  	_ =	strace s2  }
0x97: {  	_ =	strace $0x8FFFFFFF  }
0x98: {  	s19 =	sld [smem:$0x3FDB];
	_ =	sdelay $0x1  }
0x99: {  	s20 =	simm.s32 $_scs_section_size  }
0x9a: {  	s4 =	simm.s32 $_size__tile_overlayer_lowered;
	s5 =	simm.s32 $_tile_overlayer_lowered  }
0x9b: {  	s6 =	simm.s32 $0x1BFF;
	s21 =	sshll.u32 s5, $0x1;
	s3 =	sadd.s32 s20, s19  }
0x9c: {  	s22 =	simm.s32 $0x0;
	s4 =	sshll.u32 s4, $0x1;
	s5 =	sadd.s32 s21, s3  }
0x9d: {  	[timem:s22], [sflag:s6] =	dma.local [hbm:s5], s4  }
0x9e: {  	_ =	swait.ge [sflag:s6], s4  }
0x9f: {  	s4 =	ssub.s32 $0x0, s4;
	[sflag:s6] =	ssyncset.done $0x0  }
0xa0: {  	[sflag:s6] =	ssyncadd.s32 s4;
	_ =	sdelay $0x1  }
0xa1: {  	s23 =	simm.s32 $0x1B8B  }
0xa2: {  	_ =	swait.ge [sflag:s23], $0x1  }
0xa3: {  	[sflag:s23] =	ssyncset.done $0x0  }
0xa4: {  	[sflag:s23] =	ssyncadd.s32 $0xFFFFFFFF  }
0xa5: {  	s4 =	sld [smem:$0x0]  }
0xa6: {  	s5 =	sand.u32 $0xFFFFFFFE, s1  }
0xa7: {  	p0 =	sne.s32 s1, s5  }
0xa8: {  	s5 =	sshll.u32 @p0 s5, $0xE  }
0xa9: {  	s5 =	sadd.s32 @p0 $0x11B8D, s5;
	s6 =	sshll.u32 @p0 s4, $0x11  }
0xaa: {  	s5 =	sor.u32 @p0 s6, s5  }
0xab: {  	[sflag:s5] =	ssyncadd.remote.s32 @p0 $0x1;
	_ =	sdelay $0x1  }
0xac: {  	s5 =	simm.s32 @p0 $0x1B8D  }
0xad: {  	_ =	swait.eq @p0 [sflag:s5], $0x1  }
0xae: {  	[sflag:s5] =	ssyncadd.s32 @p0 $0xFFFFFFFF  }
0xaf: {  	s6 =	sshll.u32 @!p0 s1, $0xE  }
0xb0: {  	s6 =	sor.u32 @!p0 $0x4000, s6;
	s5 =	simm.s32 @!p0 $0x1B8D  }
0xb1: {  	s4 =	sshll.u32 @!p0 s4, $0x11;
	s6 =	sadd.s32 @!p0 $0x11B8D, s6;
	_ =	swait.eq @!p0 [sflag:s5], $0x1  }
0xb2: {  	s4 =	sor.u32 @!p0 s4, s6;
	[sflag:s5] =	ssyncadd.s32 @!p0 $0xFFFFFFFF  }
0xb3: {  	s25 =	simm.s32 $0x1B8E;
	s24 =	sld [smem:$0x3FFE];
	[sflag:s4] =	ssyncadd.remote.s32 @!p0 $0x1  }
0xb4: {  	s26 =	simm.s32 $execute0_lowered;
	[smem:$0x3FD2] =	sst s25  }
0xb5: {  	s5 =	sshll.u32 s26, $0x1;
	_ =	strace $0x80000049;
	[dreg:$0x1] =	wrdreg $0xFFFFFFFF  }
0xb6: {  	s28 =	simm.s32 $_size_execute0_lowered;
	s3 =	sadd.s32 s3, s5;
	[dreg:$0x0] =	wrdreg $0x0  }
0xb7: {  	s5 =	sshll.u32 s28, $0x1;
	[dreg:$0x2] =	wrdreg s3  }
0xb8: {  	[dreg:$0x3] =	wrdreg s5  }
0xb9: {  	[dreg:$0x4] =	wrdreg $0xC0  }
0xba: {  	_ =	task [dreg:s22], $0x5FFFF  }
0xbb: {  	[dreg:$0x1] =	wrdreg $0xFFFFFFFF  }
0xbc: {  	[dreg:$0x0] =	wrdreg $0x60  }
0xbd: {  	[dreg:$0x2] =	wrdreg s24  }
0xbe: {  	[dreg:$0x3] =	wrdreg $0xA  }
0xbf: {  	_ =	task.clear_ibuf [dreg:s22], $0x4FFFF;
	_ =	strace $0x90000049  }
0xc0: {  	s29 =	simm.s32 $0xA;
	_ =	strace $0x8000004B  }
0xc1: {  	_ =	swait.ge [sflag:s29], $0x1  }
0xc2: {  	[sflag:s29] =	ssyncadd.s32 $0xFFFFFFFF  }
0xc3: {  	_ =	strace $0x9000004B  }
0xc4: {  	_ =	sfence  }
0xc5: {  	s30 =	sld [smem:$0x0];
	_ =	sdelay $0x2  }
0xc6: {  	s31 =	sshll.u32 s1, $0xD;
	s1 =	sshrl.u32 s1, $0x2  }
0xc7: {  	s4 =	sand.u32 $0x4000, s31;
	s1 =	sadd.s32 s1, s30  }
0xc8: {  	s0 =	sor.u32 s4, s0;
	s1 =	sshll.u32 s1, $0x11  }
0xc9: {  	s0 =	sor.u32 s1, s0  }
0xca: {  	s0 =	sadd.s32 $0x8F2B, s0  }
0xcb: {  	[sflag:s0] =	ssyncadd.remote.s32 $0x1  }
0xcc: {  	_ =	sfence.sel $0xFFFF  }
0xcd: {  	[dreg:$0x0] =	wrdreg $0xFFFFFFFF;
	(pc) =	sbr.abs _section_cstart, $3  }
0xce: {  	[dreg:$0x1] =	wrdreg $0xFFFFFFFF  }
0xcf: {  	_ =	task.clear_ibuf [dreg:s22], $0x2FFFF;
	_ =	strace $0x9FFFFFFF  }
0xd0: {  	(tm) =	ssettm $0x7FFFFFFF  }
0xd1: {  	_ =	shalt  }
tec
execute0_lowered:
.L_overlay_start_1:
0x0: {  	(tag) =	ssettag $0x1  }
0x1: {  	s8 =	rddreg [dreg:$0x0]  }
0x2: {  	s0 =	rddreg [dreg:$0x1];
	_ =	strace $0x8000004A;
	s1 =	stileid.u32  }
0x3: {  	s3 =	srdreg.scid;
	s4 =	simm.s32 $0x1;
	s7 =	simm.s32 $0x1  }
0x4: {  	s9 =	simm.s32 $0x1;
	s10 =	simm.s32 $0x3;
	s13 =	simm.s32 $0x0  }
0x5: {  	s12 =	simm.s32 $0x0;
	s5 =	sand.u32 $0x1, s3;
	s6 =	sshll.u32 s1, $0x1  }
0x6: {  	s2 =	sadd.s32 $0x7400, s8;
	s3 =	sadd.s32 $0x11400, s8;
	s5 =	sor.u32 s6, s5  }
.Ltmp0:
0x7: {  	[sflag:s4] =	ssyncpa.u1 $0x0;
	p0 =	slt.u32 s5, $0x9;
	(pc) =	sbr.rel .LBB2_1-.Ltmp0, $4  }
0x8: {  	s6 =	simm.s32 $0x2;
	s7 =	simm.s32 @!p0 $0x0;
	p0 =	sne.s32 s5, $0x8  }
0x9: {  	[sflag:s6] =	ssyncpa.u1 $0x0;
	s5 =	smul.u32 $0xFA0, s5;
	s9 =	simm.s32 @!p0 $0x0  }
0xa: {  	s8 =	sadd.s32 $0x69800, s8;
	[sflag:s10] =	ssyncpa.u1 $0x0;
	s7 =	sadd.s32 s9, s7  }
0xb: {  	vm0 =	vmmov $0xffff;
	s10 =	simm.s32 $0x0;
	s11 =	smov.u32 s5;
	s9 =	sadd.s32 $0x1, s7  }
.LBB2_4:
0xc: {  	v2 =	vnsel vm1, $0x0, v2  }
0xd: {  	vm1 =	vgt.s32 v0, $0x0;
	v2 =	vmin.u32 v2, $0x270FF  }
0xe: {  	v0 =	vnsel vm1, $0x0, v0  }
0xf: {  	v0 =	vmin.u32 v0, $0x270FF  }
0x10: {  	[tilespmem:s18], [sflag:$0x1] =	stream.indirect_vreg.gather [hbm4b:s2+s10], $0x1, v1, vm0, $0x4038;
	[tilespmem:$0x3E80] =	vst v63  }
0x11: {  	(ifvalue) =	ssetifvalue $0x7FFFFFFF  }
0x12: {  	[tilespmem:s15], [sflag:$0x1] =	stream.indirect_vreg.gather [hbm4b:s2+s10], $0x1, v2, vm0, $0x4038;
	[tilespmem:$0x3E80] =	vst v63  }
0x13: {  	s29 =	sadd.s32 $0x10, s15;
	(ifvalue) =	ssetifvalue $0x7FFFFFFF  }
0x14: {  	[tilespmem:s29], [sflag:$0x1] =	stream.indirect_vreg.gather [hbm4b:s2+s10], $0x1, v0, vm0, $0x4038;
	[tilespmem:$0x3E80] =	vst v63  }
0x15: {  	_ =	swait.ge [sflag:s4], $0xFA0  }
0x16: {  	s30 =	sshrl.u32 s13, $0x3;
	[sflag:s4] =	ssyncset.done $0x0  }
0x17: {  	s31 =	sand.u32 $0x7, s13;
	s15 =	sadd.s32 s8, s30;
	[sflag:s4] =	ssyncadd.s32 $0xFFFFF060  }
0x18: {  	[hbm4b:s15+s31] =	stream.linear.scatter [tilespmem:s14], [sflag:$0x3], $0xFA0, $0x38;
	[tilespmem:$0x3E80] =	vst v63  }
.LBB2_5:
0x19: {  	s15 =	sadd.s32 $0x1F400, s11  }
0x1a: {  	p1 =	sgt.s32 s15, $0x270FF  }
0x1b: {  	s15 =	smov.u32 @p1 s5;
	p1 =	sne.s32 s12, s9  }
.Ltmp1:
0x1c: {  	p0 =	slt.u32 s12, $0x2;
	(pc) =	sbr.rel @!p1 .LBB2_6-.Ltmp1, $4  }
0x1d: {  	s14 =	simm.s32 @!p0 $0x3  }
0x1e: {  	_ =	swait.ge @!p0 [sflag:s14], $0xFA0  }
0x1f: {  	s16 =	sadd.s32 $0x1, s12;
	s13 =	smov.u32 s11;
	[sflag:s14] =	ssyncset.done @!p0 $0x0  }
0x20: {  	s12 =	smov.u32 s16;
	s11 =	smov.u32 s15;
	[sflag:s14] =	ssyncadd.s32 @!p0 $0xFFFFF060  }
.LBB2_1:
0x21: {  	p0 =	sge.u32 s12, s7  }
0x22: {  	s14 =	sxor.u32 @!p0 $0x1, s12  }
0x23: {  	s14 =	smul.u32 @!p0 $0x3E80, s14  }
0x24: {  	s31 =	sadd.s32 $0xFFFFFFFF, s12;
	s15 =	sshrl.u32 @!p0 s11, $0x3  }
0x25: {  	s16 =	sand.u32 @!p0 $0x7, s11;
	s15 =	sadd.s32 @!p0 s3, s15;
	s14 =	sshra.s32 @!p0 s14, $0x2  }
0x26: {  	[tilespmem:s14], [sflag:$0x2] =	stream.linear.gather @!p0 [hbm4b:s15+s16], $0xFA0, $0x38;
	[tilespmem:$0x3E80] =	vst v63  }
0x27: {  	p0 =	sge.u32 s31, s7  }
.Ltmp2:
0x28: {  	_ = 	snop;
	(pc) =	sbr.rel @p0 .LBB2_5-.Ltmp2, $1  }
0x29: {  	_ =	sdelay $0x3  }
0x2a: {  	s14 =	sand.u32 $0x1, s12  }
0x2b: {  	_ =	swait.ge [sflag:s6], $0xFA0;
	p0 =	seq.s32 s14, $0x1;
	s14 =	simm.s32 $0xFA0  }
0x2c: {  	[sflag:s6] =	ssyncset.done $0x0;
	s14 =	simm.s32 @!p0 $0x0  }
0x2d: {  	[sflag:s6] =	ssyncadd.s32 $0xFFFFF060;
	(ifvalue) =	ssetifvalue $0x7FFFFFFF;
	v0 =	vld.msk [tilespmem:s14+$0x0 ss:$0x1], $0xffff;
	_ =	sdelay $0x4  }
0x2e: {  	s15 =	sadd.s32 $0x10, s14;
	vm1 =	vgt.s32 v0, $0x0  }
0x2f: {  	v2 =	vld.msk [tilespmem:s15+$0x0 ss:$0x1], $0xffff;
	v1 =	vnsel vm1, $0x0, v0  }
0x30: {  	v1 =	vmin.u32 v1, $0x270FF;
	_ =	sdelay $0x2  }
0x31: {  	s17 =	simm.s32 $0x20;
	s14 =	sadd.s32 $0x1F40, s14;
	s16 =	sadd.s32 $0x10, s15  }
0x32: {  	s15 =	sadd.s32 $0x10, s14;
	s18 =	smov.u32 s14;
	v0 =	vld.msk [tilespmem:s16+$0x0 ss:$0x1], $0xffff;
	vm1 =	vgt.s32 v2, $0x0;
	(ifvalue) =	ssetifvalue $0x7FFFFFFF  }
.LBB2_3:
0x33: {  	[tilespmem:s18], [sflag:$0x1] =	stream.indirect_vreg.gather [hbm4b:s2+s10], $0x1, v1, vm0, $0x4038;
	[tilespmem:$0x3E80] =	vst v63  }
0x34: {  	s17 =	sadd.s32 $0x10, s17  }
0x35: {  	v2 =	vnsel vm1, $0x0, v2;
	p0 =	slt.u32 s17, $0xF90  }
.Ltmp3:
0x36: {  	s18 =	smov.u32 s15;
	v1 =	vmin.u32 v2, $0x270FF;
	(pc) =	sbr.rel @p0 .LBB2_3-.Ltmp3, $3  }
0x37: {  	_ =	sdelay $0x1  }
0x38: {  	s16 =	sadd.s32 $0x10, s16  }
0x39: {  	vm1 =	vgt.s32 v0, $0x0;
	s15 =	sadd.s32 $0x10, s15;
	v2 =	vmov v0;
	(ifvalue) =	ssetifvalue $0x7FFFFFFF;
	v0 =	vld.msk [tilespmem:s16+$0x0 ss:$0x1], $0xffff  }
.Ltmp4:
0x3a: {  	_ = 	snop;
	(pc) =	sbr.rel .LBB2_4-.Ltmp4, $1  }
0x3b: {  	_ =	sdelay $0x3  }
.LBB2_6:
0x3c: {  	_ =	sfence.sel $0x180000  }
0x3d: {  	s2 =	simm.s32 $0x2;
	[bflag:$0x0] =	sbarrier.arrive $0xFFFF  }
0x3e: {  	s30 =	simm.s32 $0x3;
	[sflag:s2] =	ssyncpa.u1 $0x1  }
0x3f: {  	s31 =	simm.s32 $0x1;
	[sflag:s30] =	ssyncpa.u1 $0x1  }
0x40: {  	[sflag:s31] =	ssyncpa.u1 $0x1  }
0x41: {  	p0 =	sne.s32 s1, $0x0;
	_ =	strace $0x9000004A  }
0x42: {  	s0 =	sadd.s32 @!p0 $0x100000, s0;
	[bflag:$0x2] =	sbarrier.arrive $0xFFFF  }
0x43: {  	[sflag:s0] =	ssyncadd.tile.s32 @!p0 $0x1;
	_ =	shalt  }
.Lfunc_end2:
_tile_overlayer_lowered:
.L_overlay_start_2:
0x44: {  	(tag) =	ssettag $0x2  }
0x45: {  	s0 =	rddreg [dreg:$0x0];
	s2 =	stileid.u32  }
0x46: {  	s1 =	rddreg [dreg:$0x1];
	p0 =	sne.s32 s2, $0x0  }
0x47: {  	s3 =	rddreg [dreg:$0x2];
	[bflag:$0x3] =	sbarrier.arrive $0xFFFF;
	s2 =	simm.s32 @!p0 $0x1C01  }
0x48: {  	[timem:s3], [sflag:s2] =	dma.local @!p0 [hbm:s0], s1  }
0x49: {  	s0 =	simm.s32 @!p0 $0x1  }
0x4a: {  	_ =	swait.ge @!p0 [sflag:s0], s1  }
0x4b: {  	s1 =	ssub.s32 @!p0 $0x0, s1;
	[sflag:s0] =	ssyncset.done @!p0 $0x0  }
0x4c: {  	[sflag:s0] =	ssyncadd.s32 @!p0 s1  }
0x4d: {  	[bflag:$0x3] =	sbarrier.arrive $0xFFFF  }
0x4e: {  	_ =	shalt  }

// kernel: gather_offload_async_start
scs
__scs_entry_jumppad:
0x0: {  	(pc) =	sbr.rel $0x88, $3  }
0x1: {  	(tag) =	ssettag $0x0;
	lr =	simm.s32 $0x1  }
0x2: {  	[smem:$0x3F8C] =	sst lr;
	_ =	strace $0xD0000000  }
0x3: {  	_ = 	snop  }
0x4: {  	_ = 	snop  }
0x5: {  	_ = 	snop  }
0x6: {  	_ = 	snop  }
0x7: {  	_ = 	snop  }
__scs_overlays_trampoline_lowered:
0x8: {  	[smem:$0x3F9B] =	sst s0  }
0x9: {  	[smem:$0x3F9C] =	sst s1  }
0xa: {  	[smem:$0x3F9D] =	sst s2  }
0xb: {  	[smem:$0x3F9E] =	sst s3  }
0xc: {  	[smem:$0x3F9F] =	sst s4  }
0xd: {  	[smem:$0x3FA0] =	sst s5  }
0xe: {  	[smem:$0x3FA1] =	sst s6  }
0xf: {  	[smem:$0x3FA2] =	sst s7  }
0x10: {  	[smem:$0x3FA3] =	sst s8  }
0x11: {  	[smem:$0x3FA4] =	sst s9;
	s0 =	simm.s32 @!p0 $0x0  }
0x12: {  	s1 =	sld [smem:$0x3F8A];
	s0 =	simm.s32 @p0 $0x1  }
0x13: {  	[smem:$0x3FA5] =	sst s0;
	s0 =	simm.s32 @!p1 $0x0  }
0x14: {  	s2 =	sld [smem:$0x3F89];
	s0 =	simm.s32 @p1 $0x1  }
0x15: {  	[smem:$0x3FA6] =	sst s0;
	s0 =	simm.s32 @!p2 $0x0  }
0x16: {  	s3 =	sld [smem:$0x3FDB];
	s0 =	simm.s32 @p2 $0x1  }
0x17: {  	s4 =	simm.s32 $0x1BF5;
	[smem:$0x3FA8] =	sst s0  }
0x18: {  	s0 =	sld [smem:$0x3F8B];
	_ =	swait.ge [sflag:s4], $0x0  }
0x19: {  	s7 =	sld [smem:$0x3F8C]  }
0x1a: {  	s8 =	sadd.s32 $0xFFFFE003, lr  }
0x1b: {  	s9 =	sadd.s32 $0xFFFFFEF7, lr;
	s5 =	simm.s32 $0xFFFFFFFF;
	p2 =	slt.u32 s8, $0xFFFFF086  }
0x1c: {  	p1 =	slt.u32 s9, $0xF7A;
	s5 =	simm.s32 @!p2 $0x0  }
0x1d: {  	s5 =	simm.s32 @p1 $0x1;
	p0 =	seq.s32 s7, s2  }
0x1e: {  	s7 =	smul.u32 @!p0 $0xF7A, s2;
	p2 =	seq.s32 @!p0 s5, $0x0  }
0x1f: {  	s9 =	smul.u32 $0xF7A, s1;
	s8 =	simm.s32 @!p0 $0x1BF5;
	p2 =	por !p2, p0  }
0x20: {  	[sflag:s8] =	ssyncset.s32 @!p0 $0xFFFFF086;
	s6 =	sadd.s32 @!p0 s3, s7;
	s7 =	simm.s32 @!p0 $0x108  }
0x21: {  	s3 =	sadd.s32 s3, s9;
	s6 =	sadd.s32 @!p0 $0x88, s6;
	s7 =	simm.s32 @p2 $0x1082  }
0x22: {  	[simem:s7], [sflag:s8] =	dma.local @!p0 [hbm:s6], $0xF7A  }
0x23: {  	s9 =	sor.u32 $0xD0000000, s2;
	s6 =	simm.s32 $0x108;
	_ =	swait.ge @!p0 [sflag:s8], $0x0  }
0x24: {  	s3 =	sadd.s32 $0x88, s3;
	s6 =	simm.s32 @!p1 $0x1082;
	[sflag:s4] =	ssyncset.s32 $0xFFFFF086  }
0x25: {  	[simem:s6], [sflag:s4] =	dma.local [hbm:s3], $0xF7A  }
0x26: {  	[smem:$0x3F8C] =	sst s1;
	(tag) =	ssettag s2;
	_ =	strace s9  }
0x27: {  	s1 =	sld [smem:$0x3F9C]  }
0x28: {  	s2 =	sld [smem:$0x3F9D]  }
0x29: {  	s4 =	sld [smem:$0x3F9F]  }
0x2a: {  	p0 =	seq.s32 s5, $0x0;
	s5 =	sld [smem:$0x3FA0]  }
0x2b: {  	s6 =	sld [smem:$0x3FA1]  }
0x2c: {  	s7 =	sld [smem:$0x3FA2]  }
0x2d: {  	s3 =	simm.s32 $0x108;
	s8 =	sld [smem:$0x3FA3]  }
0x2e: {  	s3 =	simm.s32 @!p0 $0x1082;
	s9 =	sld [smem:$0x3FA4]  }
0x2f: {  	lr =	sadd.s32 s0, s3;
	s0 =	sld [smem:$0x3F9B]  }
0x30: {  	s3 =	sld [smem:$0x3F9E]  }
0x31: {  	[smem:$0x3FA7] =	sst s10  }
0x32: {  	s10 =	sld [smem:$0x3FA5];
	_ =	sdelay $0x3  }
0x33: {  	p0 =	seq.s32 s10, $0x1;
	s10 =	sld [smem:$0x3FA7];
	_ =	sdelay $0x3  }
0x34: {  	[smem:$0x3FA7] =	sst s10  }
0x35: {  	s10 =	sld [smem:$0x3FA6];
	_ =	sdelay $0x3  }
0x36: {  	p1 =	seq.s32 s10, $0x1;
	s10 =	sld [smem:$0x3FA7];
	_ =	sdelay $0x3  }
0x37: {  	[smem:$0x3FA7] =	sst s10  }
0x38: {  	s10 =	sld [smem:$0x3FA8]  }
0x39: {  	_ = 	snop;
	(pc) =	sbr.ind lr, $3  }
0x3a: {  	_ = 	snop  }
0x3b: {  	_ = 	snop  }
0x3c: {  	p2 =	seq.s32 s10, $0x1;
	s10 =	sld [smem:$0x3FA7]  }
0x3d: {  	_ =	shalt  }
0x3e: {  	_ =	shalt  }
0x3f: {  	_ =	shalt  }
0x40: {  	_ =	shalt  }
0x41: {  	_ =	shalt  }
0x42: {  	_ =	shalt  }
0x43: {  	_ =	shalt  }
0x44: {  	_ =	shalt  }
0x45: {  	_ =	shalt  }
0x46: {  	_ =	shalt  }
0x47: {  	_ =	shalt  }
0x48: {  	_ =	shalt  }
0x49: {  	_ =	shalt  }
0x4a: {  	_ =	shalt  }
0x4b: {  	_ =	shalt  }
0x4c: {  	_ =	shalt  }
0x4d: {  	_ =	shalt  }
0x4e: {  	_ =	shalt  }
0x4f: {  	_ =	shalt  }
0x50: {  	_ =	shalt  }
0x51: {  	_ =	shalt  }
0x52: {  	_ =	shalt  }
0x53: {  	_ =	shalt  }
0x54: {  	_ =	shalt  }
0x55: {  	_ =	shalt  }
0x56: {  	_ =	shalt  }
0x57: {  	_ =	shalt  }
0x58: {  	_ =	shalt  }
0x59: {  	_ =	shalt  }
0x5a: {  	_ =	shalt  }
0x5b: {  	_ =	shalt  }
0x5c: {  	_ =	shalt  }
0x5d: {  	_ =	shalt  }
0x5e: {  	_ =	shalt  }
0x5f: {  	_ =	shalt  }
0x60: {  	_ =	shalt  }
0x61: {  	_ =	shalt  }
0x62: {  	_ =	shalt  }
0x63: {  	_ =	shalt  }
0x64: {  	_ =	shalt  }
0x65: {  	_ =	shalt  }
0x66: {  	_ =	shalt  }
0x67: {  	_ =	shalt  }
0x68: {  	_ =	shalt  }
0x69: {  	_ =	shalt  }
0x6a: {  	_ =	shalt  }
0x6b: {  	_ =	shalt  }
0x6c: {  	_ =	shalt  }
0x6d: {  	_ =	shalt  }
0x6e: {  	_ =	shalt  }
0x6f: {  	_ =	shalt  }
0x70: {  	_ =	shalt  }
0x71: {  	_ =	shalt  }
0x72: {  	_ =	shalt  }
0x73: {  	_ =	shalt  }
0x74: {  	_ =	shalt  }
0x75: {  	_ =	shalt  }
0x76: {  	_ =	shalt  }
0x77: {  	_ =	shalt  }
0x78: {  	_ =	shalt  }
0x79: {  	_ =	shalt  }
0x7a: {  	_ =	shalt  }
0x7b: {  	_ =	shalt  }
0x7c: {  	_ =	shalt  }
0x7d: {  	_ =	shalt  }
0x7e: {  	_ =	shalt  }
0x7f: {  	_ =	shalt  }
0x80: {  	_ =	shalt  }
0x81: {  	_ =	shalt  }
0x82: {  	_ =	shalt  }
0x83: {  	_ =	shalt  }
0x84: {  	_ =	shalt  }
0x85: {  	_ =	shalt  }
0x86: {  	_ =	shalt  }
0x87: {  	_ =	shalt  }
.Lfunc_end0:
.L_simem_size_0:
called_computation_lowered:
.L_overlay_start_0:
0x88: {  	s2 =	sld [smem:$0x3FD9]  }
0x89: {  	s3 =	sld [smem:$0x3FFE];
	_ =	sdelay $0x1  }
0x8a: {  	s1 =	srdreg.scid  }
0x8b: {  	s0 =	sand.u32 $0x1, s1  }
0x8c: {  	s16 =	sshll.u32 s0, $0xA;
	s2 =	sadd.s32 s3, s2  }
0x8d: {  	s2 =	sadd.s32 s2, s16  }
0x8e: {  	[smem:$0x3FB3] =	sst s2  }
0x8f: {  	_ = 	snop  }
0x90: {  	(tm) =	ssettm $0x1  }
0x91: {  	s17 =	sld [smem:$0x3FFB];
	_ =	sdelay $0x3  }
0x92: {  	_ =	strace s17  }
0x93: {  	s2 =	sld [smem:$0x3FFC];
	_ =	sdelay $0x3  }
0x94: {  	_ =	strace s2  }
0x95: {  	s2 =	sld [smem:$0x3FFD];
	_ =	sdelay $0x3  }
0x96: {  	_ =	strace s2  }
0x97: {  	_ =	strace $0x8FFFFFFF  }
0x98: {  	s18 =	sld [smem:$0x3FDB];
	_ =	sdelay $0x1  }
0x99: {  	s19 =	simm.s32 $_scs_section_size  }
0x9a: {  	s4 =	simm.s32 $_size__tile_overlayer_lowered;
	s5 =	simm.s32 $_tile_overlayer_lowered  }
0x9b: {  	s22 =	simm.s32 $0x1BFF;
	s21 =	sshll.u32 s5, $0x1;
	s2 =	sadd.s32 s19, s18  }
0x9c: {  	s6 =	simm.s32 $0x0;
	s20 =	sshll.u32 s4, $0x1;
	s4 =	sadd.s32 s21, s2  }
0x9d: {  	[timem:s6], [sflag:s22] =	dma.local [hbm:s4], s20  }
0x9e: {  	_ =	swait.ge [sflag:s22], s20  }
0x9f: {  	s3 =	ssub.s32 $0x0, s20;
	[sflag:s22] =	ssyncset.done $0x0  }
0xa0: {  	[sflag:s22] =	ssyncadd.s32 s3;
	_ =	sdelay $0x1  }
0xa1: {  	s23 =	simm.s32 $0x1B8B  }
0xa2: {  	_ =	swait.ge [sflag:s23], $0x1  }
0xa3: {  	[sflag:s23] =	ssyncset.done $0x0  }
0xa4: {  	s25 =	simm.s32 $0x1B8E;
	s24 =	sld [smem:$0x3FFE];
	[sflag:s23] =	ssyncadd.s32 $0xFFFFFFFF  }
0xa5: {  	s26 =	simm.s32 $execute0_lowered;
	[smem:$0x3FD2] =	sst s25  }
0xa6: {  	s4 =	sshll.u32 s26, $0x1;
	_ =	strace $0x80000046;
	[dreg:$0x1] =	wrdreg $0xFFFFFFFF  }
0xa7: {  	s28 =	simm.s32 $_size_execute0_lowered;
	s2 =	sadd.s32 s2, s4;
	[dreg:$0x0] =	wrdreg $0x0  }
0xa8: {  	s4 =	sshll.u32 s28, $0x1;
	[dreg:$0x2] =	wrdreg s2  }
0xa9: {  	[dreg:$0x3] =	wrdreg s4  }
0xaa: {  	[dreg:$0x4] =	wrdreg $0xC0  }
0xab: {  	_ =	task [dreg:s6], $0x5FFFF  }
0xac: {  	[dreg:$0x1] =	wrdreg $0xFFFFFFFF  }
0xad: {  	[dreg:$0x0] =	wrdreg $0x60  }
0xae: {  	[dreg:$0x2] =	wrdreg s24  }
0xaf: {  	[dreg:$0x3] =	wrdreg $0x9  }
0xb0: {  	_ =	task.clear_ibuf [dreg:s6], $0x4FFFF;
	_ =	strace $0x90000046  }
0xb1: {  	s29 =	simm.s32 $0x9;
	_ =	strace $0x80000048  }
0xb2: {  	_ =	swait.ge [sflag:s29], $0x1  }
0xb3: {  	[sflag:s29] =	ssyncadd.s32 $0xFFFFFFFF  }
0xb4: {  	_ =	strace $0x90000048  }
0xb5: {  	_ =	sfence  }
0xb6: {  	s30 =	sld [smem:$0x0];
	_ =	sdelay $0x2  }
0xb7: {  	s31 =	sshll.u32 s1, $0xD;
	s1 =	sshrl.u32 s1, $0x2  }
0xb8: {  	s3 =	sand.u32 $0x4000, s31;
	s1 =	sadd.s32 s1, s30  }
0xb9: {  	s0 =	sor.u32 s3, s0;
	s1 =	sshll.u32 s1, $0x11  }
0xba: {  	s0 =	sor.u32 s1, s0  }
0xbb: {  	s0 =	sadd.s32 $0x8F2B, s0  }
0xbc: {  	[sflag:s0] =	ssyncadd.remote.s32 $0x1  }
0xbd: {  	_ =	sfence.sel $0xFFFF  }
0xbe: {  	[dreg:$0x0] =	wrdreg $0xFFFFFFFF;
	(pc) =	sbr.abs _section_cstart, $3  }
0xbf: {  	[dreg:$0x1] =	wrdreg $0xFFFFFFFF  }
0xc0: {  	_ =	task.clear_ibuf [dreg:s6], $0x2FFFF;
	_ =	strace $0x9FFFFFFF  }
0xc1: {  	(tm) =	ssettm $0x7FFFFFFF  }
tec
execute0_lowered:
.L_overlay_start_1:
0x0: {  	(tag) =	ssettag $0x1  }
0x1: {  	s8 =	rddreg [dreg:$0x0]  }
0x2: {  	s0 =	rddreg [dreg:$0x1];
	_ =	strace $0x80000047;
	s1 =	stileid.u32  }
0x3: {  	s3 =	srdreg.scid;
	s4 =	simm.s32 $0x1;
	s7 =	simm.s32 $0x1  }
0x4: {  	s9 =	simm.s32 $0x1;
	s10 =	simm.s32 $0x3;
	s13 =	simm.s32 $0x0  }
0x5: {  	s12 =	simm.s32 $0x0;
	s5 =	sand.u32 $0x1, s3;
	s6 =	sshll.u32 s1, $0x1  }
0x6: {  	s2 =	sadd.s32 $0xC400, s8;
	s3 =	sadd.s32 $0x11400, s8;
	s5 =	sor.u32 s6, s5  }
.Ltmp0:
0x7: {  	[sflag:s4] =	ssyncpa.u1 $0x0;
	p0 =	slt.u32 s5, $0x9;
	(pc) =	sbr.rel .LBB2_1-.Ltmp0, $4  }
0x8: {  	s6 =	simm.s32 $0x2;
	s7 =	simm.s32 @!p0 $0x0;
	p0 =	sne.s32 s5, $0x8  }
0x9: {  	[sflag:s6] =	ssyncpa.u1 $0x0;
	s5 =	smul.u32 $0xFA0, s5;
	s9 =	simm.s32 @!p0 $0x0  }
0xa: {  	s8 =	sadd.s32 $0x64800, s8;
	[sflag:s10] =	ssyncpa.u1 $0x0;
	s7 =	sadd.s32 s9, s7  }
0xb: {  	vm0 =	vmmov $0xffff;
	s10 =	simm.s32 $0x0;
	s11 =	smov.u32 s5;
	s9 =	sadd.s32 $0x1, s7  }
.LBB2_4:
0xc: {  	v2 =	vnsel vm1, $0x0, v2  }
0xd: {  	vm1 =	vgt.s32 v0, $0x0;
	v2 =	vmin.u32 v2, $0x270FF  }
0xe: {  	v0 =	vnsel vm1, $0x0, v0  }
0xf: {  	v0 =	vmin.u32 v0, $0x270FF  }
0x10: {  	[tilespmem:s18], [sflag:$0x1] =	stream.indirect_vreg.gather [hbm4b:s2+s10], $0x1, v1, vm0, $0x4038;
	[tilespmem:$0x3E80] =	vst v63  }
0x11: {  	(ifvalue) =	ssetifvalue $0x7FFFFFFF  }
0x12: {  	[tilespmem:s15], [sflag:$0x1] =	stream.indirect_vreg.gather [hbm4b:s2+s10], $0x1, v2, vm0, $0x4038;
	[tilespmem:$0x3E80] =	vst v63  }
0x13: {  	s29 =	sadd.s32 $0x10, s15;
	(ifvalue) =	ssetifvalue $0x7FFFFFFF  }
0x14: {  	[tilespmem:s29], [sflag:$0x1] =	stream.indirect_vreg.gather [hbm4b:s2+s10], $0x1, v0, vm0, $0x4038;
	[tilespmem:$0x3E80] =	vst v63  }
0x15: {  	_ =	swait.ge [sflag:s4], $0xFA0  }
0x16: {  	s30 =	sshrl.u32 s13, $0x3;
	[sflag:s4] =	ssyncset.done $0x0  }
0x17: {  	s31 =	sand.u32 $0x7, s13;
	s15 =	sadd.s32 s8, s30;
	[sflag:s4] =	ssyncadd.s32 $0xFFFFF060  }
0x18: {  	[hbm4b:s15+s31] =	stream.linear.scatter [tilespmem:s14], [sflag:$0x3], $0xFA0, $0x38;
	[tilespmem:$0x3E80] =	vst v63  }
.LBB2_5:
0x19: {  	s15 =	sadd.s32 $0x1F400, s11  }
0x1a: {  	p1 =	sgt.s32 s15, $0x270FF  }
0x1b: {  	s15 =	smov.u32 @p1 s5;
	p1 =	sne.s32 s12, s9  }
.Ltmp1:
0x1c: {  	p0 =	slt.u32 s12, $0x2;
	(pc) =	sbr.rel @!p1 .LBB2_6-.Ltmp1, $4  }
0x1d: {  	s14 =	simm.s32 @!p0 $0x3  }
0x1e: {  	_ =	swait.ge @!p0 [sflag:s14], $0xFA0  }
0x1f: {  	s16 =	sadd.s32 $0x1, s12;
	s13 =	smov.u32 s11;
	[sflag:s14] =	ssyncset.done @!p0 $0x0  }
0x20: {  	s12 =	smov.u32 s16;
	s11 =	smov.u32 s15;
	[sflag:s14] =	ssyncadd.s32 @!p0 $0xFFFFF060  }
.LBB2_1:
0x21: {  	p0 =	sge.u32 s12, s7  }
0x22: {  	s14 =	sxor.u32 @!p0 $0x1, s12  }
0x23: {  	s14 =	smul.u32 @!p0 $0x3E80, s14  }
0x24: {  	s31 =	sadd.s32 $0xFFFFFFFF, s12;
	s15 =	sshrl.u32 @!p0 s11, $0x3  }
0x25: {  	s16 =	sand.u32 @!p0 $0x7, s11;
	s15 =	sadd.s32 @!p0 s3, s15;
	s14 =	sshra.s32 @!p0 s14, $0x2  }
0x26: {  	[tilespmem:s14], [sflag:$0x2] =	stream.linear.gather @!p0 [hbm4b:s15+s16], $0xFA0, $0x38;
	[tilespmem:$0x3E80] =	vst v63  }
0x27: {  	p0 =	sge.u32 s31, s7  }
.Ltmp2:
0x28: {  	_ = 	snop;
	(pc) =	sbr.rel @p0 .LBB2_5-.Ltmp2, $1  }
0x29: {  	_ =	sdelay $0x3  }
0x2a: {  	s14 =	sand.u32 $0x1, s12  }
0x2b: {  	_ =	swait.ge [sflag:s6], $0xFA0;
	p0 =	seq.s32 s14, $0x1;
	s14 =	simm.s32 $0xFA0  }
0x2c: {  	[sflag:s6] =	ssyncset.done $0x0;
	s14 =	simm.s32 @!p0 $0x0  }
0x2d: {  	[sflag:s6] =	ssyncadd.s32 $0xFFFFF060;
	(ifvalue) =	ssetifvalue $0x7FFFFFFF;
	v0 =	vld.msk [tilespmem:s14+$0x0 ss:$0x1], $0xffff;
	_ =	sdelay $0x4  }
0x2e: {  	s15 =	sadd.s32 $0x10, s14;
	vm1 =	vgt.s32 v0, $0x0  }
0x2f: {  	v2 =	vld.msk [tilespmem:s15+$0x0 ss:$0x1], $0xffff;
	v1 =	vnsel vm1, $0x0, v0  }
0x30: {  	v1 =	vmin.u32 v1, $0x270FF;
	_ =	sdelay $0x2  }
0x31: {  	s17 =	simm.s32 $0x20;
	s14 =	sadd.s32 $0x1F40, s14;
	s16 =	sadd.s32 $0x10, s15  }
0x32: {  	s15 =	sadd.s32 $0x10, s14;
	s18 =	smov.u32 s14;
	v0 =	vld.msk [tilespmem:s16+$0x0 ss:$0x1], $0xffff;
	vm1 =	vgt.s32 v2, $0x0;
	(ifvalue) =	ssetifvalue $0x7FFFFFFF  }
.LBB2_3:
0x33: {  	[tilespmem:s18], [sflag:$0x1] =	stream.indirect_vreg.gather [hbm4b:s2+s10], $0x1, v1, vm0, $0x4038;
	[tilespmem:$0x3E80] =	vst v63  }
0x34: {  	s17 =	sadd.s32 $0x10, s17  }
0x35: {  	v2 =	vnsel vm1, $0x0, v2;
	p0 =	slt.u32 s17, $0xF90  }
.Ltmp3:
0x36: {  	s18 =	smov.u32 s15;
	v1 =	vmin.u32 v2, $0x270FF;
	(pc) =	sbr.rel @p0 .LBB2_3-.Ltmp3, $3  }
0x37: {  	_ =	sdelay $0x1  }
0x38: {  	s16 =	sadd.s32 $0x10, s16  }
0x39: {  	vm1 =	vgt.s32 v0, $0x0;
	s15 =	sadd.s32 $0x10, s15;
	v2 =	vmov v0;
	(ifvalue) =	ssetifvalue $0x7FFFFFFF;
	v0 =	vld.msk [tilespmem:s16+$0x0 ss:$0x1], $0xffff  }
.Ltmp4:
0x3a: {  	_ = 	snop;
	(pc) =	sbr.rel .LBB2_4-.Ltmp4, $1  }
0x3b: {  	_ =	sdelay $0x3  }
.LBB2_6:
0x3c: {  	_ =	sfence.sel $0x180000  }
0x3d: {  	s2 =	simm.s32 $0x2;
	[bflag:$0x0] =	sbarrier.arrive $0xFFFF  }
0x3e: {  	s30 =	simm.s32 $0x3;
	[sflag:s2] =	ssyncpa.u1 $0x1  }
0x3f: {  	s31 =	simm.s32 $0x1;
	[sflag:s30] =	ssyncpa.u1 $0x1  }
0x40: {  	[sflag:s31] =	ssyncpa.u1 $0x1  }
0x41: {  	p0 =	sne.s32 s1, $0x0;
	_ =	strace $0x90000047  }
0x42: {  	s0 =	sadd.s32 @!p0 $0x100000, s0;
	[bflag:$0x2] =	sbarrier.arrive $0xFFFF  }
0x43: {  	[sflag:s0] =	ssyncadd.tile.s32 @!p0 $0x1;
	_ =	shalt  }
.Lfunc_end2:
_tile_overlayer_lowered:
.L_overlay_start_2:
0x44: {  	(tag) =	ssettag $0x2  }
0x45: {  	s0 =	rddreg [dreg:$0x0];
	s2 =	stileid.u32  }
0x46: {  	s1 =	rddreg [dreg:$0x1];
	p0 =	sne.s32 s2, $0x0  }
0x47: {  	s3 =	rddreg [dreg:$0x2];
	[bflag:$0x3] =	sbarrier.arrive $0xFFFF;
	s2 =	simm.s32 @!p0 $0x1C01  }
0x48: {  	[timem:s3], [sflag:s2] =	dma.local @!p0 [hbm:s0], s1  }
0x49: {  	s0 =	simm.s32 @!p0 $0x1  }
0x4a: {  	_ =	swait.ge @!p0 [sflag:s0], s1  }
0x4b: {  	s1 =	ssub.s32 @!p0 $0x0, s1;
	[sflag:s0] =	ssyncset.done @!p0 $0x0  }
0x4c: {  	[sflag:s0] =	ssyncadd.s32 @!p0 s1  }
0x4d: {  	[bflag:$0x3] =	sbarrier.arrive $0xFFFF  }
0x4e: {  	_ =	shalt  }

// kernel: kernel.18.cloned.1.call-start
scs
__scs_entry_jumppad:
0x0: {  	(pc) =	sbr.rel $0x88, $3  }
0x1: {  	(tag) =	ssettag $0x0;
	lr =	simm.s32 $0x1  }
0x2: {  	[smem:$0x3F8C] =	sst lr;
	_ =	strace $0xD0000000  }
0x3: {  	_ = 	snop  }
0x4: {  	_ = 	snop  }
0x5: {  	_ = 	snop  }
0x6: {  	_ = 	snop  }
0x7: {  	_ = 	snop  }
__scs_overlays_trampoline_lowered:
0x8: {  	[smem:$0x3F9B] =	sst s0  }
0x9: {  	[smem:$0x3F9C] =	sst s1  }
0xa: {  	[smem:$0x3F9D] =	sst s2  }
0xb: {  	[smem:$0x3F9E] =	sst s3  }
0xc: {  	[smem:$0x3F9F] =	sst s4  }
0xd: {  	[smem:$0x3FA0] =	sst s5  }
0xe: {  	[smem:$0x3FA1] =	sst s6  }
0xf: {  	[smem:$0x3FA2] =	sst s7  }
0x10: {  	[smem:$0x3FA3] =	sst s8  }
0x11: {  	[smem:$0x3FA4] =	sst s9;
	s0 =	simm.s32 @!p0 $0x0  }
0x12: {  	s1 =	sld [smem:$0x3F8A];
	s0 =	simm.s32 @p0 $0x1  }
0x13: {  	[smem:$0x3FA5] =	sst s0;
	s0 =	simm.s32 @!p1 $0x0  }
0x14: {  	s2 =	sld [smem:$0x3F89];
	s0 =	simm.s32 @p1 $0x1  }
0x15: {  	[smem:$0x3FA6] =	sst s0;
	s0 =	simm.s32 @!p2 $0x0  }
0x16: {  	s3 =	sld [smem:$0x3FDB];
	s0 =	simm.s32 @p2 $0x1  }
0x17: {  	s4 =	simm.s32 $0x1BF5;
	[smem:$0x3FA8] =	sst s0  }
0x18: {  	s0 =	sld [smem:$0x3F8B];
	_ =	swait.ge [sflag:s4], $0x0  }
0x19: {  	s7 =	sld [smem:$0x3F8C]  }
0x1a: {  	s8 =	sadd.s32 $0xFFFFE003, lr  }
0x1b: {  	s9 =	sadd.s32 $0xFFFFFEF7, lr;
	s5 =	simm.s32 $0xFFFFFFFF;
	p2 =	slt.u32 s8, $0xFFFFF086  }
0x1c: {  	p1 =	slt.u32 s9, $0xF7A;
	s5 =	simm.s32 @!p2 $0x0  }
0x1d: {  	s5 =	simm.s32 @p1 $0x1;
	p0 =	seq.s32 s7, s2  }
0x1e: {  	s7 =	smul.u32 @!p0 $0xF7A, s2;
	p2 =	seq.s32 @!p0 s5, $0x0  }
0x1f: {  	s9 =	smul.u32 $0xF7A, s1;
	s8 =	simm.s32 @!p0 $0x1BF5;
	p2 =	por !p2, p0  }
0x20: {  	[sflag:s8] =	ssyncset.s32 @!p0 $0xFFFFF086;
	s6 =	sadd.s32 @!p0 s3, s7;
	s7 =	simm.s32 @!p0 $0x108  }
0x21: {  	s3 =	sadd.s32 s3, s9;
	s6 =	sadd.s32 @!p0 $0x88, s6;
	s7 =	simm.s32 @p2 $0x1082  }
0x22: {  	[simem:s7], [sflag:s8] =	dma.local @!p0 [hbm:s6], $0xF7A  }
0x23: {  	s9 =	sor.u32 $0xD0000000, s2;
	s6 =	simm.s32 $0x108;
	_ =	swait.ge @!p0 [sflag:s8], $0x0  }
0x24: {  	s3 =	sadd.s32 $0x88, s3;
	s6 =	simm.s32 @!p1 $0x1082;
	[sflag:s4] =	ssyncset.s32 $0xFFFFF086  }
0x25: {  	[simem:s6], [sflag:s4] =	dma.local [hbm:s3], $0xF7A  }
0x26: {  	[smem:$0x3F8C] =	sst s1;
	(tag) =	ssettag s2;
	_ =	strace s9  }
0x27: {  	s1 =	sld [smem:$0x3F9C]  }
0x28: {  	s2 =	sld [smem:$0x3F9D]  }
0x29: {  	s4 =	sld [smem:$0x3F9F]  }
0x2a: {  	p0 =	seq.s32 s5, $0x0;
	s5 =	sld [smem:$0x3FA0]  }
0x2b: {  	s6 =	sld [smem:$0x3FA1]  }
0x2c: {  	s7 =	sld [smem:$0x3FA2]  }
0x2d: {  	s3 =	simm.s32 $0x108;
	s8 =	sld [smem:$0x3FA3]  }
0x2e: {  	s3 =	simm.s32 @!p0 $0x1082;
	s9 =	sld [smem:$0x3FA4]  }
0x2f: {  	lr =	sadd.s32 s0, s3;
	s0 =	sld [smem:$0x3F9B]  }
0x30: {  	s3 =	sld [smem:$0x3F9E]  }
0x31: {  	[smem:$0x3FA7] =	sst s10  }
0x32: {  	s10 =	sld [smem:$0x3FA5];
	_ =	sdelay $0x3  }
0x33: {  	p0 =	seq.s32 s10, $0x1;
	s10 =	sld [smem:$0x3FA7];
	_ =	sdelay $0x3  }
0x34: {  	[smem:$0x3FA7] =	sst s10  }
0x35: {  	s10 =	sld [smem:$0x3FA6];
	_ =	sdelay $0x3  }
0x36: {  	p1 =	seq.s32 s10, $0x1;
	s10 =	sld [smem:$0x3FA7];
	_ =	sdelay $0x3  }
0x37: {  	[smem:$0x3FA7] =	sst s10  }
0x38: {  	s10 =	sld [smem:$0x3FA8]  }
0x39: {  	_ = 	snop;
	(pc) =	sbr.ind lr, $3  }
0x3a: {  	_ = 	snop  }
0x3b: {  	_ = 	snop  }
0x3c: {  	p2 =	seq.s32 s10, $0x1;
	s10 =	sld [smem:$0x3FA7]  }
0x3d: {  	_ =	shalt  }
0x3e: {  	_ =	shalt  }
0x3f: {  	_ =	shalt  }
0x40: {  	_ =	shalt  }
0x41: {  	_ =	shalt  }
0x42: {  	_ =	shalt  }
0x43: {  	_ =	shalt  }
0x44: {  	_ =	shalt  }
0x45: {  	_ =	shalt  }
0x46: {  	_ =	shalt  }
0x47: {  	_ =	shalt  }
0x48: {  	_ =	shalt  }
0x49: {  	_ =	shalt  }
0x4a: {  	_ =	shalt  }
0x4b: {  	_ =	shalt  }
0x4c: {  	_ =	shalt  }
0x4d: {  	_ =	shalt  }
0x4e: {  	_ =	shalt  }
0x4f: {  	_ =	shalt  }
0x50: {  	_ =	shalt  }
0x51: {  	_ =	shalt  }
0x52: {  	_ =	shalt  }
0x53: {  	_ =	shalt  }
0x54: {  	_ =	shalt  }
0x55: {  	_ =	shalt  }
0x56: {  	_ =	shalt  }
0x57: {  	_ =	shalt  }
0x58: {  	_ =	shalt  }
0x59: {  	_ =	shalt  }
0x5a: {  	_ =	shalt  }
0x5b: {  	_ =	shalt  }
0x5c: {  	_ =	shalt  }
0x5d: {  	_ =	shalt  }
0x5e: {  	_ =	shalt  }
0x5f: {  	_ =	shalt  }
0x60: {  	_ =	shalt  }
0x61: {  	_ =	shalt  }
0x62: {  	_ =	shalt  }
0x63: {  	_ =	shalt  }
0x64: {  	_ =	shalt  }
0x65: {  	_ =	shalt  }
0x66: {  	_ =	shalt  }
0x67: {  	_ =	shalt  }
0x68: {  	_ =	shalt  }
0x69: {  	_ =	shalt  }
0x6a: {  	_ =	shalt  }
0x6b: {  	_ =	shalt  }
0x6c: {  	_ =	shalt  }
0x6d: {  	_ =	shalt  }
0x6e: {  	_ =	shalt  }
0x6f: {  	_ =	shalt  }
0x70: {  	_ =	shalt  }
0x71: {  	_ =	shalt  }
0x72: {  	_ =	shalt  }
0x73: {  	_ =	shalt  }
0x74: {  	_ =	shalt  }
0x75: {  	_ =	shalt  }
0x76: {  	_ =	shalt  }
0x77: {  	_ =	shalt  }
0x78: {  	_ =	shalt  }
0x79: {  	_ =	shalt  }
0x7a: {  	_ =	shalt  }
0x7b: {  	_ =	shalt  }
0x7c: {  	_ =	shalt  }
0x7d: {  	_ =	shalt  }
0x7e: {  	_ =	shalt  }
0x7f: {  	_ =	shalt  }
0x80: {  	_ =	shalt  }
0x81: {  	_ =	shalt  }
0x82: {  	_ =	shalt  }
0x83: {  	_ =	shalt  }
0x84: {  	_ =	shalt  }
0x85: {  	_ =	shalt  }
0x86: {  	_ =	shalt  }
0x87: {  	_ =	shalt  }
.Lfunc_end0:
.L_simem_size_0:
called_computation.2_lowered:
.L_overlay_start_0:
0x88: {  	s2 =	sld [smem:$0x3FD9]  }
0x89: {  	s3 =	sld [smem:$0x3FFE];
	_ =	sdelay $0x1  }
0x8a: {  	s1 =	srdreg.scid  }
0x8b: {  	s0 =	sand.u32 $0x1, s1  }
0x8c: {  	s16 =	sshll.u32 s0, $0xA;
	s2 =	sadd.s32 s3, s2  }
0x8d: {  	s2 =	sadd.s32 s2, s16  }
0x8e: {  	[smem:$0x3FB3] =	sst s2  }
0x8f: {  	_ = 	snop  }
0x90: {  	(tm) =	ssettm $0x1  }
0x91: {  	s17 =	sld [smem:$0x3FFB];
	_ =	sdelay $0x3  }
0x92: {  	_ =	strace s17  }
0x93: {  	s2 =	sld [smem:$0x3FFC];
	_ =	sdelay $0x3  }
0x94: {  	_ =	strace s2  }
0x95: {  	s2 =	sld [smem:$0x3FFD];
	_ =	sdelay $0x3  }
0x96: {  	_ =	strace s2  }
0x97: {  	_ =	strace $0x8FFFFFFF  }
0x98: {  	s18 =	sld [smem:$0x3FDB];
	_ =	sdelay $0x1  }
0x99: {  	s19 =	simm.s32 $_scs_section_size  }
0x9a: {  	s4 =	simm.s32 $_size__tile_overlayer_lowered;
	s5 =	simm.s32 $_tile_overlayer_lowered  }
0x9b: {  	s22 =	simm.s32 $0x1BFF;
	s21 =	sshll.u32 s5, $0x1;
	s2 =	sadd.s32 s19, s18  }
0x9c: {  	s6 =	simm.s32 $0x0;
	s20 =	sshll.u32 s4, $0x1;
	s4 =	sadd.s32 s21, s2  }
0x9d: {  	[timem:s6], [sflag:s22] =	dma.local [hbm:s4], s20  }
0x9e: {  	_ =	swait.ge [sflag:s22], s20  }
0x9f: {  	s3 =	ssub.s32 $0x0, s20;
	[sflag:s22] =	ssyncset.done $0x0  }
0xa0: {  	[sflag:s22] =	ssyncadd.s32 s3;
	_ =	sdelay $0x1  }
0xa1: {  	s23 =	simm.s32 $0x1B8B  }
0xa2: {  	_ =	swait.ge [sflag:s23], $0x1  }
0xa3: {  	[sflag:s23] =	ssyncset.done $0x0  }
0xa4: {  	s25 =	simm.s32 $0x1B8E;
	s24 =	sld [smem:$0x3FFE];
	[sflag:s23] =	ssyncadd.s32 $0xFFFFFFFF  }
0xa5: {  	s26 =	simm.s32 $execute0_lowered;
	[smem:$0x3FD2] =	sst s25  }
0xa6: {  	s4 =	sshll.u32 s26, $0x1;
	_ =	strace $0x8000004C;
	[dreg:$0x1] =	wrdreg $0xFFFFFFFF  }
0xa7: {  	s28 =	simm.s32 $_size_execute0_lowered;
	s2 =	sadd.s32 s2, s4;
	[dreg:$0x0] =	wrdreg $0x0  }
0xa8: {  	s4 =	sshll.u32 s28, $0x1;
	[dreg:$0x2] =	wrdreg s2  }
0xa9: {  	[dreg:$0x3] =	wrdreg s4  }
0xaa: {  	[dreg:$0x4] =	wrdreg $0xC0  }
0xab: {  	_ =	task [dreg:s6], $0x5FFFF  }
0xac: {  	[dreg:$0x1] =	wrdreg $0xFFFFFFFF  }
0xad: {  	[dreg:$0x0] =	wrdreg $0x60  }
0xae: {  	[dreg:$0x2] =	wrdreg s24  }
0xaf: {  	[dreg:$0x3] =	wrdreg $0x9  }
0xb0: {  	_ =	task.clear_ibuf [dreg:s6], $0x4FFFF;
	_ =	strace $0x9000004C  }
0xb1: {  	s29 =	simm.s32 $0x9;
	_ =	strace $0x8000004E  }
0xb2: {  	_ =	swait.ge [sflag:s29], $0x1  }
0xb3: {  	[sflag:s29] =	ssyncadd.s32 $0xFFFFFFFF  }
0xb4: {  	_ =	strace $0x9000004E  }
0xb5: {  	_ =	sfence  }
0xb6: {  	s30 =	sld [smem:$0x0];
	_ =	sdelay $0x2  }
0xb7: {  	s31 =	sshll.u32 s1, $0xD;
	s1 =	sshrl.u32 s1, $0x2  }
0xb8: {  	s3 =	sand.u32 $0x4000, s31;
	s1 =	sadd.s32 s1, s30  }
0xb9: {  	s0 =	sor.u32 s3, s0;
	s1 =	sshll.u32 s1, $0x11  }
0xba: {  	s0 =	sor.u32 s1, s0  }
0xbb: {  	s0 =	sadd.s32 $0x8F2B, s0  }
0xbc: {  	[sflag:s0] =	ssyncadd.remote.s32 $0x1  }
0xbd: {  	_ =	sfence.sel $0xFFFF  }
0xbe: {  	[dreg:$0x0] =	wrdreg $0xFFFFFFFF;
	(pc) =	sbr.abs _section_cstart, $3  }
0xbf: {  	[dreg:$0x1] =	wrdreg $0xFFFFFFFF  }
0xc0: {  	_ =	task.clear_ibuf [dreg:s6], $0x2FFFF;
	_ =	strace $0x9FFFFFFF  }
0xc1: {  	(tm) =	ssettm $0x7FFFFFFF  }
tec
execute0_lowered:
.L_overlay_start_1:
0x0: {  	(tag) =	ssettag $0x1  }
0x1: {  	s4 =	rddreg [dreg:$0x0]  }
0x2: {  	s0 =	rddreg [dreg:$0x1]  }
0x3: {  	s2 =	simm.s32 $0x0;
	s1 =	stileid.u32;
	s5 =	srdreg.scid  }
0x4: {  	s12 =	simm.s32 $0x100;
	s13 =	simm.s32 $0x1;
	s3 =	smul.u32 $0x500, s1  }
0x5: {  	s14 =	simm.s32 $0x4100;
	s6 =	smul.u32 $0x28000, s1;
	s5 =	sand.u32 $0x1, s5  }
0x6: {  	s15 =	simm.s32 $0x0;
	[smem:$0x7FF] =	sst s2;
	s9 =	smul.u32 $0x14000, s5  }
0x7: {  	_ =	strace $0x8000004D;
	s8 =	ssub.s32 $0x2, s5;
	s11 =	smul.u32 $0x280, s5  }
0x8: {  	s7 =	sadd.s32 s3, s4;
	s3 =	sadd.s32 $0x16400, s4;
	s10 =	sshrl.u32 s8, $0x1  }
0x9: {  	s6 =	sadd.s32 s6, s4;
	s4 =	sadd.s32 $0x3D600, s4;
	s29 =	ssub.s32 s8, s10  }
0xa: {  	s30 =	sadd.s32 s9, s6;
	s31 =	sadd.s32 s11, s7;
	s10 =	simm.s32 $0x2  }
0xb: {  	s11 =	simm.s32 $0x80;
	s5 =	smax.u32 s29, $0x1;
	s6 =	sadd.s32 $0x2F8800, s30  }
0xc: {  	s7 =	sadd.s32 $0x78800, s30;
	s8 =	sadd.s32 $0x7400, s31;
	s9 =	sadd.s32 $0x6E800, s31  }
.LBB2_1:
0xd: {  	s16 =	sadd.s32 $0x0, s9  }
0xe: {  	[tilespmem:s2], [sflag:$0x2] =	stream.linear.gather [hbm4b:s16+s2], $0x80, $0x38;
	[tilespmem:$0x8100] =	vst v63  }
0xf: {  	_ =	swait.ge [sflag:s10], $0x80  }
0x10: {  	[sflag:s10] =	ssyncset.done $0x0  }
0x11: {  	s31 =	sadd.s32 $0x0, s8;
	[sflag:s10] =	ssyncadd.s32 $0xFFFFFF80  }
0x12: {  	[tilespmem:s11], [sflag:$0x2] =	stream.linear.gather [hbm4b:s31+s2], $0x80, $0x38;
	[tilespmem:$0x8100] =	vst v63  }
0x13: {  	_ =	swait.ge [sflag:s10], $0x80  }
0x14: {  	[sflag:s10] =	ssyncset.done $0x0  }
0x15: {  	[sflag:s10] =	ssyncadd.s32 $0xFFFFFF80  }
0x16: {  	[tilespmem:s12], [sflag:$0x1] =	stream.indirect.gather [hbm4b:s3+s11], $0x80, s2, s11, $0xb8;
	[tilespmem:$0x8100] =	vst v63  }
0x17: {  	_ =	swait.ge [sflag:s13], $0x4000  }
0x18: {  	[sflag:s13] =	ssyncset.done $0x0  }
0x19: {  	[sflag:s13] =	ssyncadd.s32 $0xFFFFC000  }
0x1a: {  	[tilespmem:s14], [sflag:$0x1] =	stream.indirect.gather [hbm4b:s4+s11], $0x80, s11, s11, $0xb8;
	[tilespmem:$0x8100] =	vst v63  }
0x1b: {  	_ =	swait.ge [sflag:s13], $0x4000  }
0x1c: {  	[sflag:s13] =	ssyncset.done $0x0  }
0x1d: {  	[sflag:s13] =	ssyncadd.s32 $0xFFFFC000  }
0x1e: {  	[hbm4b:s7+s2] =	stream.linear.scatter [tilespmem:s12], [sflag:$0x2], $0x4000, $0x38;
	[tilespmem:$0x8100] =	vst v63  }
0x1f: {  	_ =	swait.ge [sflag:s10], $0x4000  }
0x20: {  	[sflag:s10] =	ssyncset.done $0x0  }
0x21: {  	[sflag:s10] =	ssyncadd.s32 $0xFFFFC000  }
0x22: {  	[hbm4b:s6+s2] =	stream.linear.scatter [tilespmem:s14], [sflag:$0x2], $0x4000, $0x38;
	[tilespmem:$0x8100] =	vst v63  }
0x23: {  	s18 =	simm.s32 $0x10;
	s19 =	simm.s32 $0x20;
	_ =	swait.ge [sflag:s10], $0x4000  }
0x24: {  	s17 =	sadd.s32 $0x800, s7;
	s16 =	sadd.s32 $0x800, s6;
	[sflag:s10] =	ssyncset.done $0x0  }
.LBB2_2:
0x25: {  	s20 =	sadd.s32 s18, s9  }
0x26: {  	[sflag:s10] =	ssyncadd.s32 $0xFFFFC000;
	s21 =	smov.u32 s19;
	s22 =	sadd.s32 $0x10, s19  }
0x27: {  	[tilespmem:s2], [sflag:$0x2] =	stream.linear.gather [hbm4b:s20+s2], $0x80, $0x38;
	[tilespmem:$0x8100] =	vst v63  }
0x28: {  	p0 =	sne.s32 s19, $0x270;
	_ =	swait.ge [sflag:s10], $0x80  }
0x29: {  	[sflag:s10] =	ssyncset.done $0x0  }
0x2a: {  	s19 =	sadd.s32 s18, s8;
	s18 =	smov.u32 s21;
	[sflag:s10] =	ssyncadd.s32 $0xFFFFFF80  }
0x2b: {  	[tilespmem:s11], [sflag:$0x2] =	stream.linear.gather [hbm4b:s19+s2], $0x80, $0x38;
	[tilespmem:$0x8100] =	vst v63  }
0x2c: {  	_ =	swait.ge [sflag:s10], $0x80  }
0x2d: {  	[sflag:s10] =	ssyncset.done $0x0  }
0x2e: {  	[sflag:s10] =	ssyncadd.s32 $0xFFFFFF80  }
0x2f: {  	[tilespmem:s12], [sflag:$0x1] =	stream.indirect.gather [hbm4b:s3+s11], $0x80, s2, s11, $0xb8;
	[tilespmem:$0x8100] =	vst v63  }
0x30: {  	_ =	swait.ge [sflag:s13], $0x4000  }
0x31: {  	[sflag:s13] =	ssyncset.done $0x0  }
0x32: {  	[sflag:s13] =	ssyncadd.s32 $0xFFFFC000  }
0x33: {  	[tilespmem:s14], [sflag:$0x1] =	stream.indirect.gather [hbm4b:s4+s11], $0x80, s11, s11, $0xb8;
	[tilespmem:$0x8100] =	vst v63  }
0x34: {  	_ =	swait.ge [sflag:s13], $0x4000  }
0x35: {  	[sflag:s13] =	ssyncset.done $0x0  }
0x36: {  	[sflag:s13] =	ssyncadd.s32 $0xFFFFC000  }
0x37: {  	[hbm4b:s17+s2] =	stream.linear.scatter [tilespmem:s12], [sflag:$0x2], $0x4000, $0x38;
	[tilespmem:$0x8100] =	vst v63  }
0x38: {  	_ =	swait.ge [sflag:s10], $0x4000  }
.Ltmp0:
0x39: {  	[sflag:s10] =	ssyncset.done $0x0;
	(pc) =	sbr.rel @p0 .LBB2_2-.Ltmp0, $4  }
0x3a: {  	[sflag:s10] =	ssyncadd.s32 $0xFFFFC000  }
0x3b: {  	[hbm4b:s16+s2] =	stream.linear.scatter [tilespmem:s14], [sflag:$0x2], $0x4000, $0x38;
	[tilespmem:$0x8100] =	vst v63  }
0x3c: {  	s19 =	smov.u32 s22;
	_ =	swait.ge [sflag:s10], $0x4000  }
0x3d: {  	s17 =	sadd.s32 $0x800, s17;
	s16 =	sadd.s32 $0x800, s16;
	[sflag:s10] =	ssyncset.done $0x0  }
0x3e: {  	s19 =	sadd.s32 s18, s9;
	[sflag:s10] =	ssyncadd.s32 $0xFFFFC000  }
0x3f: {  	[tilespmem:s2], [sflag:$0x2] =	stream.linear.gather [hbm4b:s19+s2], $0x80, $0x38;
	[tilespmem:$0x8100] =	vst v63  }
0x40: {  	_ =	swait.ge [sflag:s10], $0x80  }
0x41: {  	[sflag:s10] =	ssyncset.done $0x0  }
0x42: {  	s31 =	sadd.s32 s18, s8;
	[sflag:s10] =	ssyncadd.s32 $0xFFFFFF80  }
0x43: {  	[tilespmem:s11], [sflag:$0x2] =	stream.linear.gather [hbm4b:s31+s2], $0x80, $0x38;
	[tilespmem:$0x8100] =	vst v63  }
0x44: {  	_ =	swait.ge [sflag:s10], $0x80  }
0x45: {  	[sflag:s10] =	ssyncset.done $0x0  }
0x46: {  	[sflag:s10] =	ssyncadd.s32 $0xFFFFFF80  }
0x47: {  	[tilespmem:s12], [sflag:$0x1] =	stream.indirect.gather [hbm4b:s3+s11], $0x80, s2, s11, $0xb8;
	[tilespmem:$0x8100] =	vst v63  }
0x48: {  	_ =	swait.ge [sflag:s13], $0x4000  }
0x49: {  	[sflag:s13] =	ssyncset.done $0x0  }
0x4a: {  	[sflag:s13] =	ssyncadd.s32 $0xFFFFC000  }
0x4b: {  	[tilespmem:s14], [sflag:$0x1] =	stream.indirect.gather [hbm4b:s4+s11], $0x80, s11, s11, $0xb8;
	[tilespmem:$0x8100] =	vst v63  }
0x4c: {  	_ =	swait.ge [sflag:s13], $0x4000  }
0x4d: {  	[sflag:s13] =	ssyncset.done $0x0  }
0x4e: {  	[sflag:s13] =	ssyncadd.s32 $0xFFFFC000  }
0x4f: {  	[hbm4b:s17+s2] =	stream.linear.scatter [tilespmem:s12], [sflag:$0x2], $0x4000, $0x38;
	[tilespmem:$0x8100] =	vst v63  }
0x50: {  	s15 =	sadd.s32 $0x1, s15;
	_ =	swait.ge [sflag:s10], $0x4000  }
0x51: {  	p0 =	sne.s32 s15, s5;
	[sflag:s10] =	ssyncset.done $0x0  }
.Ltmp1:
0x52: {  	[sflag:s10] =	ssyncadd.s32 $0xFFFFC000;
	(pc) =	sbr.rel @p0 .LBB2_1-.Ltmp1, $4  }
0x53: {  	[hbm4b:s16+s2] =	stream.linear.scatter [tilespmem:s14], [sflag:$0x2], $0x4000, $0x38;
	[tilespmem:$0x8100] =	vst v63  }
0x54: {  	_ =	swait.ge [sflag:s10], $0x4000  }
0x55: {  	[sflag:s10] =	ssyncset.done $0x0  }
0x56: {  	[sflag:s10] =	ssyncadd.s32 $0xFFFFC000  }
0x57: {  	_ =	sfence.sel $0x180000  }
0x58: {  	[bflag:$0x0] =	sbarrier.arrive $0xFFFF  }
0x59: {  	p0 =	sne.s32 s1, $0x0;
	_ =	strace $0x9000004D  }
0x5a: {  	s0 =	sadd.s32 @!p0 $0x100000, s0;
	[bflag:$0x2] =	sbarrier.arrive $0xFFFF  }
0x5b: {  	[sflag:s0] =	ssyncadd.tile.s32 @!p0 $0x1;
	_ =	shalt  }
.Lfunc_end2:
_tile_overlayer_lowered:
.L_overlay_start_2:
0x5c: {  	(tag) =	ssettag $0x2  }
0x5d: {  	s0 =	rddreg [dreg:$0x0];
	s2 =	stileid.u32  }
0x5e: {  	s1 =	rddreg [dreg:$0x1];
	p0 =	sne.s32 s2, $0x0  }
0x5f: {  	s3 =	rddreg [dreg:$0x2];
	[bflag:$0x3] =	sbarrier.arrive $0xFFFF;
	s2 =	simm.s32 @!p0 $0x1C02  }
0x60: {  	[timem:s3], [sflag:s2] =	dma.local @!p0 [hbm:s0], s1  }
0x61: {  	s0 =	simm.s32 @!p0 $0x2  }
0x62: {  	_ =	swait.ge @!p0 [sflag:s0], s1  }
0x63: {  	s1 =	ssub.s32 @!p0 $0x0, s1;
	[sflag:s0] =	ssyncset.done @!p0 $0x0  }
0x64: {  	[sflag:s0] =	ssyncadd.s32 @!p0 s1  }
0x65: {  	[bflag:$0x3] =	sbarrier.arrive $0xFFFF  }
0x66: {  	_ =	shalt  }

// kernel: kernel.21.cloned.1.call-start
scs
__scs_entry_jumppad:
0x0: {  	(pc) =	sbr.rel $0x88, $3  }
0x1: {  	(tag) =	ssettag $0x0;
	lr =	simm.s32 $0x1  }
0x2: {  	[smem:$0x3F8C] =	sst lr;
	_ =	strace $0xD0000000  }
0x3: {  	_ = 	snop  }
0x4: {  	_ = 	snop  }
0x5: {  	_ = 	snop  }
0x6: {  	_ = 	snop  }
0x7: {  	_ = 	snop  }
__scs_overlays_trampoline_lowered:
0x8: {  	[smem:$0x3F9B] =	sst s0  }
0x9: {  	[smem:$0x3F9C] =	sst s1  }
0xa: {  	[smem:$0x3F9D] =	sst s2  }
0xb: {  	[smem:$0x3F9E] =	sst s3  }
0xc: {  	[smem:$0x3F9F] =	sst s4  }
0xd: {  	[smem:$0x3FA0] =	sst s5  }
0xe: {  	[smem:$0x3FA1] =	sst s6  }
0xf: {  	[smem:$0x3FA2] =	sst s7  }
0x10: {  	[smem:$0x3FA3] =	sst s8  }
0x11: {  	[smem:$0x3FA4] =	sst s9;
	s0 =	simm.s32 @!p0 $0x0  }
0x12: {  	s1 =	sld [smem:$0x3F8A];
	s0 =	simm.s32 @p0 $0x1  }
0x13: {  	[smem:$0x3FA5] =	sst s0;
	s0 =	simm.s32 @!p1 $0x0  }
0x14: {  	s2 =	sld [smem:$0x3F89];
	s0 =	simm.s32 @p1 $0x1  }
0x15: {  	[smem:$0x3FA6] =	sst s0;
	s0 =	simm.s32 @!p2 $0x0  }
0x16: {  	s3 =	sld [smem:$0x3FDB];
	s0 =	simm.s32 @p2 $0x1  }
0x17: {  	s4 =	simm.s32 $0x1BF5;
	[smem:$0x3FA8] =	sst s0  }
0x18: {  	s0 =	sld [smem:$0x3F8B];
	_ =	swait.ge [sflag:s4], $0x0  }
0x19: {  	s7 =	sld [smem:$0x3F8C]  }
0x1a: {  	s8 =	sadd.s32 $0xFFFFE003, lr  }
0x1b: {  	s9 =	sadd.s32 $0xFFFFFEF7, lr;
	s5 =	simm.s32 $0xFFFFFFFF;
	p2 =	slt.u32 s8, $0xFFFFF086  }
0x1c: {  	p1 =	slt.u32 s9, $0xF7A;
	s5 =	simm.s32 @!p2 $0x0  }
0x1d: {  	s5 =	simm.s32 @p1 $0x1;
	p0 =	seq.s32 s7, s2  }
0x1e: {  	s7 =	smul.u32 @!p0 $0xF7A, s2;
	p2 =	seq.s32 @!p0 s5, $0x0  }
0x1f: {  	s9 =	smul.u32 $0xF7A, s1;
	s8 =	simm.s32 @!p0 $0x1BF5;
	p2 =	por !p2, p0  }
0x20: {  	[sflag:s8] =	ssyncset.s32 @!p0 $0xFFFFF086;
	s6 =	sadd.s32 @!p0 s3, s7;
	s7 =	simm.s32 @!p0 $0x108  }
0x21: {  	s3 =	sadd.s32 s3, s9;
	s6 =	sadd.s32 @!p0 $0x88, s6;
	s7 =	simm.s32 @p2 $0x1082  }
0x22: {  	[simem:s7], [sflag:s8] =	dma.local @!p0 [hbm:s6], $0xF7A  }
0x23: {  	s9 =	sor.u32 $0xD0000000, s2;
	s6 =	simm.s32 $0x108;
	_ =	swait.ge @!p0 [sflag:s8], $0x0  }
0x24: {  	s3 =	sadd.s32 $0x88, s3;
	s6 =	simm.s32 @!p1 $0x1082;
	[sflag:s4] =	ssyncset.s32 $0xFFFFF086  }
0x25: {  	[simem:s6], [sflag:s4] =	dma.local [hbm:s3], $0xF7A  }
0x26: {  	[smem:$0x3F8C] =	sst s1;
	(tag) =	ssettag s2;
	_ =	strace s9  }
0x27: {  	s1 =	sld [smem:$0x3F9C]  }
0x28: {  	s2 =	sld [smem:$0x3F9D]  }
0x29: {  	s4 =	sld [smem:$0x3F9F]  }
0x2a: {  	p0 =	seq.s32 s5, $0x0;
	s5 =	sld [smem:$0x3FA0]  }
0x2b: {  	s6 =	sld [smem:$0x3FA1]  }
0x2c: {  	s7 =	sld [smem:$0x3FA2]  }
0x2d: {  	s3 =	simm.s32 $0x108;
	s8 =	sld [smem:$0x3FA3]  }
0x2e: {  	s3 =	simm.s32 @!p0 $0x1082;
	s9 =	sld [smem:$0x3FA4]  }
0x2f: {  	lr =	sadd.s32 s0, s3;
	s0 =	sld [smem:$0x3F9B]  }
0x30: {  	s3 =	sld [smem:$0x3F9E]  }
0x31: {  	[smem:$0x3FA7] =	sst s10  }
0x32: {  	s10 =	sld [smem:$0x3FA5];
	_ =	sdelay $0x3  }
0x33: {  	p0 =	seq.s32 s10, $0x1;
	s10 =	sld [smem:$0x3FA7];
	_ =	sdelay $0x3  }
0x34: {  	[smem:$0x3FA7] =	sst s10  }
0x35: {  	s10 =	sld [smem:$0x3FA6];
	_ =	sdelay $0x3  }
0x36: {  	p1 =	seq.s32 s10, $0x1;
	s10 =	sld [smem:$0x3FA7];
	_ =	sdelay $0x3  }
0x37: {  	[smem:$0x3FA7] =	sst s10  }
0x38: {  	s10 =	sld [smem:$0x3FA8]  }
0x39: {  	_ = 	snop;
	(pc) =	sbr.ind lr, $3  }
0x3a: {  	_ = 	snop  }
0x3b: {  	_ = 	snop  }
0x3c: {  	p2 =	seq.s32 s10, $0x1;
	s10 =	sld [smem:$0x3FA7]  }
0x3d: {  	_ =	shalt  }
0x3e: {  	_ =	shalt  }
0x3f: {  	_ =	shalt  }
0x40: {  	_ =	shalt  }
0x41: {  	_ =	shalt  }
0x42: {  	_ =	shalt  }
0x43: {  	_ =	shalt  }
0x44: {  	_ =	shalt  }
0x45: {  	_ =	shalt  }
0x46: {  	_ =	shalt  }
0x47: {  	_ =	shalt  }
0x48: {  	_ =	shalt  }
0x49: {  	_ =	shalt  }
0x4a: {  	_ =	shalt  }
0x4b: {  	_ =	shalt  }
0x4c: {  	_ =	shalt  }
0x4d: {  	_ =	shalt  }
0x4e: {  	_ =	shalt  }
0x4f: {  	_ =	shalt  }
0x50: {  	_ =	shalt  }
0x51: {  	_ =	shalt  }
0x52: {  	_ =	shalt  }
0x53: {  	_ =	shalt  }
0x54: {  	_ =	shalt  }
0x55: {  	_ =	shalt  }
0x56: {  	_ =	shalt  }
0x57: {  	_ =	shalt  }
0x58: {  	_ =	shalt  }
0x59: {  	_ =	shalt  }
0x5a: {  	_ =	shalt  }
0x5b: {  	_ =	shalt  }
0x5c: {  	_ =	shalt  }
0x5d: {  	_ =	shalt  }
0x5e: {  	_ =	shalt  }
0x5f: {  	_ =	shalt  }
0x60: {  	_ =	shalt  }
0x61: {  	_ =	shalt  }
0x62: {  	_ =	shalt  }
0x63: {  	_ =	shalt  }
0x64: {  	_ =	shalt  }
0x65: {  	_ =	shalt  }
0x66: {  	_ =	shalt  }
0x67: {  	_ =	shalt  }
0x68: {  	_ =	shalt  }
0x69: {  	_ =	shalt  }
0x6a: {  	_ =	shalt  }
0x6b: {  	_ =	shalt  }
0x6c: {  	_ =	shalt  }
0x6d: {  	_ =	shalt  }
0x6e: {  	_ =	shalt  }
0x6f: {  	_ =	shalt  }
0x70: {  	_ =	shalt  }
0x71: {  	_ =	shalt  }
0x72: {  	_ =	shalt  }
0x73: {  	_ =	shalt  }
0x74: {  	_ =	shalt  }
0x75: {  	_ =	shalt  }
0x76: {  	_ =	shalt  }
0x77: {  	_ =	shalt  }
0x78: {  	_ =	shalt  }
0x79: {  	_ =	shalt  }
0x7a: {  	_ =	shalt  }
0x7b: {  	_ =	shalt  }
0x7c: {  	_ =	shalt  }
0x7d: {  	_ =	shalt  }
0x7e: {  	_ =	shalt  }
0x7f: {  	_ =	shalt  }
0x80: {  	_ =	shalt  }
0x81: {  	_ =	shalt  }
0x82: {  	_ =	shalt  }
0x83: {  	_ =	shalt  }
0x84: {  	_ =	shalt  }
0x85: {  	_ =	shalt  }
0x86: {  	_ =	shalt  }
0x87: {  	_ =	shalt  }
.Lfunc_end0:
.L_simem_size_0:
called_computation.3_lowered:
.L_overlay_start_0:
0x88: {  	s2 =	sld [smem:$0x3FD9]  }
0x89: {  	s3 =	sld [smem:$0x3FFE];
	_ =	sdelay $0x1  }
0x8a: {  	s1 =	srdreg.scid  }
0x8b: {  	s0 =	sand.u32 $0x1, s1  }
0x8c: {  	s17 =	sshll.u32 s0, $0xA;
	s2 =	sadd.s32 s3, s2  }
0x8d: {  	s2 =	sadd.s32 s2, s17  }
0x8e: {  	[smem:$0x3FB3] =	sst s2  }
0x8f: {  	_ = 	snop  }
0x90: {  	s2 =	sld [smem:$0x3FD0];
	(tm) =	ssettm $0x1  }
0x91: {  	s18 =	sld [smem:$0x3FFB];
	_ =	sdelay $0x3  }
0x92: {  	_ =	strace s18  }
0x93: {  	s3 =	sld [smem:$0x3FFC];
	_ =	sdelay $0x3  }
0x94: {  	_ =	strace s3  }
0x95: {  	s3 =	sld [smem:$0x3FFD];
	_ =	sdelay $0x3  }
0x96: {  	_ =	strace s3  }
0x97: {  	_ =	strace $0x8FFFFFFF  }
0x98: {  	s19 =	sld [smem:$0x3FDB];
	_ =	sdelay $0x1  }
0x99: {  	s4 =	simm.s32 $_scs_section_size  }
0x9a: {  	s5 =	simm.s32 $_size__tile_overlayer_lowered;
	s6 =	simm.s32 $_tile_overlayer_lowered  }
0x9b: {  	s22 =	simm.s32 $0x1BFF;
	s21 =	sshll.u32 s6, $0x1;
	s3 =	sadd.s32 s4, s19  }
0x9c: {  	s7 =	simm.s32 $0x0;
	s20 =	sshll.u32 s5, $0x1;
	s5 =	sadd.s32 s21, s3  }
0x9d: {  	[timem:s7], [sflag:s22] =	dma.local [hbm:s5], s20  }
0x9e: {  	_ =	swait.ge [sflag:s22], s20  }
0x9f: {  	s4 =	ssub.s32 $0x0, s20;
	[sflag:s22] =	ssyncset.done $0x0  }
0xa0: {  	[sflag:s22] =	ssyncadd.s32 s4;
	_ =	sdelay $0x1  }
0xa1: {  	s23 =	simm.s32 $0x1B8B  }
0xa2: {  	_ =	swait.ge [sflag:s23], $0x1  }
0xa3: {  	[sflag:s23] =	ssyncset.done $0x0  }
0xa4: {  	s25 =	simm.s32 $0x1B8E;
	s24 =	sld [smem:$0x3FFE];
	[sflag:s23] =	ssyncadd.s32 $0xFFFFFFFF  }
0xa5: {  	s26 =	simm.s32 $execute0_lowered;
	[smem:$0x3FD2] =	sst s25  }
0xa6: {  	s5 =	sshll.u32 s26, $0x1;
	_ =	strace $0x8000004F;
	[dreg:$0x1] =	wrdreg $0xFFFFFFFF  }
0xa7: {  	s28 =	simm.s32 $_size_execute0_lowered;
	s3 =	sadd.s32 s3, s5;
	[dreg:$0x0] =	wrdreg $0x0  }
0xa8: {  	s5 =	sshll.u32 s28, $0x1;
	[dreg:$0x2] =	wrdreg s3  }
0xa9: {  	[dreg:$0x3] =	wrdreg s5  }
0xaa: {  	[dreg:$0x4] =	wrdreg $0xC0  }
0xab: {  	_ =	task [dreg:s7], $0x5FFFF  }
0xac: {  	[dreg:$0x1] =	wrdreg $0xFFFFFFFF  }
0xad: {  	[dreg:$0x0] =	wrdreg $0x60  }
0xae: {  	[dreg:$0x2] =	wrdreg s2  }
0xaf: {  	[dreg:$0x3] =	wrdreg s24  }
0xb0: {  	[dreg:$0x4] =	wrdreg $0x9  }
0xb1: {  	_ =	task.clear_ibuf [dreg:s7], $0x5FFFF;
	_ =	strace $0x9000004F  }
0xb2: {  	s29 =	simm.s32 $0x9;
	_ =	strace $0x80000051  }
0xb3: {  	_ =	swait.ge [sflag:s29], $0x1  }
0xb4: {  	[sflag:s29] =	ssyncadd.s32 $0xFFFFFFFF  }
0xb5: {  	_ =	strace $0x90000051  }
0xb6: {  	_ =	sfence  }
0xb7: {  	s30 =	sld [smem:$0x0];
	_ =	sdelay $0x2  }
0xb8: {  	s31 =	sshll.u32 s1, $0xD;
	s1 =	sshrl.u32 s1, $0x2  }
0xb9: {  	s3 =	sand.u32 $0x4000, s31;
	s1 =	sadd.s32 s1, s30  }
0xba: {  	s0 =	sor.u32 s3, s0;
	s1 =	sshll.u32 s1, $0x11  }
0xbb: {  	s0 =	sor.u32 s1, s0  }
0xbc: {  	s0 =	sadd.s32 $0x8F2B, s0  }
0xbd: {  	[sflag:s0] =	ssyncadd.remote.s32 $0x1  }
0xbe: {  	_ =	sfence.sel $0xFFFF  }
0xbf: {  	[dreg:$0x0] =	wrdreg $0xFFFFFFFF;
	(pc) =	sbr.abs _section_cstart, $3  }
0xc0: {  	[dreg:$0x1] =	wrdreg $0xFFFFFFFF  }
0xc1: {  	_ =	task.clear_ibuf [dreg:s7], $0x2FFFF;
	_ =	strace $0x9FFFFFFF  }
0xc2: {  	(tm) =	ssettm $0x7FFFFFFF  }
0xc3: {  	_ =	shalt  }
tec
execute0_lowered:
.L_overlay_start_1:
0x0: {  	(tag) =	ssettag $0x1  }
0x1: {  	s1 =	srdreg.scid;
	s0 =	stileid.u32  }
0x2: {  	s11 =	rddreg [dreg:$0x0];
	s12 =	sand.u32 $0x1, s1;
	s25 =	sshll.u32 s0, $0x1  }
0x3: {  	s8 =	rddreg [dreg:$0x1];
	s9 =	sor.u32 s12, s25  }
0x4: {  	s2 =	simm.s32 $0x0;
	s1 =	rddreg [dreg:$0x2];
	s3 =	smul.u32 $0x30, s9  }
0x5: {  	[smem:$0x7FF] =	sst s2  }
0x6: {  	_ =	strace $0x80000050;
	s4 =	sadd.s32 s11, s3;
	s3 =	simm.s32 $0x2  }
0x7: {  	[tilespmem:s2], [sflag:$0x2] =	stream.linear.gather [hbm4b:s4+s2], $0x80, $0x38;
	[tilespmem:$0x4080] =	vst v63  }
0x8: {  	_ =	swait.ge [sflag:s3], $0x80  }
0x9: {  	s6 =	simm.s32 $0x80;
	[sflag:s3] =	ssyncset.done $0x0  }
0xa: {  	s7 =	simm.s32 $0x1;
	s5 =	sadd.s32 $0x7F8800, s8;
	[sflag:s3] =	ssyncadd.s32 $0xFFFFFF80  }
0xb: {  	[tilespmem:s6], [sflag:$0x1] =	stream.indirect.gather [hbm4b:s5+s6], $0x80, s2, s6, $0xb8;
	[tilespmem:$0x4080] =	vst v63  }
0xc: {  	s10 =	smul.u32 $0x1800, s9;
	_ =	swait.ge [sflag:s7], $0x4000  }
0xd: {  	s13 =	sadd.s32 $0xCA00, s8;
	[sflag:s7] =	ssyncset.done $0x0  }
0xe: {  	s14 =	smul.u32 $0x3, s9;
	s8 =	sadd.s32 s13, s10;
	[sflag:s7] =	ssyncadd.s32 $0xFFFFC000  }
0xf: {  	[hbm4b:s8+s2] =	stream.linear.scatter [tilespmem:s6], [sflag:$0x2], $0x4000, $0x38;
	[tilespmem:$0x4080] =	vst v63  }
0x10: {  	s26 =	sadd.s32 $0x1, s14;
	_ =	swait.ge [sflag:s3], $0x4000  }
0x11: {  	s28 =	sshll.u32 s26, $0x4;
	[sflag:s3] =	ssyncset.done $0x0  }
0x12: {  	s9 =	sadd.s32 s11, s28;
	[sflag:s3] =	ssyncadd.s32 $0xFFFFC000  }
0x13: {  	[tilespmem:s2], [sflag:$0x2] =	stream.linear.gather [hbm4b:s9+s2], $0x80, $0x38;
	[tilespmem:$0x4080] =	vst v63  }
0x14: {  	_ =	swait.ge [sflag:s3], $0x80  }
0x15: {  	[sflag:s3] =	ssyncset.done $0x0  }
0x16: {  	[sflag:s3] =	ssyncadd.s32 $0xFFFFFF80  }
0x17: {  	[tilespmem:s6], [sflag:$0x1] =	stream.indirect.gather [hbm4b:s5+s6], $0x80, s2, s6, $0xb8;
	[tilespmem:$0x4080] =	vst v63  }
0x18: {  	_ =	swait.ge [sflag:s7], $0x4000  }
0x19: {  	s10 =	sshll.u32 s26, $0xB;
	[sflag:s7] =	ssyncset.done $0x0  }
0x1a: {  	s10 =	sadd.s32 s13, s10;
	[sflag:s7] =	ssyncadd.s32 $0xFFFFC000  }
0x1b: {  	[hbm4b:s10+s2] =	stream.linear.scatter [tilespmem:s6], [sflag:$0x2], $0x4000, $0x38;
	[tilespmem:$0x4080] =	vst v63  }
0x1c: {  	s14 =	sadd.s32 $0x2, s14;
	_ =	swait.ge [sflag:s3], $0x4000  }
0x1d: {  	s15 =	sshll.u32 s14, $0x4;
	[sflag:s3] =	ssyncset.done $0x0  }
0x1e: {  	s12 =	ssub.s32 $0x2, s12;
	s11 =	sadd.s32 s11, s15;
	[sflag:s3] =	ssyncadd.s32 $0xFFFFC000  }
0x1f: {  	[tilespmem:s2], [sflag:$0x2] =	stream.linear.gather [hbm4b:s11+s2], $0x80, $0x38;
	[tilespmem:$0x4080] =	vst v63  }
0x20: {  	s29 =	sshrl.u32 s12, $0x1;
	_ =	swait.ge [sflag:s3], $0x80  }
0x21: {  	s15 =	ssub.s32 s12, s29;
	[sflag:s3] =	ssyncset.done $0x0  }
0x22: {  	s31 =	smax.u32 s15, $0x1;
	[sflag:s3] =	ssyncadd.s32 $0xFFFFFF80  }
0x23: {  	[tilespmem:s6], [sflag:$0x1] =	stream.indirect.gather [hbm4b:s5+s6], $0x80, s2, s6, $0xb8;
	[tilespmem:$0x4080] =	vst v63  }
0x24: {  	p0 =	sne.s32 s31, $0x1;
	_ =	swait.ge [sflag:s7], $0x4000  }
.Ltmp0:
0x25: {  	s30 =	sshll.u32 s14, $0xB;
	[sflag:s7] =	ssyncset.done $0x0;
	(pc) =	sbr.rel @!p0 .LBB2_2-.Ltmp0, $4  }
0x26: {  	s12 =	sadd.s32 s13, s30;
	[sflag:s7] =	ssyncadd.s32 $0xFFFFC000  }
0x27: {  	[hbm4b:s12+s2] =	stream.linear.scatter [tilespmem:s6], [sflag:$0x2], $0x4000, $0x38;
	[tilespmem:$0x4080] =	vst v63  }
0x28: {  	_ =	swait.ge [sflag:s3], $0x4000  }
0x29: {  	s13 =	sadd.s32 $0xFFFFFFFF, s31;
	[sflag:s3] =	ssyncset.done $0x0  }
.LBB2_1:
0x2a: {  	p0 =	sne.s32 s13, $0x1;
	s13 =	sadd.s32 $0xFFFFFFFF, s13;
	[sflag:s3] =	ssyncadd.s32 $0xFFFFC000  }
0x2b: {  	[tilespmem:s2], [sflag:$0x2] =	stream.linear.gather [hbm4b:s4+s2], $0x80, $0x38;
	[tilespmem:$0x4080] =	vst v63  }
0x2c: {  	_ =	swait.ge [sflag:s3], $0x80  }
0x2d: {  	[sflag:s3] =	ssyncset.done $0x0  }
0x2e: {  	[sflag:s3] =	ssyncadd.s32 $0xFFFFFF80  }
0x2f: {  	[tilespmem:s6], [sflag:$0x1] =	stream.indirect.gather [hbm4b:s5+s6], $0x80, s2, s6, $0xb8;
	[tilespmem:$0x4080] =	vst v63  }
0x30: {  	_ =	swait.ge [sflag:s7], $0x4000  }
0x31: {  	[sflag:s7] =	ssyncset.done $0x0  }
0x32: {  	[sflag:s7] =	ssyncadd.s32 $0xFFFFC000  }
0x33: {  	[hbm4b:s8+s2] =	stream.linear.scatter [tilespmem:s6], [sflag:$0x2], $0x4000, $0x38;
	[tilespmem:$0x4080] =	vst v63  }
0x34: {  	_ =	swait.ge [sflag:s3], $0x4000  }
0x35: {  	[sflag:s3] =	ssyncset.done $0x0  }
0x36: {  	[sflag:s3] =	ssyncadd.s32 $0xFFFFC000  }
0x37: {  	[tilespmem:s2], [sflag:$0x2] =	stream.linear.gather [hbm4b:s9+s2], $0x80, $0x38;
	[tilespmem:$0x4080] =	vst v63  }
0x38: {  	_ =	swait.ge [sflag:s3], $0x80  }
0x39: {  	[sflag:s3] =	ssyncset.done $0x0  }
0x3a: {  	[sflag:s3] =	ssyncadd.s32 $0xFFFFFF80  }
0x3b: {  	[tilespmem:s6], [sflag:$0x1] =	stream.indirect.gather [hbm4b:s5+s6], $0x80, s2, s6, $0xb8;
	[tilespmem:$0x4080] =	vst v63  }
0x3c: {  	_ =	swait.ge [sflag:s7], $0x4000  }
0x3d: {  	[sflag:s7] =	ssyncset.done $0x0  }
0x3e: {  	[sflag:s7] =	ssyncadd.s32 $0xFFFFC000  }
0x3f: {  	[hbm4b:s10+s2] =	stream.linear.scatter [tilespmem:s6], [sflag:$0x2], $0x4000, $0x38;
	[tilespmem:$0x4080] =	vst v63  }
0x40: {  	_ =	swait.ge [sflag:s3], $0x4000  }
0x41: {  	[sflag:s3] =	ssyncset.done $0x0  }
0x42: {  	[sflag:s3] =	ssyncadd.s32 $0xFFFFC000  }
0x43: {  	[tilespmem:s2], [sflag:$0x2] =	stream.linear.gather [hbm4b:s11+s2], $0x80, $0x38;
	[tilespmem:$0x4080] =	vst v63  }
0x44: {  	_ =	swait.ge [sflag:s3], $0x80  }
0x45: {  	[sflag:s3] =	ssyncset.done $0x0  }
0x46: {  	[sflag:s3] =	ssyncadd.s32 $0xFFFFFF80  }
0x47: {  	[tilespmem:s6], [sflag:$0x1] =	stream.indirect.gather [hbm4b:s5+s6], $0x80, s2, s6, $0xb8;
	[tilespmem:$0x4080] =	vst v63  }
0x48: {  	_ =	swait.ge [sflag:s7], $0x4000  }
.Ltmp1:
0x49: {  	[sflag:s7] =	ssyncset.done $0x0;
	(pc) =	sbr.rel @p0 .LBB2_1-.Ltmp1, $4  }
0x4a: {  	[sflag:s7] =	ssyncadd.s32 $0xFFFFC000  }
0x4b: {  	[hbm4b:s12+s2] =	stream.linear.scatter [tilespmem:s6], [sflag:$0x2], $0x4000, $0x38;
	[tilespmem:$0x4080] =	vst v63  }
0x4c: {  	_ =	swait.ge [sflag:s3], $0x4000  }
0x4d: {  	[sflag:s3] =	ssyncset.done $0x0  }
.LBB2_2:
0x4e: {  	[sflag:s3] =	ssyncadd.s32 $0xFFFFC000  }
0x4f: {  	_ =	sfence.sel $0x180000  }
0x50: {  	[bflag:$0x0] =	sbarrier.arrive $0xFFFF  }
0x51: {  	p0 =	sne.s32 s0, $0x0;
	_ =	strace $0x90000050  }
0x52: {  	s0 =	sadd.s32 @!p0 $0x100000, s1;
	[bflag:$0x2] =	sbarrier.arrive $0xFFFF  }
0x53: {  	[sflag:s0] =	ssyncadd.tile.s32 @!p0 $0x1;
	_ =	shalt  }
.Lfunc_end2:
_tile_overlayer_lowered:
.L_overlay_start_2:
0x54: {  	(tag) =	ssettag $0x2  }
0x55: {  	s0 =	rddreg [dreg:$0x0];
	s2 =	stileid.u32  }
0x56: {  	s1 =	rddreg [dreg:$0x1];
	p0 =	sne.s32 s2, $0x0  }
0x57: {  	s3 =	rddreg [dreg:$0x2];
	[bflag:$0x3] =	sbarrier.arrive $0xFFFF;
	s2 =	simm.s32 @!p0 $0x1C02  }
0x58: {  	[timem:s3], [sflag:s2] =	dma.local @!p0 [hbm:s0], s1  }
0x59: {  	s0 =	simm.s32 @!p0 $0x2  }
0x5a: {  	_ =	swait.ge @!p0 [sflag:s0], s1  }
0x5b: {  	s1 =	ssub.s32 @!p0 $0x0, s1;
	[sflag:s0] =	ssyncset.done @!p0 $0x0  }
0x5c: {  	[sflag:s0] =	ssyncadd.s32 @!p0 s1  }
0x5d: {  	[bflag:$0x3] =	sbarrier.arrive $0xFFFF  }
0x5e: {  	_ =	shalt  }

// kernel: kernel.24.cloned.1.call-start
scs
__scs_entry_jumppad:
0x0: {  	(pc) =	sbr.rel $0x88, $3  }
0x1: {  	(tag) =	ssettag $0x0;
	lr =	simm.s32 $0x1  }
0x2: {  	[smem:$0x3F8C] =	sst lr;
	_ =	strace $0xD0000000  }
0x3: {  	_ = 	snop  }
0x4: {  	_ = 	snop  }
0x5: {  	_ = 	snop  }
0x6: {  	_ = 	snop  }
0x7: {  	_ = 	snop  }
__scs_overlays_trampoline_lowered:
0x8: {  	[smem:$0x3F9B] =	sst s0  }
0x9: {  	[smem:$0x3F9C] =	sst s1  }
0xa: {  	[smem:$0x3F9D] =	sst s2  }
0xb: {  	[smem:$0x3F9E] =	sst s3  }
0xc: {  	[smem:$0x3F9F] =	sst s4  }
0xd: {  	[smem:$0x3FA0] =	sst s5  }
0xe: {  	[smem:$0x3FA1] =	sst s6  }
0xf: {  	[smem:$0x3FA2] =	sst s7  }
0x10: {  	[smem:$0x3FA3] =	sst s8  }
0x11: {  	[smem:$0x3FA4] =	sst s9;
	s0 =	simm.s32 @!p0 $0x0  }
0x12: {  	s1 =	sld [smem:$0x3F8A];
	s0 =	simm.s32 @p0 $0x1  }
0x13: {  	[smem:$0x3FA5] =	sst s0;
	s0 =	simm.s32 @!p1 $0x0  }
0x14: {  	s2 =	sld [smem:$0x3F89];
	s0 =	simm.s32 @p1 $0x1  }
0x15: {  	[smem:$0x3FA6] =	sst s0;
	s0 =	simm.s32 @!p2 $0x0  }
0x16: {  	s3 =	sld [smem:$0x3FDB];
	s0 =	simm.s32 @p2 $0x1  }
0x17: {  	s4 =	simm.s32 $0x1BF5;
	[smem:$0x3FA8] =	sst s0  }
0x18: {  	s0 =	sld [smem:$0x3F8B];
	_ =	swait.ge [sflag:s4], $0x0  }
0x19: {  	s7 =	sld [smem:$0x3F8C]  }
0x1a: {  	s8 =	sadd.s32 $0xFFFFE003, lr  }
0x1b: {  	s9 =	sadd.s32 $0xFFFFFEF7, lr;
	s5 =	simm.s32 $0xFFFFFFFF;
	p2 =	slt.u32 s8, $0xFFFFF086  }
0x1c: {  	p1 =	slt.u32 s9, $0xF7A;
	s5 =	simm.s32 @!p2 $0x0  }
0x1d: {  	s5 =	simm.s32 @p1 $0x1;
	p0 =	seq.s32 s7, s2  }
0x1e: {  	s7 =	smul.u32 @!p0 $0xF7A, s2;
	p2 =	seq.s32 @!p0 s5, $0x0  }
0x1f: {  	s9 =	smul.u32 $0xF7A, s1;
	s8 =	simm.s32 @!p0 $0x1BF5;
	p2 =	por !p2, p0  }
0x20: {  	[sflag:s8] =	ssyncset.s32 @!p0 $0xFFFFF086;
	s6 =	sadd.s32 @!p0 s3, s7;
	s7 =	simm.s32 @!p0 $0x108  }
0x21: {  	s3 =	sadd.s32 s3, s9;
	s6 =	sadd.s32 @!p0 $0x88, s6;
	s7 =	simm.s32 @p2 $0x1082  }
0x22: {  	[simem:s7], [sflag:s8] =	dma.local @!p0 [hbm:s6], $0xF7A  }
0x23: {  	s9 =	sor.u32 $0xD0000000, s2;
	s6 =	simm.s32 $0x108;
	_ =	swait.ge @!p0 [sflag:s8], $0x0  }
0x24: {  	s3 =	sadd.s32 $0x88, s3;
	s6 =	simm.s32 @!p1 $0x1082;
	[sflag:s4] =	ssyncset.s32 $0xFFFFF086  }
0x25: {  	[simem:s6], [sflag:s4] =	dma.local [hbm:s3], $0xF7A  }
0x26: {  	[smem:$0x3F8C] =	sst s1;
	(tag) =	ssettag s2;
	_ =	strace s9  }
0x27: {  	s1 =	sld [smem:$0x3F9C]  }
0x28: {  	s2 =	sld [smem:$0x3F9D]  }
0x29: {  	s4 =	sld [smem:$0x3F9F]  }
0x2a: {  	p0 =	seq.s32 s5, $0x0;
	s5 =	sld [smem:$0x3FA0]  }
0x2b: {  	s6 =	sld [smem:$0x3FA1]  }
0x2c: {  	s7 =	sld [smem:$0x3FA2]  }
0x2d: {  	s3 =	simm.s32 $0x108;
	s8 =	sld [smem:$0x3FA3]  }
0x2e: {  	s3 =	simm.s32 @!p0 $0x1082;
	s9 =	sld [smem:$0x3FA4]  }
0x2f: {  	lr =	sadd.s32 s0, s3;
	s0 =	sld [smem:$0x3F9B]  }
0x30: {  	s3 =	sld [smem:$0x3F9E]  }
0x31: {  	[smem:$0x3FA7] =	sst s10  }
0x32: {  	s10 =	sld [smem:$0x3FA5];
	_ =	sdelay $0x3  }
0x33: {  	p0 =	seq.s32 s10, $0x1;
	s10 =	sld [smem:$0x3FA7];
	_ =	sdelay $0x3  }
0x34: {  	[smem:$0x3FA7] =	sst s10  }
0x35: {  	s10 =	sld [smem:$0x3FA6];
	_ =	sdelay $0x3  }
0x36: {  	p1 =	seq.s32 s10, $0x1;
	s10 =	sld [smem:$0x3FA7];
	_ =	sdelay $0x3  }
0x37: {  	[smem:$0x3FA7] =	sst s10  }
0x38: {  	s10 =	sld [smem:$0x3FA8]  }
0x39: {  	_ = 	snop;
	(pc) =	sbr.ind lr, $3  }
0x3a: {  	_ = 	snop  }
0x3b: {  	_ = 	snop  }
0x3c: {  	p2 =	seq.s32 s10, $0x1;
	s10 =	sld [smem:$0x3FA7]  }
0x3d: {  	_ =	shalt  }
0x3e: {  	_ =	shalt  }
0x3f: {  	_ =	shalt  }
0x40: {  	_ =	shalt  }
0x41: {  	_ =	shalt  }
0x42: {  	_ =	shalt  }
0x43: {  	_ =	shalt  }
0x44: {  	_ =	shalt  }
0x45: {  	_ =	shalt  }
0x46: {  	_ =	shalt  }
0x47: {  	_ =	shalt  }
0x48: {  	_ =	shalt  }
0x49: {  	_ =	shalt  }
0x4a: {  	_ =	shalt  }
0x4b: {  	_ =	shalt  }
0x4c: {  	_ =	shalt  }
0x4d: {  	_ =	shalt  }
0x4e: {  	_ =	shalt  }
0x4f: {  	_ =	shalt  }
0x50: {  	_ =	shalt  }
0x51: {  	_ =	shalt  }
0x52: {  	_ =	shalt  }
0x53: {  	_ =	shalt  }
0x54: {  	_ =	shalt  }
0x55: {  	_ =	shalt  }
0x56: {  	_ =	shalt  }
0x57: {  	_ =	shalt  }
0x58: {  	_ =	shalt  }
0x59: {  	_ =	shalt  }
0x5a: {  	_ =	shalt  }
0x5b: {  	_ =	shalt  }
0x5c: {  	_ =	shalt  }
0x5d: {  	_ =	shalt  }
0x5e: {  	_ =	shalt  }
0x5f: {  	_ =	shalt  }
0x60: {  	_ =	shalt  }
0x61: {  	_ =	shalt  }
0x62: {  	_ =	shalt  }
0x63: {  	_ =	shalt  }
0x64: {  	_ =	shalt  }
0x65: {  	_ =	shalt  }
0x66: {  	_ =	shalt  }
0x67: {  	_ =	shalt  }
0x68: {  	_ =	shalt  }
0x69: {  	_ =	shalt  }
0x6a: {  	_ =	shalt  }
0x6b: {  	_ =	shalt  }
0x6c: {  	_ =	shalt  }
0x6d: {  	_ =	shalt  }
0x6e: {  	_ =	shalt  }
0x6f: {  	_ =	shalt  }
0x70: {  	_ =	shalt  }
0x71: {  	_ =	shalt  }
0x72: {  	_ =	shalt  }
0x73: {  	_ =	shalt  }
0x74: {  	_ =	shalt  }
0x75: {  	_ =	shalt  }
0x76: {  	_ =	shalt  }
0x77: {  	_ =	shalt  }
0x78: {  	_ =	shalt  }
0x79: {  	_ =	shalt  }
0x7a: {  	_ =	shalt  }
0x7b: {  	_ =	shalt  }
0x7c: {  	_ =	shalt  }
0x7d: {  	_ =	shalt  }
0x7e: {  	_ =	shalt  }
0x7f: {  	_ =	shalt  }
0x80: {  	_ =	shalt  }
0x81: {  	_ =	shalt  }
0x82: {  	_ =	shalt  }
0x83: {  	_ =	shalt  }
0x84: {  	_ =	shalt  }
0x85: {  	_ =	shalt  }
0x86: {  	_ =	shalt  }
0x87: {  	_ =	shalt  }
.Lfunc_end0:
.L_simem_size_0:
called_computation.4_lowered:
.L_overlay_start_0:
0x88: {  	s2 =	sld [smem:$0x3FD9]  }
0x89: {  	s3 =	sld [smem:$0x3FFE];
	_ =	sdelay $0x1  }
0x8a: {  	s1 =	srdreg.scid  }
0x8b: {  	s0 =	sand.u32 $0x1, s1  }
0x8c: {  	s16 =	sshll.u32 s0, $0xA;
	s2 =	sadd.s32 s3, s2  }
0x8d: {  	s2 =	sadd.s32 s2, s16  }
0x8e: {  	[smem:$0x3FB3] =	sst s2  }
0x8f: {  	_ = 	snop  }
0x90: {  	(tm) =	ssettm $0x1  }
0x91: {  	s17 =	sld [smem:$0x3FFB];
	_ =	sdelay $0x3  }
0x92: {  	_ =	strace s17  }
0x93: {  	s2 =	sld [smem:$0x3FFC];
	_ =	sdelay $0x3  }
0x94: {  	_ =	strace s2  }
0x95: {  	s2 =	sld [smem:$0x3FFD];
	_ =	sdelay $0x3  }
0x96: {  	_ =	strace s2  }
0x97: {  	_ =	strace $0x8FFFFFFF  }
0x98: {  	s18 =	sld [smem:$0x3FDB];
	_ =	sdelay $0x1  }
0x99: {  	s19 =	simm.s32 $_scs_section_size  }
0x9a: {  	s4 =	simm.s32 $_size__tile_overlayer_lowered;
	s5 =	simm.s32 $_tile_overlayer_lowered  }
0x9b: {  	s22 =	simm.s32 $0x1BFF;
	s21 =	sshll.u32 s5, $0x1;
	s2 =	sadd.s32 s19, s18  }
0x9c: {  	s6 =	simm.s32 $0x0;
	s20 =	sshll.u32 s4, $0x1;
	s4 =	sadd.s32 s21, s2  }
0x9d: {  	[timem:s6], [sflag:s22] =	dma.local [hbm:s4], s20  }
0x9e: {  	_ =	swait.ge [sflag:s22], s20  }
0x9f: {  	s3 =	ssub.s32 $0x0, s20;
	[sflag:s22] =	ssyncset.done $0x0  }
0xa0: {  	[sflag:s22] =	ssyncadd.s32 s3;
	_ =	sdelay $0x1  }
0xa1: {  	s23 =	simm.s32 $0x1B8B  }
0xa2: {  	_ =	swait.ge [sflag:s23], $0x1  }
0xa3: {  	[sflag:s23] =	ssyncset.done $0x0  }
0xa4: {  	s25 =	simm.s32 $0x1B8E;
	s24 =	sld [smem:$0x3FFE];
	[sflag:s23] =	ssyncadd.s32 $0xFFFFFFFF  }
0xa5: {  	s26 =	simm.s32 $execute0_lowered;
	[smem:$0x3FD2] =	sst s25  }
0xa6: {  	s4 =	sshll.u32 s26, $0x1;
	_ =	strace $0x80000052;
	[dreg:$0x1] =	wrdreg $0xFFFFFFFF  }
0xa7: {  	s28 =	simm.s32 $_size_execute0_lowered;
	s2 =	sadd.s32 s2, s4;
	[dreg:$0x0] =	wrdreg $0x0  }
0xa8: {  	s4 =	sshll.u32 s28, $0x1;
	[dreg:$0x2] =	wrdreg s2  }
0xa9: {  	[dreg:$0x3] =	wrdreg s4  }
0xaa: {  	[dreg:$0x4] =	wrdreg $0xC0  }
0xab: {  	_ =	task [dreg:s6], $0x5FFFF  }
0xac: {  	[dreg:$0x1] =	wrdreg $0xFFFFFFFF  }
0xad: {  	[dreg:$0x0] =	wrdreg $0x60  }
0xae: {  	[dreg:$0x2] =	wrdreg s24  }
0xaf: {  	[dreg:$0x3] =	wrdreg $0x9  }
0xb0: {  	_ =	task.clear_ibuf [dreg:s6], $0x4FFFF;
	_ =	strace $0x90000052  }
0xb1: {  	s29 =	simm.s32 $0x9;
	_ =	strace $0x80000054  }
0xb2: {  	_ =	swait.ge [sflag:s29], $0x1  }
0xb3: {  	[sflag:s29] =	ssyncadd.s32 $0xFFFFFFFF  }
0xb4: {  	_ =	strace $0x90000054  }
0xb5: {  	_ =	sfence  }
0xb6: {  	s30 =	sld [smem:$0x0];
	_ =	sdelay $0x2  }
0xb7: {  	s31 =	sshll.u32 s1, $0xD;
	s1 =	sshrl.u32 s1, $0x2  }
0xb8: {  	s3 =	sand.u32 $0x4000, s31;
	s1 =	sadd.s32 s1, s30  }
0xb9: {  	s0 =	sor.u32 s3, s0;
	s1 =	sshll.u32 s1, $0x11  }
0xba: {  	s0 =	sor.u32 s1, s0  }
0xbb: {  	s0 =	sadd.s32 $0x8F2B, s0  }
0xbc: {  	[sflag:s0] =	ssyncadd.remote.s32 $0x1  }
0xbd: {  	_ =	sfence.sel $0xFFFF  }
0xbe: {  	[dreg:$0x0] =	wrdreg $0xFFFFFFFF;
	(pc) =	sbr.abs _section_cstart, $3  }
0xbf: {  	[dreg:$0x1] =	wrdreg $0xFFFFFFFF  }
0xc0: {  	_ =	task.clear_ibuf [dreg:s6], $0x2FFFF;
	_ =	strace $0x9FFFFFFF  }
0xc1: {  	(tm) =	ssettm $0x7FFFFFFF  }
tec
execute0_lowered:
.L_overlay_start_1:
0x0: {  	(tag) =	ssettag $0x1  }
0x1: {  	s4 =	rddreg [dreg:$0x0]  }
0x2: {  	s0 =	rddreg [dreg:$0x1]  }
0x3: {  	s2 =	simm.s32 $0x0;
	s1 =	stileid.u32;
	s5 =	srdreg.scid  }
0x4: {  	s12 =	simm.s32 $0x100;
	s13 =	simm.s32 $0x1;
	s3 =	smul.u32 $0x500, s1  }
0x5: {  	s14 =	simm.s32 $0x4100;
	s6 =	smul.u32 $0x28000, s1;
	s5 =	sand.u32 $0x1, s5  }
0x6: {  	s15 =	simm.s32 $0x0;
	[smem:$0x7FF] =	sst s2;
	s9 =	smul.u32 $0x14000, s5  }
0x7: {  	_ =	strace $0x80000053;
	s8 =	ssub.s32 $0x2, s5;
	s11 =	smul.u32 $0x280, s5  }
0x8: {  	s7 =	sadd.s32 s3, s4;
	s3 =	sadd.s32 $0xC400, s4;
	s10 =	sshrl.u32 s8, $0x1  }
0x9: {  	s6 =	sadd.s32 s6, s4;
	s4 =	sadd.s32 $0x73800, s4;
	s29 =	ssub.s32 s8, s10  }
0xa: {  	s30 =	sadd.s32 s9, s6;
	s31 =	sadd.s32 s11, s7;
	s10 =	simm.s32 $0x2  }
0xb: {  	s11 =	simm.s32 $0x80;
	s5 =	smax.u32 s29, $0x1;
	s6 =	sadd.s32 $0x7F8800, s30  }
0xc: {  	s7 =	sadd.s32 $0x9AA00, s30;
	s8 =	sadd.s32 $0x7400, s31;
	s9 =	sadd.s32 $0x6E800, s31  }
.LBB2_1:
0xd: {  	s16 =	sadd.s32 $0x0, s9  }
0xe: {  	[tilespmem:s2], [sflag:$0x2] =	stream.linear.gather [hbm4b:s16+s2], $0x80, $0x38;
	[tilespmem:$0x8100] =	vst v63  }
0xf: {  	_ =	swait.ge [sflag:s10], $0x80  }
0x10: {  	[sflag:s10] =	ssyncset.done $0x0  }
0x11: {  	s31 =	sadd.s32 $0x0, s8;
	[sflag:s10] =	ssyncadd.s32 $0xFFFFFF80  }
0x12: {  	[tilespmem:s11], [sflag:$0x2] =	stream.linear.gather [hbm4b:s31+s2], $0x80, $0x38;
	[tilespmem:$0x8100] =	vst v63  }
0x13: {  	_ =	swait.ge [sflag:s10], $0x80  }
0x14: {  	[sflag:s10] =	ssyncset.done $0x0  }
0x15: {  	[sflag:s10] =	ssyncadd.s32 $0xFFFFFF80  }
0x16: {  	[tilespmem:s12], [sflag:$0x1] =	stream.indirect.gather [hbm4b:s3+s11], $0x80, s2, s11, $0xb8;
	[tilespmem:$0x8100] =	vst v63  }
0x17: {  	_ =	swait.ge [sflag:s13], $0x4000  }
0x18: {  	[sflag:s13] =	ssyncset.done $0x0  }
0x19: {  	[sflag:s13] =	ssyncadd.s32 $0xFFFFC000  }
0x1a: {  	[tilespmem:s14], [sflag:$0x1] =	stream.indirect.gather [hbm4b:s4+s11], $0x80, s11, s11, $0xb8;
	[tilespmem:$0x8100] =	vst v63  }
0x1b: {  	_ =	swait.ge [sflag:s13], $0x4000  }
0x1c: {  	[sflag:s13] =	ssyncset.done $0x0  }
0x1d: {  	[sflag:s13] =	ssyncadd.s32 $0xFFFFC000  }
0x1e: {  	[hbm4b:s7+s2] =	stream.linear.scatter [tilespmem:s12], [sflag:$0x2], $0x4000, $0x38;
	[tilespmem:$0x8100] =	vst v63  }
0x1f: {  	_ =	swait.ge [sflag:s10], $0x4000  }
0x20: {  	[sflag:s10] =	ssyncset.done $0x0  }
0x21: {  	[sflag:s10] =	ssyncadd.s32 $0xFFFFC000  }
0x22: {  	[hbm4b:s6+s2] =	stream.linear.scatter [tilespmem:s14], [sflag:$0x2], $0x4000, $0x38;
	[tilespmem:$0x8100] =	vst v63  }
0x23: {  	s18 =	simm.s32 $0x10;
	s19 =	simm.s32 $0x20;
	_ =	swait.ge [sflag:s10], $0x4000  }
0x24: {  	s17 =	sadd.s32 $0x800, s7;
	s16 =	sadd.s32 $0x800, s6;
	[sflag:s10] =	ssyncset.done $0x0  }
.LBB2_2:
0x25: {  	s20 =	sadd.s32 s18, s9  }
0x26: {  	[sflag:s10] =	ssyncadd.s32 $0xFFFFC000;
	s21 =	smov.u32 s19;
	s22 =	sadd.s32 $0x10, s19  }
0x27: {  	[tilespmem:s2], [sflag:$0x2] =	stream.linear.gather [hbm4b:s20+s2], $0x80, $0x38;
	[tilespmem:$0x8100] =	vst v63  }
0x28: {  	p0 =	sne.s32 s19, $0x270;
	_ =	swait.ge [sflag:s10], $0x80  }
0x29: {  	[sflag:s10] =	ssyncset.done $0x0  }
0x2a: {  	s19 =	sadd.s32 s18, s8;
	s18 =	smov.u32 s21;
	[sflag:s10] =	ssyncadd.s32 $0xFFFFFF80  }
0x2b: {  	[tilespmem:s11], [sflag:$0x2] =	stream.linear.gather [hbm4b:s19+s2], $0x80, $0x38;
	[tilespmem:$0x8100] =	vst v63  }
0x2c: {  	_ =	swait.ge [sflag:s10], $0x80  }
0x2d: {  	[sflag:s10] =	ssyncset.done $0x0  }
0x2e: {  	[sflag:s10] =	ssyncadd.s32 $0xFFFFFF80  }
0x2f: {  	[tilespmem:s12], [sflag:$0x1] =	stream.indirect.gather [hbm4b:s3+s11], $0x80, s2, s11, $0xb8;
	[tilespmem:$0x8100] =	vst v63  }
0x30: {  	_ =	swait.ge [sflag:s13], $0x4000  }
0x31: {  	[sflag:s13] =	ssyncset.done $0x0  }
0x32: {  	[sflag:s13] =	ssyncadd.s32 $0xFFFFC000  }
0x33: {  	[tilespmem:s14], [sflag:$0x1] =	stream.indirect.gather [hbm4b:s4+s11], $0x80, s11, s11, $0xb8;
	[tilespmem:$0x8100] =	vst v63  }
0x34: {  	_ =	swait.ge [sflag:s13], $0x4000  }
0x35: {  	[sflag:s13] =	ssyncset.done $0x0  }
0x36: {  	[sflag:s13] =	ssyncadd.s32 $0xFFFFC000  }
0x37: {  	[hbm4b:s17+s2] =	stream.linear.scatter [tilespmem:s12], [sflag:$0x2], $0x4000, $0x38;
	[tilespmem:$0x8100] =	vst v63  }
0x38: {  	_ =	swait.ge [sflag:s10], $0x4000  }
.Ltmp0:
0x39: {  	[sflag:s10] =	ssyncset.done $0x0;
	(pc) =	sbr.rel @p0 .LBB2_2-.Ltmp0, $4  }
0x3a: {  	[sflag:s10] =	ssyncadd.s32 $0xFFFFC000  }
0x3b: {  	[hbm4b:s16+s2] =	stream.linear.scatter [tilespmem:s14], [sflag:$0x2], $0x4000, $0x38;
	[tilespmem:$0x8100] =	vst v63  }
0x3c: {  	s19 =	smov.u32 s22;
	_ =	swait.ge [sflag:s10], $0x4000  }
0x3d: {  	s17 =	sadd.s32 $0x800, s17;
	s16 =	sadd.s32 $0x800, s16;
	[sflag:s10] =	ssyncset.done $0x0  }
0x3e: {  	s19 =	sadd.s32 s18, s9;
	[sflag:s10] =	ssyncadd.s32 $0xFFFFC000  }
0x3f: {  	[tilespmem:s2], [sflag:$0x2] =	stream.linear.gather [hbm4b:s19+s2], $0x80, $0x38;
	[tilespmem:$0x8100] =	vst v63  }
0x40: {  	_ =	swait.ge [sflag:s10], $0x80  }
0x41: {  	[sflag:s10] =	ssyncset.done $0x0  }
0x42: {  	s31 =	sadd.s32 s18, s8;
	[sflag:s10] =	ssyncadd.s32 $0xFFFFFF80  }
0x43: {  	[tilespmem:s11], [sflag:$0x2] =	stream.linear.gather [hbm4b:s31+s2], $0x80, $0x38;
	[tilespmem:$0x8100] =	vst v63  }
0x44: {  	_ =	swait.ge [sflag:s10], $0x80  }
0x45: {  	[sflag:s10] =	ssyncset.done $0x0  }
0x46: {  	[sflag:s10] =	ssyncadd.s32 $0xFFFFFF80  }
0x47: {  	[tilespmem:s12], [sflag:$0x1] =	stream.indirect.gather [hbm4b:s3+s11], $0x80, s2, s11, $0xb8;
	[tilespmem:$0x8100] =	vst v63  }
0x48: {  	_ =	swait.ge [sflag:s13], $0x4000  }
0x49: {  	[sflag:s13] =	ssyncset.done $0x0  }
0x4a: {  	[sflag:s13] =	ssyncadd.s32 $0xFFFFC000  }
0x4b: {  	[tilespmem:s14], [sflag:$0x1] =	stream.indirect.gather [hbm4b:s4+s11], $0x80, s11, s11, $0xb8;
	[tilespmem:$0x8100] =	vst v63  }
0x4c: {  	_ =	swait.ge [sflag:s13], $0x4000  }
0x4d: {  	[sflag:s13] =	ssyncset.done $0x0  }
0x4e: {  	[sflag:s13] =	ssyncadd.s32 $0xFFFFC000  }
0x4f: {  	[hbm4b:s17+s2] =	stream.linear.scatter [tilespmem:s12], [sflag:$0x2], $0x4000, $0x38;
	[tilespmem:$0x8100] =	vst v63  }
0x50: {  	s15 =	sadd.s32 $0x1, s15;
	_ =	swait.ge [sflag:s10], $0x4000  }
0x51: {  	p0 =	sne.s32 s15, s5;
	[sflag:s10] =	ssyncset.done $0x0  }
.Ltmp1:
0x52: {  	[sflag:s10] =	ssyncadd.s32 $0xFFFFC000;
	(pc) =	sbr.rel @p0 .LBB2_1-.Ltmp1, $4  }
0x53: {  	[hbm4b:s16+s2] =	stream.linear.scatter [tilespmem:s14], [sflag:$0x2], $0x4000, $0x38;
	[tilespmem:$0x8100] =	vst v63  }
0x54: {  	_ =	swait.ge [sflag:s10], $0x4000  }
0x55: {  	[sflag:s10] =	ssyncset.done $0x0  }
0x56: {  	[sflag:s10] =	ssyncadd.s32 $0xFFFFC000  }
0x57: {  	_ =	sfence.sel $0x180000  }
0x58: {  	[bflag:$0x0] =	sbarrier.arrive $0xFFFF  }
0x59: {  	p0 =	sne.s32 s1, $0x0;
	_ =	strace $0x90000053  }
0x5a: {  	s0 =	sadd.s32 @!p0 $0x100000, s0;
	[bflag:$0x2] =	sbarrier.arrive $0xFFFF  }
0x5b: {  	[sflag:s0] =	ssyncadd.tile.s32 @!p0 $0x1;
	_ =	shalt  }
.Lfunc_end2:
_tile_overlayer_lowered:
.L_overlay_start_2:
0x5c: {  	(tag) =	ssettag $0x2  }
0x5d: {  	s0 =	rddreg [dreg:$0x0];
	s2 =	stileid.u32  }
0x5e: {  	s1 =	rddreg [dreg:$0x1];
	p0 =	sne.s32 s2, $0x0  }
0x5f: {  	s3 =	rddreg [dreg:$0x2];
	[bflag:$0x3] =	sbarrier.arrive $0xFFFF;
	s2 =	simm.s32 @!p0 $0x1C02  }
0x60: {  	[timem:s3], [sflag:s2] =	dma.local @!p0 [hbm:s0], s1  }
0x61: {  	s0 =	simm.s32 @!p0 $0x2  }
0x62: {  	_ =	swait.ge @!p0 [sflag:s0], s1  }
0x63: {  	s1 =	ssub.s32 @!p0 $0x0, s1;
	[sflag:s0] =	ssyncset.done @!p0 $0x0  }
0x64: {  	[sflag:s0] =	ssyncadd.s32 @!p0 s1  }
0x65: {  	[bflag:$0x3] =	sbarrier.arrive $0xFFFF  }
0x66: {  	_ =	shalt  }

// kernel: kernel.27.cloned.1.call-start
scs
__scs_entry_jumppad:
0x0: {  	(pc) =	sbr.rel $0x88, $3  }
0x1: {  	(tag) =	ssettag $0x0;
	lr =	simm.s32 $0x1  }
0x2: {  	[smem:$0x3F8C] =	sst lr;
	_ =	strace $0xD0000000  }
0x3: {  	_ = 	snop  }
0x4: {  	_ = 	snop  }
0x5: {  	_ = 	snop  }
0x6: {  	_ = 	snop  }
0x7: {  	_ = 	snop  }
__scs_overlays_trampoline_lowered:
0x8: {  	[smem:$0x3F9B] =	sst s0  }
0x9: {  	[smem:$0x3F9C] =	sst s1  }
0xa: {  	[smem:$0x3F9D] =	sst s2  }
0xb: {  	[smem:$0x3F9E] =	sst s3  }
0xc: {  	[smem:$0x3F9F] =	sst s4  }
0xd: {  	[smem:$0x3FA0] =	sst s5  }
0xe: {  	[smem:$0x3FA1] =	sst s6  }
0xf: {  	[smem:$0x3FA2] =	sst s7  }
0x10: {  	[smem:$0x3FA3] =	sst s8  }
0x11: {  	[smem:$0x3FA4] =	sst s9;
	s0 =	simm.s32 @!p0 $0x0  }
0x12: {  	s1 =	sld [smem:$0x3F8A];
	s0 =	simm.s32 @p0 $0x1  }
0x13: {  	[smem:$0x3FA5] =	sst s0;
	s0 =	simm.s32 @!p1 $0x0  }
0x14: {  	s2 =	sld [smem:$0x3F89];
	s0 =	simm.s32 @p1 $0x1  }
0x15: {  	[smem:$0x3FA6] =	sst s0;
	s0 =	simm.s32 @!p2 $0x0  }
0x16: {  	s3 =	sld [smem:$0x3FDB];
	s0 =	simm.s32 @p2 $0x1  }
0x17: {  	s4 =	simm.s32 $0x1BF5;
	[smem:$0x3FA8] =	sst s0  }
0x18: {  	s0 =	sld [smem:$0x3F8B];
	_ =	swait.ge [sflag:s4], $0x0  }
0x19: {  	s7 =	sld [smem:$0x3F8C]  }
0x1a: {  	s8 =	sadd.s32 $0xFFFFE003, lr  }
0x1b: {  	s9 =	sadd.s32 $0xFFFFFEF7, lr;
	s5 =	simm.s32 $0xFFFFFFFF;
	p2 =	slt.u32 s8, $0xFFFFF086  }
0x1c: {  	p1 =	slt.u32 s9, $0xF7A;
	s5 =	simm.s32 @!p2 $0x0  }
0x1d: {  	s5 =	simm.s32 @p1 $0x1;
	p0 =	seq.s32 s7, s2  }
0x1e: {  	s7 =	smul.u32 @!p0 $0xF7A, s2;
	p2 =	seq.s32 @!p0 s5, $0x0  }
0x1f: {  	s9 =	smul.u32 $0xF7A, s1;
	s8 =	simm.s32 @!p0 $0x1BF5;
	p2 =	por !p2, p0  }
0x20: {  	[sflag:s8] =	ssyncset.s32 @!p0 $0xFFFFF086;
	s6 =	sadd.s32 @!p0 s3, s7;
	s7 =	simm.s32 @!p0 $0x108  }
0x21: {  	s3 =	sadd.s32 s3, s9;
	s6 =	sadd.s32 @!p0 $0x88, s6;
	s7 =	simm.s32 @p2 $0x1082  }
0x22: {  	[simem:s7], [sflag:s8] =	dma.local @!p0 [hbm:s6], $0xF7A  }
0x23: {  	s9 =	sor.u32 $0xD0000000, s2;
	s6 =	simm.s32 $0x108;
	_ =	swait.ge @!p0 [sflag:s8], $0x0  }
0x24: {  	s3 =	sadd.s32 $0x88, s3;
	s6 =	simm.s32 @!p1 $0x1082;
	[sflag:s4] =	ssyncset.s32 $0xFFFFF086  }
0x25: {  	[simem:s6], [sflag:s4] =	dma.local [hbm:s3], $0xF7A  }
0x26: {  	[smem:$0x3F8C] =	sst s1;
	(tag) =	ssettag s2;
	_ =	strace s9  }
0x27: {  	s1 =	sld [smem:$0x3F9C]  }
0x28: {  	s2 =	sld [smem:$0x3F9D]  }
0x29: {  	s4 =	sld [smem:$0x3F9F]  }
0x2a: {  	p0 =	seq.s32 s5, $0x0;
	s5 =	sld [smem:$0x3FA0]  }
0x2b: {  	s6 =	sld [smem:$0x3FA1]  }
0x2c: {  	s7 =	sld [smem:$0x3FA2]  }
0x2d: {  	s3 =	simm.s32 $0x108;
	s8 =	sld [smem:$0x3FA3]  }
0x2e: {  	s3 =	simm.s32 @!p0 $0x1082;
	s9 =	sld [smem:$0x3FA4]  }
0x2f: {  	lr =	sadd.s32 s0, s3;
	s0 =	sld [smem:$0x3F9B]  }
0x30: {  	s3 =	sld [smem:$0x3F9E]  }
0x31: {  	[smem:$0x3FA7] =	sst s10  }
0x32: {  	s10 =	sld [smem:$0x3FA5];
	_ =	sdelay $0x3  }
0x33: {  	p0 =	seq.s32 s10, $0x1;
	s10 =	sld [smem:$0x3FA7];
	_ =	sdelay $0x3  }
0x34: {  	[smem:$0x3FA7] =	sst s10  }
0x35: {  	s10 =	sld [smem:$0x3FA6];
	_ =	sdelay $0x3  }
0x36: {  	p1 =	seq.s32 s10, $0x1;
	s10 =	sld [smem:$0x3FA7];
	_ =	sdelay $0x3  }
0x37: {  	[smem:$0x3FA7] =	sst s10  }
0x38: {  	s10 =	sld [smem:$0x3FA8]  }
0x39: {  	_ = 	snop;
	(pc) =	sbr.ind lr, $3  }
0x3a: {  	_ = 	snop  }
0x3b: {  	_ = 	snop  }
0x3c: {  	p2 =	seq.s32 s10, $0x1;
	s10 =	sld [smem:$0x3FA7]  }
0x3d: {  	_ =	shalt  }
0x3e: {  	_ =	shalt  }
0x3f: {  	_ =	shalt  }
0x40: {  	_ =	shalt  }
0x41: {  	_ =	shalt  }
0x42: {  	_ =	shalt  }
0x43: {  	_ =	shalt  }
0x44: {  	_ =	shalt  }
0x45: {  	_ =	shalt  }
0x46: {  	_ =	shalt  }
0x47: {  	_ =	shalt  }
0x48: {  	_ =	shalt  }
0x49: {  	_ =	shalt  }
0x4a: {  	_ =	shalt  }
0x4b: {  	_ =	shalt  }
0x4c: {  	_ =	shalt  }
0x4d: {  	_ =	shalt  }
0x4e: {  	_ =	shalt  }
0x4f: {  	_ =	shalt  }
0x50: {  	_ =	shalt  }
0x51: {  	_ =	shalt  }
0x52: {  	_ =	shalt  }
0x53: {  	_ =	shalt  }
0x54: {  	_ =	shalt  }
0x55: {  	_ =	shalt  }
0x56: {  	_ =	shalt  }
0x57: {  	_ =	shalt  }
0x58: {  	_ =	shalt  }
0x59: {  	_ =	shalt  }
0x5a: {  	_ =	shalt  }
0x5b: {  	_ =	shalt  }
0x5c: {  	_ =	shalt  }
0x5d: {  	_ =	shalt  }
0x5e: {  	_ =	shalt  }
0x5f: {  	_ =	shalt  }
0x60: {  	_ =	shalt  }
0x61: {  	_ =	shalt  }
0x62: {  	_ =	shalt  }
0x63: {  	_ =	shalt  }
0x64: {  	_ =	shalt  }
0x65: {  	_ =	shalt  }
0x66: {  	_ =	shalt  }
0x67: {  	_ =	shalt  }
0x68: {  	_ =	shalt  }
0x69: {  	_ =	shalt  }
0x6a: {  	_ =	shalt  }
0x6b: {  	_ =	shalt  }
0x6c: {  	_ =	shalt  }
0x6d: {  	_ =	shalt  }
0x6e: {  	_ =	shalt  }
0x6f: {  	_ =	shalt  }
0x70: {  	_ =	shalt  }
0x71: {  	_ =	shalt  }
0x72: {  	_ =	shalt  }
0x73: {  	_ =	shalt  }
0x74: {  	_ =	shalt  }
0x75: {  	_ =	shalt  }
0x76: {  	_ =	shalt  }
0x77: {  	_ =	shalt  }
0x78: {  	_ =	shalt  }
0x79: {  	_ =	shalt  }
0x7a: {  	_ =	shalt  }
0x7b: {  	_ =	shalt  }
0x7c: {  	_ =	shalt  }
0x7d: {  	_ =	shalt  }
0x7e: {  	_ =	shalt  }
0x7f: {  	_ =	shalt  }
0x80: {  	_ =	shalt  }
0x81: {  	_ =	shalt  }
0x82: {  	_ =	shalt  }
0x83: {  	_ =	shalt  }
0x84: {  	_ =	shalt  }
0x85: {  	_ =	shalt  }
0x86: {  	_ =	shalt  }
0x87: {  	_ =	shalt  }
.Lfunc_end0:
.L_simem_size_0:
called_computation.5_lowered:
.L_overlay_start_0:
0x88: {  	s2 =	sld [smem:$0x3FD9]  }
0x89: {  	s3 =	sld [smem:$0x3FFE];
	_ =	sdelay $0x1  }
0x8a: {  	s1 =	srdreg.scid  }
0x8b: {  	s0 =	sand.u32 $0x1, s1  }
0x8c: {  	s17 =	sshll.u32 s0, $0xA;
	s2 =	sadd.s32 s3, s2  }
0x8d: {  	s2 =	sadd.s32 s2, s17  }
0x8e: {  	[smem:$0x3FB3] =	sst s2  }
0x8f: {  	_ = 	snop  }
0x90: {  	s2 =	sld [smem:$0x3FD0];
	(tm) =	ssettm $0x1  }
0x91: {  	s18 =	sld [smem:$0x3FFB];
	_ =	sdelay $0x3  }
0x92: {  	_ =	strace s18  }
0x93: {  	s3 =	sld [smem:$0x3FFC];
	_ =	sdelay $0x3  }
0x94: {  	_ =	strace s3  }
0x95: {  	s3 =	sld [smem:$0x3FFD];
	_ =	sdelay $0x3  }
0x96: {  	_ =	strace s3  }
0x97: {  	_ =	strace $0x8FFFFFFF  }
0x98: {  	s19 =	sld [smem:$0x3FDB];
	_ =	sdelay $0x1  }
0x99: {  	s4 =	simm.s32 $_scs_section_size  }
0x9a: {  	s5 =	simm.s32 $_size__tile_overlayer_lowered;
	s6 =	simm.s32 $_tile_overlayer_lowered  }
0x9b: {  	s22 =	simm.s32 $0x1BFF;
	s21 =	sshll.u32 s6, $0x1;
	s3 =	sadd.s32 s4, s19  }
0x9c: {  	s7 =	simm.s32 $0x0;
	s20 =	sshll.u32 s5, $0x1;
	s5 =	sadd.s32 s21, s3  }
0x9d: {  	[timem:s7], [sflag:s22] =	dma.local [hbm:s5], s20  }
0x9e: {  	_ =	swait.ge [sflag:s22], s20  }
0x9f: {  	s4 =	ssub.s32 $0x0, s20;
	[sflag:s22] =	ssyncset.done $0x0  }
0xa0: {  	[sflag:s22] =	ssyncadd.s32 s4;
	_ =	sdelay $0x1  }
0xa1: {  	s23 =	simm.s32 $0x1B8B  }
0xa2: {  	_ =	swait.ge [sflag:s23], $0x1  }
0xa3: {  	[sflag:s23] =	ssyncset.done $0x0  }
0xa4: {  	s25 =	simm.s32 $0x1B8E;
	s24 =	sld [smem:$0x3FFE];
	[sflag:s23] =	ssyncadd.s32 $0xFFFFFFFF  }
0xa5: {  	s26 =	simm.s32 $execute0_lowered;
	[smem:$0x3FD2] =	sst s25  }
0xa6: {  	s5 =	sshll.u32 s26, $0x1;
	_ =	strace $0x80000055;
	[dreg:$0x1] =	wrdreg $0xFFFFFFFF  }
0xa7: {  	s28 =	simm.s32 $_size_execute0_lowered;
	s3 =	sadd.s32 s3, s5;
	[dreg:$0x0] =	wrdreg $0x0  }
0xa8: {  	s5 =	sshll.u32 s28, $0x1;
	[dreg:$0x2] =	wrdreg s3  }
0xa9: {  	[dreg:$0x3] =	wrdreg s5  }
0xaa: {  	[dreg:$0x4] =	wrdreg $0xC0  }
0xab: {  	_ =	task [dreg:s7], $0x5FFFF  }
0xac: {  	[dreg:$0x1] =	wrdreg $0xFFFFFFFF  }
0xad: {  	[dreg:$0x0] =	wrdreg $0x60  }
0xae: {  	[dreg:$0x2] =	wrdreg s2  }
0xaf: {  	[dreg:$0x3] =	wrdreg s24  }
0xb0: {  	[dreg:$0x4] =	wrdreg $0x9  }
0xb1: {  	_ =	task.clear_ibuf [dreg:s7], $0x5FFFF;
	_ =	strace $0x90000055  }
0xb2: {  	s29 =	simm.s32 $0x9;
	_ =	strace $0x80000057  }
0xb3: {  	_ =	swait.ge [sflag:s29], $0x1  }
0xb4: {  	[sflag:s29] =	ssyncadd.s32 $0xFFFFFFFF  }
0xb5: {  	_ =	strace $0x90000057  }
0xb6: {  	_ =	sfence  }
0xb7: {  	s30 =	sld [smem:$0x0];
	_ =	sdelay $0x2  }
0xb8: {  	s31 =	sshll.u32 s1, $0xD;
	s1 =	sshrl.u32 s1, $0x2  }
0xb9: {  	s3 =	sand.u32 $0x4000, s31;
	s1 =	sadd.s32 s1, s30  }
0xba: {  	s0 =	sor.u32 s3, s0;
	s1 =	sshll.u32 s1, $0x11  }
0xbb: {  	s0 =	sor.u32 s1, s0  }
0xbc: {  	s0 =	sadd.s32 $0x8F2B, s0  }
0xbd: {  	[sflag:s0] =	ssyncadd.remote.s32 $0x1  }
0xbe: {  	_ =	sfence.sel $0xFFFF  }
0xbf: {  	[dreg:$0x0] =	wrdreg $0xFFFFFFFF;
	(pc) =	sbr.abs _section_cstart, $3  }
0xc0: {  	[dreg:$0x1] =	wrdreg $0xFFFFFFFF  }
0xc1: {  	_ =	task.clear_ibuf [dreg:s7], $0x2FFFF;
	_ =	strace $0x9FFFFFFF  }
0xc2: {  	(tm) =	ssettm $0x7FFFFFFF  }
0xc3: {  	_ =	shalt  }
tec
execute0_lowered:
.L_overlay_start_1:
0x0: {  	(tag) =	ssettag $0x1  }
0x1: {  	s1 =	srdreg.scid;
	s0 =	stileid.u32  }
0x2: {  	s11 =	rddreg [dreg:$0x0];
	s12 =	sand.u32 $0x1, s1;
	s25 =	sshll.u32 s0, $0x1  }
0x3: {  	s8 =	rddreg [dreg:$0x1];
	s9 =	sor.u32 s12, s25  }
0x4: {  	s2 =	simm.s32 $0x0;
	s1 =	rddreg [dreg:$0x2];
	s3 =	smul.u32 $0x30, s9  }
0x5: {  	[smem:$0x7FF] =	sst s2  }
0x6: {  	_ =	strace $0x80000056;
	s4 =	sadd.s32 s11, s3;
	s3 =	simm.s32 $0x2  }
0x7: {  	[tilespmem:s2], [sflag:$0x2] =	stream.linear.gather [hbm4b:s4+s2], $0x80, $0x38;
	[tilespmem:$0x4080] =	vst v63  }
0x8: {  	_ =	swait.ge [sflag:s3], $0x80  }
0x9: {  	s6 =	simm.s32 $0x80;
	[sflag:s3] =	ssyncset.done $0x0  }
0xa: {  	s7 =	simm.s32 $0x1;
	s5 =	sadd.s32 $0xA78800, s8;
	[sflag:s3] =	ssyncadd.s32 $0xFFFFFF80  }
0xb: {  	[tilespmem:s6], [sflag:$0x1] =	stream.indirect.gather [hbm4b:s5+s6], $0x80, s2, s6, $0xb8;
	[tilespmem:$0x4080] =	vst v63  }
0xc: {  	s10 =	smul.u32 $0x1800, s9;
	_ =	swait.ge [sflag:s7], $0x4000  }
0xd: {  	s13 =	sadd.s32 $0xC400, s8;
	[sflag:s7] =	ssyncset.done $0x0  }
0xe: {  	s14 =	smul.u32 $0x3, s9;
	s8 =	sadd.s32 s13, s10;
	[sflag:s7] =	ssyncadd.s32 $0xFFFFC000  }
0xf: {  	[hbm4b:s8+s2] =	stream.linear.scatter [tilespmem:s6], [sflag:$0x2], $0x4000, $0x38;
	[tilespmem:$0x4080] =	vst v63  }
0x10: {  	s26 =	sadd.s32 $0x1, s14;
	_ =	swait.ge [sflag:s3], $0x4000  }
0x11: {  	s28 =	sshll.u32 s26, $0x4;
	[sflag:s3] =	ssyncset.done $0x0  }
0x12: {  	s9 =	sadd.s32 s11, s28;
	[sflag:s3] =	ssyncadd.s32 $0xFFFFC000  }
0x13: {  	[tilespmem:s2], [sflag:$0x2] =	stream.linear.gather [hbm4b:s9+s2], $0x80, $0x38;
	[tilespmem:$0x4080] =	vst v63  }
0x14: {  	_ =	swait.ge [sflag:s3], $0x80  }
0x15: {  	[sflag:s3] =	ssyncset.done $0x0  }
0x16: {  	[sflag:s3] =	ssyncadd.s32 $0xFFFFFF80  }
0x17: {  	[tilespmem:s6], [sflag:$0x1] =	stream.indirect.gather [hbm4b:s5+s6], $0x80, s2, s6, $0xb8;
	[tilespmem:$0x4080] =	vst v63  }
0x18: {  	_ =	swait.ge [sflag:s7], $0x4000  }
0x19: {  	s10 =	sshll.u32 s26, $0xB;
	[sflag:s7] =	ssyncset.done $0x0  }
0x1a: {  	s10 =	sadd.s32 s13, s10;
	[sflag:s7] =	ssyncadd.s32 $0xFFFFC000  }
0x1b: {  	[hbm4b:s10+s2] =	stream.linear.scatter [tilespmem:s6], [sflag:$0x2], $0x4000, $0x38;
	[tilespmem:$0x4080] =	vst v63  }
0x1c: {  	s14 =	sadd.s32 $0x2, s14;
	_ =	swait.ge [sflag:s3], $0x4000  }
0x1d: {  	s15 =	sshll.u32 s14, $0x4;
	[sflag:s3] =	ssyncset.done $0x0  }
0x1e: {  	s12 =	ssub.s32 $0x2, s12;
	s11 =	sadd.s32 s11, s15;
	[sflag:s3] =	ssyncadd.s32 $0xFFFFC000  }
0x1f: {  	[tilespmem:s2], [sflag:$0x2] =	stream.linear.gather [hbm4b:s11+s2], $0x80, $0x38;
	[tilespmem:$0x4080] =	vst v63  }
0x20: {  	s29 =	sshrl.u32 s12, $0x1;
	_ =	swait.ge [sflag:s3], $0x80  }
0x21: {  	s15 =	ssub.s32 s12, s29;
	[sflag:s3] =	ssyncset.done $0x0  }
0x22: {  	s31 =	smax.u32 s15, $0x1;
	[sflag:s3] =	ssyncadd.s32 $0xFFFFFF80  }
0x23: {  	[tilespmem:s6], [sflag:$0x1] =	stream.indirect.gather [hbm4b:s5+s6], $0x80, s2, s6, $0xb8;
	[tilespmem:$0x4080] =	vst v63  }
0x24: {  	p0 =	sne.s32 s31, $0x1;
	_ =	swait.ge [sflag:s7], $0x4000  }
.Ltmp0:
0x25: {  	s30 =	sshll.u32 s14, $0xB;
	[sflag:s7] =	ssyncset.done $0x0;
	(pc) =	sbr.rel @!p0 .LBB2_2-.Ltmp0, $4  }
0x26: {  	s12 =	sadd.s32 s13, s30;
	[sflag:s7] =	ssyncadd.s32 $0xFFFFC000  }
0x27: {  	[hbm4b:s12+s2] =	stream.linear.scatter [tilespmem:s6], [sflag:$0x2], $0x4000, $0x38;
	[tilespmem:$0x4080] =	vst v63  }
0x28: {  	_ =	swait.ge [sflag:s3], $0x4000  }
0x29: {  	s13 =	sadd.s32 $0xFFFFFFFF, s31;
	[sflag:s3] =	ssyncset.done $0x0  }
.LBB2_1:
0x2a: {  	p0 =	sne.s32 s13, $0x1;
	s13 =	sadd.s32 $0xFFFFFFFF, s13;
	[sflag:s3] =	ssyncadd.s32 $0xFFFFC000  }
0x2b: {  	[tilespmem:s2], [sflag:$0x2] =	stream.linear.gather [hbm4b:s4+s2], $0x80, $0x38;
	[tilespmem:$0x4080] =	vst v63  }
0x2c: {  	_ =	swait.ge [sflag:s3], $0x80  }
0x2d: {  	[sflag:s3] =	ssyncset.done $0x0  }
0x2e: {  	[sflag:s3] =	ssyncadd.s32 $0xFFFFFF80  }
0x2f: {  	[tilespmem:s6], [sflag:$0x1] =	stream.indirect.gather [hbm4b:s5+s6], $0x80, s2, s6, $0xb8;
	[tilespmem:$0x4080] =	vst v63  }
0x30: {  	_ =	swait.ge [sflag:s7], $0x4000  }
0x31: {  	[sflag:s7] =	ssyncset.done $0x0  }
0x32: {  	[sflag:s7] =	ssyncadd.s32 $0xFFFFC000  }
0x33: {  	[hbm4b:s8+s2] =	stream.linear.scatter [tilespmem:s6], [sflag:$0x2], $0x4000, $0x38;
	[tilespmem:$0x4080] =	vst v63  }
0x34: {  	_ =	swait.ge [sflag:s3], $0x4000  }
0x35: {  	[sflag:s3] =	ssyncset.done $0x0  }
0x36: {  	[sflag:s3] =	ssyncadd.s32 $0xFFFFC000  }
0x37: {  	[tilespmem:s2], [sflag:$0x2] =	stream.linear.gather [hbm4b:s9+s2], $0x80, $0x38;
	[tilespmem:$0x4080] =	vst v63  }
0x38: {  	_ =	swait.ge [sflag:s3], $0x80  }
0x39: {  	[sflag:s3] =	ssyncset.done $0x0  }
0x3a: {  	[sflag:s3] =	ssyncadd.s32 $0xFFFFFF80  }
0x3b: {  	[tilespmem:s6], [sflag:$0x1] =	stream.indirect.gather [hbm4b:s5+s6], $0x80, s2, s6, $0xb8;
	[tilespmem:$0x4080] =	vst v63  }
0x3c: {  	_ =	swait.ge [sflag:s7], $0x4000  }
0x3d: {  	[sflag:s7] =	ssyncset.done $0x0  }
0x3e: {  	[sflag:s7] =	ssyncadd.s32 $0xFFFFC000  }
0x3f: {  	[hbm4b:s10+s2] =	stream.linear.scatter [tilespmem:s6], [sflag:$0x2], $0x4000, $0x38;
	[tilespmem:$0x4080] =	vst v63  }
0x40: {  	_ =	swait.ge [sflag:s3], $0x4000  }
0x41: {  	[sflag:s3] =	ssyncset.done $0x0  }
0x42: {  	[sflag:s3] =	ssyncadd.s32 $0xFFFFC000  }
0x43: {  	[tilespmem:s2], [sflag:$0x2] =	stream.linear.gather [hbm4b:s11+s2], $0x80, $0x38;
	[tilespmem:$0x4080] =	vst v63  }
0x44: {  	_ =	swait.ge [sflag:s3], $0x80  }
0x45: {  	[sflag:s3] =	ssyncset.done $0x0  }
0x46: {  	[sflag:s3] =	ssyncadd.s32 $0xFFFFFF80  }
0x47: {  	[tilespmem:s6], [sflag:$0x1] =	stream.indirect.gather [hbm4b:s5+s6], $0x80, s2, s6, $0xb8;
	[tilespmem:$0x4080] =	vst v63  }
0x48: {  	_ =	swait.ge [sflag:s7], $0x4000  }
.Ltmp1:
0x49: {  	[sflag:s7] =	ssyncset.done $0x0;
	(pc) =	sbr.rel @p0 .LBB2_1-.Ltmp1, $4  }
0x4a: {  	[sflag:s7] =	ssyncadd.s32 $0xFFFFC000  }
0x4b: {  	[hbm4b:s12+s2] =	stream.linear.scatter [tilespmem:s6], [sflag:$0x2], $0x4000, $0x38;
	[tilespmem:$0x4080] =	vst v63  }
0x4c: {  	_ =	swait.ge [sflag:s3], $0x4000  }
0x4d: {  	[sflag:s3] =	ssyncset.done $0x0  }
.LBB2_2:
0x4e: {  	[sflag:s3] =	ssyncadd.s32 $0xFFFFC000  }
0x4f: {  	_ =	sfence.sel $0x180000  }
0x50: {  	[bflag:$0x0] =	sbarrier.arrive $0xFFFF  }
0x51: {  	p0 =	sne.s32 s0, $0x0;
	_ =	strace $0x90000056  }
0x52: {  	s0 =	sadd.s32 @!p0 $0x100000, s1;
	[bflag:$0x2] =	sbarrier.arrive $0xFFFF  }
0x53: {  	[sflag:s0] =	ssyncadd.tile.s32 @!p0 $0x1;
	_ =	shalt  }
.Lfunc_end2:
_tile_overlayer_lowered:
.L_overlay_start_2:
0x54: {  	(tag) =	ssettag $0x2  }
0x55: {  	s0 =	rddreg [dreg:$0x0];
	s2 =	stileid.u32  }
0x56: {  	s1 =	rddreg [dreg:$0x1];
	p0 =	sne.s32 s2, $0x0  }
0x57: {  	s3 =	rddreg [dreg:$0x2];
	[bflag:$0x3] =	sbarrier.arrive $0xFFFF;
	s2 =	simm.s32 @!p0 $0x1C02  }
0x58: {  	[timem:s3], [sflag:s2] =	dma.local @!p0 [hbm:s0], s1  }
0x59: {  	s0 =	simm.s32 @!p0 $0x2  }
0x5a: {  	_ =	swait.ge @!p0 [sflag:s0], s1  }
0x5b: {  	s1 =	ssub.s32 @!p0 $0x0, s1;
	[sflag:s0] =	ssyncset.done @!p0 $0x0  }
0x5c: {  	[sflag:s0] =	ssyncadd.s32 @!p0 s1  }
0x5d: {  	[bflag:$0x3] =	sbarrier.arrive $0xFFFF  }
0x5e: {  	_ =	shalt  }

// kernel: kernel.30.cloned.1.call-start
scs
__scs_entry_jumppad:
0x0: {  	(pc) =	sbr.rel $0x88, $3  }
0x1: {  	(tag) =	ssettag $0x0;
	lr =	simm.s32 $0x1  }
0x2: {  	[smem:$0x3F8C] =	sst lr;
	_ =	strace $0xD0000000  }
0x3: {  	_ = 	snop  }
0x4: {  	_ = 	snop  }
0x5: {  	_ = 	snop  }
0x6: {  	_ = 	snop  }
0x7: {  	_ = 	snop  }
__scs_overlays_trampoline_lowered:
0x8: {  	[smem:$0x3F9B] =	sst s0  }
0x9: {  	[smem:$0x3F9C] =	sst s1  }
0xa: {  	[smem:$0x3F9D] =	sst s2  }
0xb: {  	[smem:$0x3F9E] =	sst s3  }
0xc: {  	[smem:$0x3F9F] =	sst s4  }
0xd: {  	[smem:$0x3FA0] =	sst s5  }
0xe: {  	[smem:$0x3FA1] =	sst s6  }
0xf: {  	[smem:$0x3FA2] =	sst s7  }
0x10: {  	[smem:$0x3FA3] =	sst s8  }
0x11: {  	[smem:$0x3FA4] =	sst s9;
	s0 =	simm.s32 @!p0 $0x0  }
0x12: {  	s1 =	sld [smem:$0x3F8A];
	s0 =	simm.s32 @p0 $0x1  }
0x13: {  	[smem:$0x3FA5] =	sst s0;
	s0 =	simm.s32 @!p1 $0x0  }
0x14: {  	s2 =	sld [smem:$0x3F89];
	s0 =	simm.s32 @p1 $0x1  }
0x15: {  	[smem:$0x3FA6] =	sst s0;
	s0 =	simm.s32 @!p2 $0x0  }
0x16: {  	s3 =	sld [smem:$0x3FDB];
	s0 =	simm.s32 @p2 $0x1  }
0x17: {  	s4 =	simm.s32 $0x1BF5;
	[smem:$0x3FA8] =	sst s0  }
0x18: {  	s0 =	sld [smem:$0x3F8B];
	_ =	swait.ge [sflag:s4], $0x0  }
0x19: {  	s7 =	sld [smem:$0x3F8C]  }
0x1a: {  	s8 =	sadd.s32 $0xFFFFE003, lr  }
0x1b: {  	s9 =	sadd.s32 $0xFFFFFEF7, lr;
	s5 =	simm.s32 $0xFFFFFFFF;
	p2 =	slt.u32 s8, $0xFFFFF086  }
0x1c: {  	p1 =	slt.u32 s9, $0xF7A;
	s5 =	simm.s32 @!p2 $0x0  }
0x1d: {  	s5 =	simm.s32 @p1 $0x1;
	p0 =	seq.s32 s7, s2  }
0x1e: {  	s7 =	smul.u32 @!p0 $0xF7A, s2;
	p2 =	seq.s32 @!p0 s5, $0x0  }
0x1f: {  	s9 =	smul.u32 $0xF7A, s1;
	s8 =	simm.s32 @!p0 $0x1BF5;
	p2 =	por !p2, p0  }
0x20: {  	[sflag:s8] =	ssyncset.s32 @!p0 $0xFFFFF086;
	s6 =	sadd.s32 @!p0 s3, s7;
	s7 =	simm.s32 @!p0 $0x108  }
0x21: {  	s3 =	sadd.s32 s3, s9;
	s6 =	sadd.s32 @!p0 $0x88, s6;
	s7 =	simm.s32 @p2 $0x1082  }
0x22: {  	[simem:s7], [sflag:s8] =	dma.local @!p0 [hbm:s6], $0xF7A  }
0x23: {  	s9 =	sor.u32 $0xD0000000, s2;
	s6 =	simm.s32 $0x108;
	_ =	swait.ge @!p0 [sflag:s8], $0x0  }
0x24: {  	s3 =	sadd.s32 $0x88, s3;
	s6 =	simm.s32 @!p1 $0x1082;
	[sflag:s4] =	ssyncset.s32 $0xFFFFF086  }
0x25: {  	[simem:s6], [sflag:s4] =	dma.local [hbm:s3], $0xF7A  }
0x26: {  	[smem:$0x3F8C] =	sst s1;
	(tag) =	ssettag s2;
	_ =	strace s9  }
0x27: {  	s1 =	sld [smem:$0x3F9C]  }
0x28: {  	s2 =	sld [smem:$0x3F9D]  }
0x29: {  	s4 =	sld [smem:$0x3F9F]  }
0x2a: {  	p0 =	seq.s32 s5, $0x0;
	s5 =	sld [smem:$0x3FA0]  }
0x2b: {  	s6 =	sld [smem:$0x3FA1]  }
0x2c: {  	s7 =	sld [smem:$0x3FA2]  }
0x2d: {  	s3 =	simm.s32 $0x108;
	s8 =	sld [smem:$0x3FA3]  }
0x2e: {  	s3 =	simm.s32 @!p0 $0x1082;
	s9 =	sld [smem:$0x3FA4]  }
0x2f: {  	lr =	sadd.s32 s0, s3;
	s0 =	sld [smem:$0x3F9B]  }
0x30: {  	s3 =	sld [smem:$0x3F9E]  }
0x31: {  	[smem:$0x3FA7] =	sst s10  }
0x32: {  	s10 =	sld [smem:$0x3FA5];
	_ =	sdelay $0x3  }
0x33: {  	p0 =	seq.s32 s10, $0x1;
	s10 =	sld [smem:$0x3FA7];
	_ =	sdelay $0x3  }
0x34: {  	[smem:$0x3FA7] =	sst s10  }
0x35: {  	s10 =	sld [smem:$0x3FA6];
	_ =	sdelay $0x3  }
0x36: {  	p1 =	seq.s32 s10, $0x1;
	s10 =	sld [smem:$0x3FA7];
	_ =	sdelay $0x3  }
0x37: {  	[smem:$0x3FA7] =	sst s10  }
0x38: {  	s10 =	sld [smem:$0x3FA8]  }
0x39: {  	_ = 	snop;
	(pc) =	sbr.ind lr, $3  }
0x3a: {  	_ = 	snop  }
0x3b: {  	_ = 	snop  }
0x3c: {  	p2 =	seq.s32 s10, $0x1;
	s10 =	sld [smem:$0x3FA7]  }
0x3d: {  	_ =	shalt  }
0x3e: {  	_ =	shalt  }
0x3f: {  	_ =	shalt  }
0x40: {  	_ =	shalt  }
0x41: {  	_ =	shalt  }
0x42: {  	_ =	shalt  }
0x43: {  	_ =	shalt  }
0x44: {  	_ =	shalt  }
0x45: {  	_ =	shalt  }
0x46: {  	_ =	shalt  }
0x47: {  	_ =	shalt  }
0x48: {  	_ =	shalt  }
0x49: {  	_ =	shalt  }
0x4a: {  	_ =	shalt  }
0x4b: {  	_ =	shalt  }
0x4c: {  	_ =	shalt  }
0x4d: {  	_ =	shalt  }
0x4e: {  	_ =	shalt  }
0x4f: {  	_ =	shalt  }
0x50: {  	_ =	shalt  }
0x51: {  	_ =	shalt  }
0x52: {  	_ =	shalt  }
0x53: {  	_ =	shalt  }
0x54: {  	_ =	shalt  }
0x55: {  	_ =	shalt  }
0x56: {  	_ =	shalt  }
0x57: {  	_ =	shalt  }
0x58: {  	_ =	shalt  }
0x59: {  	_ =	shalt  }
0x5a: {  	_ =	shalt  }
0x5b: {  	_ =	shalt  }
0x5c: {  	_ =	shalt  }
0x5d: {  	_ =	shalt  }
0x5e: {  	_ =	shalt  }
0x5f: {  	_ =	shalt  }
0x60: {  	_ =	shalt  }
0x61: {  	_ =	shalt  }
0x62: {  	_ =	shalt  }
0x63: {  	_ =	shalt  }
0x64: {  	_ =	shalt  }
0x65: {  	_ =	shalt  }
0x66: {  	_ =	shalt  }
0x67: {  	_ =	shalt  }
0x68: {  	_ =	shalt  }
0x69: {  	_ =	shalt  }
0x6a: {  	_ =	shalt  }
0x6b: {  	_ =	shalt  }
0x6c: {  	_ =	shalt  }
0x6d: {  	_ =	shalt  }
0x6e: {  	_ =	shalt  }
0x6f: {  	_ =	shalt  }
0x70: {  	_ =	shalt  }
0x71: {  	_ =	shalt  }
0x72: {  	_ =	shalt  }
0x73: {  	_ =	shalt  }
0x74: {  	_ =	shalt  }
0x75: {  	_ =	shalt  }
0x76: {  	_ =	shalt  }
0x77: {  	_ =	shalt  }
0x78: {  	_ =	shalt  }
0x79: {  	_ =	shalt  }
0x7a: {  	_ =	shalt  }
0x7b: {  	_ =	shalt  }
0x7c: {  	_ =	shalt  }
0x7d: {  	_ =	shalt  }
0x7e: {  	_ =	shalt  }
0x7f: {  	_ =	shalt  }
0x80: {  	_ =	shalt  }
0x81: {  	_ =	shalt  }
0x82: {  	_ =	shalt  }
0x83: {  	_ =	shalt  }
0x84: {  	_ =	shalt  }
0x85: {  	_ =	shalt  }
0x86: {  	_ =	shalt  }
0x87: {  	_ =	shalt  }
.Lfunc_end0:
.L_simem_size_0:
called_computation.6_lowered:
.L_overlay_start_0:
0x88: {  	s2 =	sld [smem:$0x3FD9]  }
0x89: {  	s3 =	sld [smem:$0x3FFE];
	_ =	sdelay $0x1  }
0x8a: {  	s1 =	srdreg.scid  }
0x8b: {  	s0 =	sand.u32 $0x1, s1  }
0x8c: {  	s16 =	sshll.u32 s0, $0xA;
	s2 =	sadd.s32 s3, s2  }
0x8d: {  	s2 =	sadd.s32 s2, s16  }
0x8e: {  	[smem:$0x3FB3] =	sst s2  }
0x8f: {  	_ = 	snop  }
0x90: {  	(tm) =	ssettm $0x1  }
0x91: {  	s17 =	sld [smem:$0x3FFB];
	_ =	sdelay $0x3  }
0x92: {  	_ =	strace s17  }
0x93: {  	s2 =	sld [smem:$0x3FFC];
	_ =	sdelay $0x3  }
0x94: {  	_ =	strace s2  }
0x95: {  	s2 =	sld [smem:$0x3FFD];
	_ =	sdelay $0x3  }
0x96: {  	_ =	strace s2  }
0x97: {  	_ =	strace $0x8FFFFFFF  }
0x98: {  	s18 =	sld [smem:$0x3FDB];
	_ =	sdelay $0x1  }
0x99: {  	s19 =	simm.s32 $_scs_section_size  }
0x9a: {  	s4 =	simm.s32 $_size__tile_overlayer_lowered;
	s5 =	simm.s32 $_tile_overlayer_lowered  }
0x9b: {  	s22 =	simm.s32 $0x1BFF;
	s21 =	sshll.u32 s5, $0x1;
	s2 =	sadd.s32 s19, s18  }
0x9c: {  	s6 =	simm.s32 $0x0;
	s20 =	sshll.u32 s4, $0x1;
	s4 =	sadd.s32 s21, s2  }
0x9d: {  	[timem:s6], [sflag:s22] =	dma.local [hbm:s4], s20  }
0x9e: {  	_ =	swait.ge [sflag:s22], s20  }
0x9f: {  	s3 =	ssub.s32 $0x0, s20;
	[sflag:s22] =	ssyncset.done $0x0  }
0xa0: {  	[sflag:s22] =	ssyncadd.s32 s3;
	_ =	sdelay $0x1  }
0xa1: {  	s23 =	simm.s32 $0x1B8B  }
0xa2: {  	_ =	swait.ge [sflag:s23], $0x1  }
0xa3: {  	[sflag:s23] =	ssyncset.done $0x0  }
0xa4: {  	s25 =	simm.s32 $0x1B8E;
	s24 =	sld [smem:$0x3FFE];
	[sflag:s23] =	ssyncadd.s32 $0xFFFFFFFF  }
0xa5: {  	s26 =	simm.s32 $execute0_lowered;
	[smem:$0x3FD2] =	sst s25  }
0xa6: {  	s4 =	sshll.u32 s26, $0x1;
	_ =	strace $0x80000058;
	[dreg:$0x1] =	wrdreg $0xFFFFFFFF  }
0xa7: {  	s28 =	simm.s32 $_size_execute0_lowered;
	s2 =	sadd.s32 s2, s4;
	[dreg:$0x0] =	wrdreg $0x0  }
0xa8: {  	s4 =	sshll.u32 s28, $0x1;
	[dreg:$0x2] =	wrdreg s2  }
0xa9: {  	[dreg:$0x3] =	wrdreg s4  }
0xaa: {  	[dreg:$0x4] =	wrdreg $0xC0  }
0xab: {  	_ =	task [dreg:s6], $0x5FFFF  }
0xac: {  	[dreg:$0x1] =	wrdreg $0xFFFFFFFF  }
0xad: {  	[dreg:$0x0] =	wrdreg $0x60  }
0xae: {  	[dreg:$0x2] =	wrdreg s24  }
0xaf: {  	[dreg:$0x3] =	wrdreg $0x9  }
0xb0: {  	_ =	task.clear_ibuf [dreg:s6], $0x4FFFF;
	_ =	strace $0x90000058  }
0xb1: {  	s29 =	simm.s32 $0x9;
	_ =	strace $0x8000005A  }
0xb2: {  	_ =	swait.ge [sflag:s29], $0x1  }
0xb3: {  	[sflag:s29] =	ssyncadd.s32 $0xFFFFFFFF  }
0xb4: {  	_ =	strace $0x9000005A  }
0xb5: {  	_ =	sfence  }
0xb6: {  	s30 =	sld [smem:$0x0];
	_ =	sdelay $0x2  }
0xb7: {  	s31 =	sshll.u32 s1, $0xD;
	s1 =	sshrl.u32 s1, $0x2  }
0xb8: {  	s3 =	sand.u32 $0x4000, s31;
	s1 =	sadd.s32 s1, s30  }
0xb9: {  	s0 =	sor.u32 s3, s0;
	s1 =	sshll.u32 s1, $0x11  }
0xba: {  	s0 =	sor.u32 s1, s0  }
0xbb: {  	s0 =	sadd.s32 $0x8F2B, s0  }
0xbc: {  	[sflag:s0] =	ssyncadd.remote.s32 $0x1  }
0xbd: {  	_ =	sfence.sel $0xFFFF  }
0xbe: {  	[dreg:$0x0] =	wrdreg $0xFFFFFFFF;
	(pc) =	sbr.abs _section_cstart, $3  }
0xbf: {  	[dreg:$0x1] =	wrdreg $0xFFFFFFFF  }
0xc0: {  	_ =	task.clear_ibuf [dreg:s6], $0x2FFFF;
	_ =	strace $0x9FFFFFFF  }
0xc1: {  	(tm) =	ssettm $0x7FFFFFFF  }
tec
execute0_lowered:
.L_overlay_start_1:
0x0: {  	(tag) =	ssettag $0x1  }
0x1: {  	s5 =	rddreg [dreg:$0x0];
	s2 =	simm.s32 $0x0  }
0x2: {  	s13 =	simm.s32 $0x80;
	[smem:$0x7FF] =	sst s2  }
0x3: {  	s14 =	simm.s32 $0x900;
	_ =	strace $0x80000059;
	[dreg:$0x4] =	wrdreg s13  }
0x4: {  	s0 =	stileid.u32;
	s15 =	simm.s32 $0x1100;
	[dreg:$0x5] =	wrdreg s14  }
0x5: {  	s1 =	srdreg.scid;
	s7 =	simm.s32 $0x1900;
	[dreg:$0x6] =	wrdreg s15  }
0x6: {  	s16 =	simm.s32 $0x2100;
	s17 =	simm.s32 $0x2900;
	[dreg:$0x7] =	wrdreg s7  }
0x7: {  	s19 =	simm.s32 $0x3100;
	s20 =	simm.s32 $0x3900;
	[dreg:$0x8] =	wrdreg s16  }
0x8: {  	s21 =	simm.s32 $0x4100;
	s22 =	simm.s32 $0x4900;
	[dreg:$0x9] =	wrdreg s17  }
0x9: {  	s24 =	simm.s32 $0x5100;
	s25 =	simm.s32 $0x5900;
	[dreg:$0xa] =	wrdreg s19  }
0xa: {  	s26 =	simm.s32 $0x6100;
	s30 =	simm.s32 $0x6900;
	[dreg:$0xb] =	wrdreg s20  }
0xb: {  	s31 =	simm.s32 $0x7100;
	s9 =	simm.s32 $0x100;
	[dreg:$0xc] =	wrdreg s21  }
0xc: {  	s10 =	simm.s32 $0x7900;
	s11 =	simm.s32 $0x1;
	[dreg:$0xd] =	wrdreg s22  }
0xd: {  	s12 =	simm.s32 $0x8100;
	s28 =	simm.s32 $0xF900;
	[dreg:$0xe] =	wrdreg s24  }
0xe: {  	s29 =	simm.s32 $0x0;
	s3 =	smul.u32 $0x500, s0;
	[dreg:$0xf] =	wrdreg s25  }
0xf: {  	s1 =	sand.u32 $0x1, s1;
	s6 =	smul.u32 $0x50000, s0;
	[dreg:$0x10] =	wrdreg s26  }
0x10: {  	s4 =	smul.u32 $0x280, s1;
	s18 =	ssub.s32 $0x2, s1;
	[dreg:$0x11] =	wrdreg s30  }
0x11: {  	s1 =	smul.u32 $0x28000, s1;
	[dreg:$0x12] =	wrdreg s31;
	s13 =	simm.s32 $0x8900  }
0x12: {  	s14 =	simm.s32 $0x9100;
	s15 =	simm.s32 $0x9900;
	s16 =	simm.s32 $0xA100  }
0x13: {  	s17 =	simm.s32 $0xA900;
	s19 =	simm.s32 $0xB900;
	s20 =	simm.s32 $0xC100  }
0x14: {  	s21 =	simm.s32 $0xC900;
	s22 =	simm.s32 $0xD100;
	s24 =	simm.s32 $0xE100  }
0x15: {  	s25 =	simm.s32 $0xE900;
	s26 =	simm.s32 $0xF100;
	s3 =	sadd.s32 s3, s5  }
0x16: {  	s6 =	sadd.s32 s6, s5;
	s8 =	sshrl.u32 s18, $0x1;
	s3 =	sadd.s32 s4, s3  }
0x17: {  	s7 =	ssub.s32 s18, s8;
	s1 =	sadd.s32 s1, s6;
	s8 =	simm.s32 $0x2  }
0x18: {  	s18 =	simm.s32 $0xB100;
	s4 =	sadd.s32 $0x7400, s3;
	s3 =	sadd.s32 $0x6E800, s3  }
0x19: {  	v2 =	vlaneseq.u32;
	s23 =	smax.u32 s7, $0x1;
	s6 =	sadd.s32 $0xCF8800, s1;
	[dreg:$0x2] =	wrdreg s4  }
0x1a: {  	vm0 =	vmmov $0xffff;
	v1 =	vshrl.u32 v2, $0x3;
	s7 =	sadd.s32 $0x7F8800, s1;
	[dreg:$0x3] =	wrdreg s3;
	s3 =	sadd.s32 $0xC1A00, s5  }
0x1b: {  	v0 =	vand.u32 $0x7, v2;
	v2 =	vor.u32 $0x8, v2;
	v1 =	vmul.u32 $0x8, v1;
	s4 =	sadd.s32 $0x73800, s5;
	[dreg:$0x13] =	wrdreg s23;
	s23 =	simm.s32 $0xD900  }
.LBB2_1:
0x1c: {  	s30 =	smov.u32 s7;
	s31 =	smov.u32 s6;
	s1 =	simm.s32 $0x0  }
.LBB2_2:
0x1d: {  	s0 =	rddreg [dreg:$0x3]  }
0x1e: {  	s0 =	sadd.s32 s1, s0  }
0x1f: {  	[tilespmem:s2], [sflag:$0x2] =	stream.linear.gather [hbm4b:s0+s2], $0x80, $0x38;
	[tilespmem:$0x10100] =	vst v63  }
0x20: {  	_ =	swait.ge [sflag:s8], $0x80  }
0x21: {  	s0 =	rddreg [dreg:$0x2];
	[sflag:s8] =	ssyncset.done $0x0  }
0x22: {  	s5 =	rddreg [dreg:$0x4];
	[sflag:s8] =	ssyncadd.s32 $0xFFFFFF80;
	s0 =	sadd.s32 s1, s0  }
0x23: {  	[tilespmem:s5], [sflag:$0x2] =	stream.linear.gather [hbm4b:s0+s2], $0x80, $0x38;
	[tilespmem:$0x10100] =	vst v63  }
0x24: {  	_ =	swait.ge [sflag:s8], $0x80  }
0x25: {  	[sflag:s8] =	ssyncset.done $0x0  }
0x26: {  	[sflag:s8] =	ssyncadd.s32 $0xFFFFFF80  }
0x27: {  	v3 =	vld [tilespmem:$0x0];
	_ =	sdelay $0x4  }
0x28: {  	v4 =	vshll.u32 v3, $0x1  }
0x29: {  	v3 =	vand.u32 $0x7, v3;
	v4 =	vand.u32 $0xFFFFFFF0, v4  }
0x2a: {  	v3 =	vor.u32 v3, v4  }
0x2b: {  	v4 =	vperm.xlane v3, v0;
	_ =	sdelay $0x1  }
0x2c: {  	v3 =	vperm.xlane v3, v2;
	v4 =	vadd.s32 v1, v4;
	_ =	sdelay $0x1  }
0x2d: {  	v3 =	vadd.s32 v1, v3;
	_ =	sdelay $0x2  }
0x2e: {  	[tilespmem:s9], [sflag:$0x1] =	stream.indirect_vreg.gather [hbm4b:s3+s2], $0x80, v4, vm0, $0xb8;
	[tilespmem:$0x10100] =	vst v63  }
0x2f: {  	s5 =	rddreg [dreg:$0x5]  }
0x30: {  	[tilespmem:s5], [sflag:$0x1] =	stream.indirect_vreg.gather [hbm4b:s3+s2], $0x80, v3, vm0, $0xb8;
	[tilespmem:$0x10100] =	vst v63  }
0x31: {  	v3 =	vld [tilespmem:$0x10];
	_ =	sdelay $0x4  }
0x32: {  	v49 =	vshll.u32 v3, $0x1  }
0x33: {  	v3 =	vand.u32 $0x7, v3;
	v4 =	vand.u32 $0xFFFFFFF0, v49  }
0x34: {  	v3 =	vor.u32 v3, v4  }
0x35: {  	v4 =	vperm.xlane v3, v0;
	_ =	sdelay $0x1  }
0x36: {  	v3 =	vperm.xlane v3, v2;
	v4 =	vadd.s32 v1, v4;
	_ =	sdelay $0x1  }
0x37: {  	v3 =	vadd.s32 v1, v3;
	_ =	sdelay $0x1  }
0x38: {  	s0 =	rddreg [dreg:$0x6]  }
0x39: {  	[tilespmem:s0], [sflag:$0x1] =	stream.indirect_vreg.gather [hbm4b:s3+s2], $0x80, v4, vm0, $0xb8;
	[tilespmem:$0x10100] =	vst v63  }
0x3a: {  	s5 =	rddreg [dreg:$0x7]  }
0x3b: {  	[tilespmem:s5], [sflag:$0x1] =	stream.indirect_vreg.gather [hbm4b:s3+s2], $0x80, v3, vm0, $0xb8;
	[tilespmem:$0x10100] =	vst v63  }
0x3c: {  	v3 =	vld [tilespmem:$0x20];
	_ =	sdelay $0x4  }
0x3d: {  	v50 =	vshll.u32 v3, $0x1  }
0x3e: {  	v3 =	vand.u32 $0x7, v3;
	v4 =	vand.u32 $0xFFFFFFF0, v50  }
0x3f: {  	v3 =	vor.u32 v3, v4  }
0x40: {  	v4 =	vperm.xlane v3, v0;
	_ =	sdelay $0x1  }
0x41: {  	v3 =	vperm.xlane v3, v2;
	v4 =	vadd.s32 v1, v4;
	_ =	sdelay $0x1  }
0x42: {  	v3 =	vadd.s32 v1, v3;
	_ =	sdelay $0x1  }
0x43: {  	s0 =	rddreg [dreg:$0x8]  }
0x44: {  	[tilespmem:s0], [sflag:$0x1] =	stream.indirect_vreg.gather [hbm4b:s3+s2], $0x80, v4, vm0, $0xb8;
	[tilespmem:$0x10100] =	vst v63  }
0x45: {  	s5 =	rddreg [dreg:$0x9]  }
0x46: {  	[tilespmem:s5], [sflag:$0x1] =	stream.indirect_vreg.gather [hbm4b:s3+s2], $0x80, v3, vm0, $0xb8;
	[tilespmem:$0x10100] =	vst v63  }
0x47: {  	v3 =	vld [tilespmem:$0x30];
	_ =	sdelay $0x4  }
0x48: {  	v51 =	vshll.u32 v3, $0x1  }
0x49: {  	v3 =	vand.u32 $0x7, v3;
	v4 =	vand.u32 $0xFFFFFFF0, v51  }
0x4a: {  	v3 =	vor.u32 v3, v4  }
0x4b: {  	v4 =	vperm.xlane v3, v0;
	_ =	sdelay $0x1  }
0x4c: {  	v3 =	vperm.xlane v3, v2;
	v4 =	vadd.s32 v1, v4;
	_ =	sdelay $0x1  }
0x4d: {  	v3 =	vadd.s32 v1, v3;
	_ =	sdelay $0x1  }
0x4e: {  	s0 =	rddreg [dreg:$0xa]  }
0x4f: {  	[tilespmem:s0], [sflag:$0x1] =	stream.indirect_vreg.gather [hbm4b:s3+s2], $0x80, v4, vm0, $0xb8;
	[tilespmem:$0x10100] =	vst v63  }
0x50: {  	s5 =	rddreg [dreg:$0xb]  }
0x51: {  	[tilespmem:s5], [sflag:$0x1] =	stream.indirect_vreg.gather [hbm4b:s3+s2], $0x80, v3, vm0, $0xb8;
	[tilespmem:$0x10100] =	vst v63  }
0x52: {  	v3 =	vld [tilespmem:$0x40];
	_ =	sdelay $0x4  }
0x53: {  	v52 =	vshll.u32 v3, $0x1  }
0x54: {  	v3 =	vand.u32 $0x7, v3;
	v4 =	vand.u32 $0xFFFFFFF0, v52  }
0x55: {  	v3 =	vor.u32 v3, v4  }
0x56: {  	v4 =	vperm.xlane v3, v0;
	_ =	sdelay $0x1  }
0x57: {  	v3 =	vperm.xlane v3, v2;
	v4 =	vadd.s32 v1, v4;
	_ =	sdelay $0x1  }
0x58: {  	v3 =	vadd.s32 v1, v3;
	_ =	sdelay $0x1  }
0x59: {  	s0 =	rddreg [dreg:$0xc]  }
0x5a: {  	[tilespmem:s0], [sflag:$0x1] =	stream.indirect_vreg.gather [hbm4b:s3+s2], $0x80, v4, vm0, $0xb8;
	[tilespmem:$0x10100] =	vst v63  }
0x5b: {  	s5 =	rddreg [dreg:$0xd]  }
0x5c: {  	[tilespmem:s5], [sflag:$0x1] =	stream.indirect_vreg.gather [hbm4b:s3+s2], $0x80, v3, vm0, $0xb8;
	[tilespmem:$0x10100] =	vst v63  }
0x5d: {  	v3 =	vld [tilespmem:$0x50];
	_ =	sdelay $0x4  }
0x5e: {  	v53 =	vshll.u32 v3, $0x1  }
0x5f: {  	v3 =	vand.u32 $0x7, v3;
	v4 =	vand.u32 $0xFFFFFFF0, v53  }
0x60: {  	v3 =	vor.u32 v3, v4  }
0x61: {  	v4 =	vperm.xlane v3, v0;
	_ =	sdelay $0x1  }
0x62: {  	v3 =	vperm.xlane v3, v2;
	v4 =	vadd.s32 v1, v4;
	_ =	sdelay $0x1  }
0x63: {  	v3 =	vadd.s32 v1, v3;
	_ =	sdelay $0x1  }
0x64: {  	s0 =	rddreg [dreg:$0xe]  }
0x65: {  	[tilespmem:s0], [sflag:$0x1] =	stream.indirect_vreg.gather [hbm4b:s3+s2], $0x80, v4, vm0, $0xb8;
	[tilespmem:$0x10100] =	vst v63  }
0x66: {  	s5 =	rddreg [dreg:$0xf]  }
0x67: {  	[tilespmem:s5], [sflag:$0x1] =	stream.indirect_vreg.gather [hbm4b:s3+s2], $0x80, v3, vm0, $0xb8;
	[tilespmem:$0x10100] =	vst v63  }
0x68: {  	v3 =	vld [tilespmem:$0x60];
	_ =	sdelay $0x4  }
0x69: {  	v54 =	vshll.u32 v3, $0x1  }
0x6a: {  	v3 =	vand.u32 $0x7, v3;
	v4 =	vand.u32 $0xFFFFFFF0, v54  }
0x6b: {  	v3 =	vor.u32 v3, v4  }
0x6c: {  	v4 =	vperm.xlane v3, v0;
	_ =	sdelay $0x1  }
0x6d: {  	v3 =	vperm.xlane v3, v2;
	v4 =	vadd.s32 v1, v4;
	_ =	sdelay $0x1  }
0x6e: {  	v3 =	vadd.s32 v1, v3;
	_ =	sdelay $0x1  }
0x6f: {  	s0 =	rddreg [dreg:$0x10]  }
0x70: {  	[tilespmem:s0], [sflag:$0x1] =	stream.indirect_vreg.gather [hbm4b:s3+s2], $0x80, v4, vm0, $0xb8;
	[tilespmem:$0x10100] =	vst v63  }
0x71: {  	s5 =	rddreg [dreg:$0x11]  }
0x72: {  	[tilespmem:s5], [sflag:$0x1] =	stream.indirect_vreg.gather [hbm4b:s3+s2], $0x80, v3, vm0, $0xb8;
	[tilespmem:$0x10100] =	vst v63  }
0x73: {  	v3 =	vld [tilespmem:$0x70];
	_ =	sdelay $0x4  }
0x74: {  	v55 =	vshll.u32 v3, $0x1  }
0x75: {  	v3 =	vand.u32 $0x7, v3;
	v4 =	vand.u32 $0xFFFFFFF0, v55  }
0x76: {  	v3 =	vor.u32 v3, v4  }
0x77: {  	v4 =	vperm.xlane v3, v0;
	_ =	sdelay $0x1  }
0x78: {  	v3 =	vperm.xlane v3, v2;
	v4 =	vadd.s32 v1, v4;
	_ =	sdelay $0x1  }
0x79: {  	v3 =	vadd.s32 v1, v3;
	_ =	sdelay $0x1  }
0x7a: {  	s5 =	rddreg [dreg:$0x12]  }
0x7b: {  	[tilespmem:s5], [sflag:$0x1] =	stream.indirect_vreg.gather [hbm4b:s3+s2], $0x80, v4, vm0, $0xb8;
	[tilespmem:$0x10100] =	vst v63  }
0x7c: {  	_ = 	snop  }
0x7d: {  	[tilespmem:s10], [sflag:$0x1] =	stream.indirect_vreg.gather [hbm4b:s3+s2], $0x80, v3, vm0, $0xb8;
	[tilespmem:$0x10100] =	vst v63  }
0x7e: {  	_ =	swait.ge [sflag:s11], $0x8000  }
0x7f: {  	[sflag:s11] =	ssyncset.done $0x0  }
0x80: {  	[sflag:s11] =	ssyncadd.s32 $0xFFFF8000  }
0x81: {  	v3 =	vld [tilespmem:$0x80];
	_ =	sdelay $0x4  }
0x82: {  	v56 =	vshll.u32 v3, $0x1  }
0x83: {  	v3 =	vand.u32 $0x7, v3;
	v4 =	vand.u32 $0xFFFFFFF0, v56  }
0x84: {  	v3 =	vor.u32 v3, v4  }
0x85: {  	v4 =	vperm.xlane v3, v0;
	_ =	sdelay $0x1  }
0x86: {  	v3 =	vperm.xlane v3, v2;
	v4 =	vadd.s32 v1, v4;
	_ =	sdelay $0x1  }
0x87: {  	v3 =	vadd.s32 v1, v3;
	_ =	sdelay $0x2  }
0x88: {  	[tilespmem:s12], [sflag:$0x1] =	stream.indirect_vreg.gather [hbm4b:s4+s2], $0x80, v4, vm0, $0xb8;
	[tilespmem:$0x10100] =	vst v63  }
0x89: {  	_ = 	snop  }
0x8a: {  	[tilespmem:s13], [sflag:$0x1] =	stream.indirect_vreg.gather [hbm4b:s4+s2], $0x80, v3, vm0, $0xb8;
	[tilespmem:$0x10100] =	vst v63  }
0x8b: {  	v3 =	vld [tilespmem:$0x90];
	_ =	sdelay $0x4  }
0x8c: {  	v57 =	vshll.u32 v3, $0x1  }
0x8d: {  	v3 =	vand.u32 $0x7, v3;
	v4 =	vand.u32 $0xFFFFFFF0, v57  }
0x8e: {  	v3 =	vor.u32 v3, v4  }
0x8f: {  	v4 =	vperm.xlane v3, v0;
	_ =	sdelay $0x1  }
0x90: {  	v3 =	vperm.xlane v3, v2;
	v4 =	vadd.s32 v1, v4;
	_ =	sdelay $0x1  }
0x91: {  	v3 =	vadd.s32 v1, v3;
	_ =	sdelay $0x2  }
0x92: {  	[tilespmem:s14], [sflag:$0x1] =	stream.indirect_vreg.gather [hbm4b:s4+s2], $0x80, v4, vm0, $0xb8;
	[tilespmem:$0x10100] =	vst v63  }
0x93: {  	_ = 	snop  }
0x94: {  	[tilespmem:s15], [sflag:$0x1] =	stream.indirect_vreg.gather [hbm4b:s4+s2], $0x80, v3, vm0, $0xb8;
	[tilespmem:$0x10100] =	vst v63  }
0x95: {  	v3 =	vld [tilespmem:$0xA0];
	_ =	sdelay $0x4  }
0x96: {  	v58 =	vshll.u32 v3, $0x1  }
0x97: {  	v3 =	vand.u32 $0x7, v3;
	v4 =	vand.u32 $0xFFFFFFF0, v58  }
0x98: {  	v3 =	vor.u32 v3, v4  }
0x99: {  	v4 =	vperm.xlane v3, v0;
	_ =	sdelay $0x1  }
0x9a: {  	v3 =	vperm.xlane v3, v2;
	v4 =	vadd.s32 v1, v4;
	_ =	sdelay $0x1  }
0x9b: {  	v3 =	vadd.s32 v1, v3;
	_ =	sdelay $0x2  }
0x9c: {  	[tilespmem:s16], [sflag:$0x1] =	stream.indirect_vreg.gather [hbm4b:s4+s2], $0x80, v4, vm0, $0xb8;
	[tilespmem:$0x10100] =	vst v63  }
0x9d: {  	_ = 	snop  }
0x9e: {  	[tilespmem:s17], [sflag:$0x1] =	stream.indirect_vreg.gather [hbm4b:s4+s2], $0x80, v3, vm0, $0xb8;
	[tilespmem:$0x10100] =	vst v63  }
0x9f: {  	v3 =	vld [tilespmem:$0xB0];
	_ =	sdelay $0x4  }
0xa0: {  	v59 =	vshll.u32 v3, $0x1  }
0xa1: {  	v3 =	vand.u32 $0x7, v3;
	v4 =	vand.u32 $0xFFFFFFF0, v59  }
0xa2: {  	v3 =	vor.u32 v3, v4  }
0xa3: {  	v4 =	vperm.xlane v3, v0;
	_ =	sdelay $0x1  }
0xa4: {  	v3 =	vperm.xlane v3, v2;
	v4 =	vadd.s32 v1, v4;
	_ =	sdelay $0x1  }
0xa5: {  	v3 =	vadd.s32 v1, v3;
	_ =	sdelay $0x2  }
0xa6: {  	[tilespmem:s18], [sflag:$0x1] =	stream.indirect_vreg.gather [hbm4b:s4+s2], $0x80, v4, vm0, $0xb8;
	[tilespmem:$0x10100] =	vst v63  }
0xa7: {  	_ = 	snop  }
0xa8: {  	[tilespmem:s19], [sflag:$0x1] =	stream.indirect_vreg.gather [hbm4b:s4+s2], $0x80, v3, vm0, $0xb8;
	[tilespmem:$0x10100] =	vst v63  }
0xa9: {  	v3 =	vld [tilespmem:$0xC0];
	_ =	sdelay $0x4  }
0xaa: {  	v60 =	vshll.u32 v3, $0x1  }
0xab: {  	v3 =	vand.u32 $0x7, v3;
	v4 =	vand.u32 $0xFFFFFFF0, v60  }
0xac: {  	v3 =	vor.u32 v3, v4  }
0xad: {  	v4 =	vperm.xlane v3, v0;
	_ =	sdelay $0x1  }
0xae: {  	v3 =	vperm.xlane v3, v2;
	v4 =	vadd.s32 v1, v4;
	_ =	sdelay $0x1  }
0xaf: {  	v3 =	vadd.s32 v1, v3;
	_ =	sdelay $0x2  }
0xb0: {  	[tilespmem:s20], [sflag:$0x1] =	stream.indirect_vreg.gather [hbm4b:s4+s2], $0x80, v4, vm0, $0xb8;
	[tilespmem:$0x10100] =	vst v63  }
0xb1: {  	_ = 	snop  }
0xb2: {  	[tilespmem:s21], [sflag:$0x1] =	stream.indirect_vreg.gather [hbm4b:s4+s2], $0x80, v3, vm0, $0xb8;
	[tilespmem:$0x10100] =	vst v63  }
0xb3: {  	v3 =	vld [tilespmem:$0xD0];
	_ =	sdelay $0x4  }
0xb4: {  	v61 =	vshll.u32 v3, $0x1  }
0xb5: {  	v3 =	vand.u32 $0x7, v3;
	v4 =	vand.u32 $0xFFFFFFF0, v61  }
0xb6: {  	v3 =	vor.u32 v3, v4  }
0xb7: {  	v4 =	vperm.xlane v3, v0;
	_ =	sdelay $0x1  }
0xb8: {  	v3 =	vperm.xlane v3, v2;
	v4 =	vadd.s32 v1, v4;
	_ =	sdelay $0x1  }
0xb9: {  	v3 =	vadd.s32 v1, v3;
	_ =	sdelay $0x2  }
0xba: {  	[tilespmem:s22], [sflag:$0x1] =	stream.indirect_vreg.gather [hbm4b:s4+s2], $0x80, v4, vm0, $0xb8;
	[tilespmem:$0x10100] =	vst v63  }
0xbb: {  	_ = 	snop  }
0xbc: {  	[tilespmem:s23], [sflag:$0x1] =	stream.indirect_vreg.gather [hbm4b:s4+s2], $0x80, v3, vm0, $0xb8;
	[tilespmem:$0x10100] =	vst v63  }
0xbd: {  	v3 =	vld [tilespmem:$0xE0];
	_ =	sdelay $0x4  }
0xbe: {  	v62 =	vshll.u32 v3, $0x1  }
0xbf: {  	v3 =	vand.u32 $0x7, v3;
	v4 =	vand.u32 $0xFFFFFFF0, v62  }
0xc0: {  	v3 =	vor.u32 v3, v4  }
0xc1: {  	v4 =	vperm.xlane v3, v0;
	_ =	sdelay $0x1  }
0xc2: {  	v3 =	vperm.xlane v3, v2;
	v4 =	vadd.s32 v1, v4;
	_ =	sdelay $0x1  }
0xc3: {  	v3 =	vadd.s32 v1, v3;
	_ =	sdelay $0x2  }
0xc4: {  	[tilespmem:s24], [sflag:$0x1] =	stream.indirect_vreg.gather [hbm4b:s4+s2], $0x80, v4, vm0, $0xb8;
	[tilespmem:$0x10100] =	vst v63  }
0xc5: {  	_ = 	snop  }
0xc6: {  	[tilespmem:s25], [sflag:$0x1] =	stream.indirect_vreg.gather [hbm4b:s4+s2], $0x80, v3, vm0, $0xb8;
	[tilespmem:$0x10100] =	vst v63  }
0xc7: {  	v3 =	vld [tilespmem:$0xF0];
	_ =	sdelay $0x4  }
0xc8: {  	v63 =	vshll.u32 v3, $0x1  }
0xc9: {  	v3 =	vand.u32 $0x7, v3;
	v4 =	vand.u32 $0xFFFFFFF0, v63  }
0xca: {  	v3 =	vor.u32 v3, v4  }
0xcb: {  	v4 =	vperm.xlane v3, v0;
	_ =	sdelay $0x1  }
0xcc: {  	v3 =	vperm.xlane v3, v2;
	v4 =	vadd.s32 v1, v4;
	_ =	sdelay $0x1  }
0xcd: {  	v3 =	vadd.s32 v1, v3;
	_ =	sdelay $0x2  }
0xce: {  	[tilespmem:s26], [sflag:$0x1] =	stream.indirect_vreg.gather [hbm4b:s4+s2], $0x80, v4, vm0, $0xb8;
	[tilespmem:$0x10100] =	vst v63  }
0xcf: {  	_ = 	snop  }
0xd0: {  	[tilespmem:s28], [sflag:$0x1] =	stream.indirect_vreg.gather [hbm4b:s4+s2], $0x80, v3, vm0, $0xb8;
	[tilespmem:$0x10100] =	vst v63  }
0xd1: {  	_ =	swait.ge [sflag:s11], $0x8000  }
0xd2: {  	[sflag:s11] =	ssyncset.done $0x0  }
0xd3: {  	[sflag:s11] =	ssyncadd.s32 $0xFFFF8000  }
0xd4: {  	[hbm4b:s30+s2] =	stream.linear.scatter [tilespmem:s9], [sflag:$0x2], $0x8000, $0x38;
	[tilespmem:$0x10100] =	vst v63  }
0xd5: {  	_ =	swait.ge [sflag:s8], $0x8000  }
0xd6: {  	p0 =	sne.s32 s1, $0x270;
	[sflag:s8] =	ssyncset.done $0x0  }
.Ltmp0:
0xd7: {  	[sflag:s8] =	ssyncadd.s32 $0xFFFF8000;
	(pc) =	sbr.rel @p0 .LBB2_2-.Ltmp0, $4  }
0xd8: {  	[hbm4b:s31+s2] =	stream.linear.scatter [tilespmem:s12], [sflag:$0x2], $0x8000, $0x38;
	[tilespmem:$0x10100] =	vst v63  }
0xd9: {  	_ =	swait.ge [sflag:s8], $0x8000  }
0xda: {  	s1 =	sadd.s32 $0x10, s1;
	[sflag:s8] =	ssyncset.done $0x0  }
0xdb: {  	s30 =	sadd.s32 $0x1000, s30;
	s31 =	sadd.s32 $0x1000, s31;
	[sflag:s8] =	ssyncadd.s32 $0xFFFF8000  }
0xdc: {  	s29 =	sadd.s32 $0x1, s29;
	s0 =	rddreg [dreg:$0x13]  }
0xdd: {  	p0 =	sne.s32 s29, s0  }
.Ltmp1:
0xde: {  	_ = 	snop;
	(pc) =	sbr.rel @p0 .LBB2_1-.Ltmp1, $1  }
0xdf: {  	_ =	sdelay $0x3  }
0xe0: {  	_ =	sfence.sel $0x180000  }
0xe1: {  	[bflag:$0x0] =	sbarrier.arrive $0xFFFF  }
0xe2: {  	_ =	strace $0x90000059  }
0xe3: {  	s0 =	stileid.u32;
	[bflag:$0x2] =	sbarrier.arrive $0xFFFF  }
0xe4: {  	p0 =	sne.s32 s0, $0x0;
	s0 =	rddreg [dreg:$0x1]  }
0xe5: {  	s0 =	sadd.s32 @!p0 $0x100000, s0  }
0xe6: {  	[sflag:s0] =	ssyncadd.tile.s32 @!p0 $0x1;
	_ =	shalt  }
.Lfunc_end2:
_tile_overlayer_lowered:
.L_overlay_start_2:
0xe7: {  	(tag) =	ssettag $0x2  }
0xe8: {  	s0 =	rddreg [dreg:$0x0];
	s2 =	stileid.u32  }
0xe9: {  	s1 =	rddreg [dreg:$0x1];
	p0 =	sne.s32 s2, $0x0  }
0xea: {  	s3 =	rddreg [dreg:$0x2];
	[bflag:$0x3] =	sbarrier.arrive $0xFFFF;
	s2 =	simm.s32 @!p0 $0x1C02  }
0xeb: {  	[timem:s3], [sflag:s2] =	dma.local @!p0 [hbm:s0], s1  }
0xec: {  	s0 =	simm.s32 @!p0 $0x2  }
0xed: {  	_ =	swait.ge @!p0 [sflag:s0], s1  }
0xee: {  	s1 =	ssub.s32 @!p0 $0x0, s1;
	[sflag:s0] =	ssyncset.done @!p0 $0x0  }
0xef: {  	[sflag:s0] =	ssyncadd.s32 @!p0 s1  }
0xf0: {  	[bflag:$0x3] =	sbarrier.arrive $0xFFFF  }
0xf1: {  	_ =	shalt  }

// kernel: kernel.33.cloned.1.call-start
scs
__scs_entry_jumppad:
0x0: {  	(pc) =	sbr.rel $0x88, $3  }
0x1: {  	(tag) =	ssettag $0x0;
	lr =	simm.s32 $0x1  }
0x2: {  	[smem:$0x3F8C] =	sst lr;
	_ =	strace $0xD0000000  }
0x3: {  	_ = 	snop  }
0x4: {  	_ = 	snop  }
0x5: {  	_ = 	snop  }
0x6: {  	_ = 	snop  }
0x7: {  	_ = 	snop  }
__scs_overlays_trampoline_lowered:
0x8: {  	[smem:$0x3F9B] =	sst s0  }
0x9: {  	[smem:$0x3F9C] =	sst s1  }
0xa: {  	[smem:$0x3F9D] =	sst s2  }
0xb: {  	[smem:$0x3F9E] =	sst s3  }
0xc: {  	[smem:$0x3F9F] =	sst s4  }
0xd: {  	[smem:$0x3FA0] =	sst s5  }
0xe: {  	[smem:$0x3FA1] =	sst s6  }
0xf: {  	[smem:$0x3FA2] =	sst s7  }
0x10: {  	[smem:$0x3FA3] =	sst s8  }
0x11: {  	[smem:$0x3FA4] =	sst s9;
	s0 =	simm.s32 @!p0 $0x0  }
0x12: {  	s1 =	sld [smem:$0x3F8A];
	s0 =	simm.s32 @p0 $0x1  }
0x13: {  	[smem:$0x3FA5] =	sst s0;
	s0 =	simm.s32 @!p1 $0x0  }
0x14: {  	s2 =	sld [smem:$0x3F89];
	s0 =	simm.s32 @p1 $0x1  }
0x15: {  	[smem:$0x3FA6] =	sst s0;
	s0 =	simm.s32 @!p2 $0x0  }
0x16: {  	s3 =	sld [smem:$0x3FDB];
	s0 =	simm.s32 @p2 $0x1  }
0x17: {  	s4 =	simm.s32 $0x1BF5;
	[smem:$0x3FA8] =	sst s0  }
0x18: {  	s0 =	sld [smem:$0x3F8B];
	_ =	swait.ge [sflag:s4], $0x0  }
0x19: {  	s7 =	sld [smem:$0x3F8C]  }
0x1a: {  	s8 =	sadd.s32 $0xFFFFE003, lr  }
0x1b: {  	s9 =	sadd.s32 $0xFFFFFEF7, lr;
	s5 =	simm.s32 $0xFFFFFFFF;
	p2 =	slt.u32 s8, $0xFFFFF086  }
0x1c: {  	p1 =	slt.u32 s9, $0xF7A;
	s5 =	simm.s32 @!p2 $0x0  }
0x1d: {  	s5 =	simm.s32 @p1 $0x1;
	p0 =	seq.s32 s7, s2  }
0x1e: {  	s7 =	smul.u32 @!p0 $0xF7A, s2;
	p2 =	seq.s32 @!p0 s5, $0x0  }
0x1f: {  	s9 =	smul.u32 $0xF7A, s1;
	s8 =	simm.s32 @!p0 $0x1BF5;
	p2 =	por !p2, p0  }
0x20: {  	[sflag:s8] =	ssyncset.s32 @!p0 $0xFFFFF086;
	s6 =	sadd.s32 @!p0 s3, s7;
	s7 =	simm.s32 @!p0 $0x108  }
0x21: {  	s3 =	sadd.s32 s3, s9;
	s6 =	sadd.s32 @!p0 $0x88, s6;
	s7 =	simm.s32 @p2 $0x1082  }
0x22: {  	[simem:s7], [sflag:s8] =	dma.local @!p0 [hbm:s6], $0xF7A  }
0x23: {  	s9 =	sor.u32 $0xD0000000, s2;
	s6 =	simm.s32 $0x108;
	_ =	swait.ge @!p0 [sflag:s8], $0x0  }
0x24: {  	s3 =	sadd.s32 $0x88, s3;
	s6 =	simm.s32 @!p1 $0x1082;
	[sflag:s4] =	ssyncset.s32 $0xFFFFF086  }
0x25: {  	[simem:s6], [sflag:s4] =	dma.local [hbm:s3], $0xF7A  }
0x26: {  	[smem:$0x3F8C] =	sst s1;
	(tag) =	ssettag s2;
	_ =	strace s9  }
0x27: {  	s1 =	sld [smem:$0x3F9C]  }
0x28: {  	s2 =	sld [smem:$0x3F9D]  }
0x29: {  	s4 =	sld [smem:$0x3F9F]  }
0x2a: {  	p0 =	seq.s32 s5, $0x0;
	s5 =	sld [smem:$0x3FA0]  }
0x2b: {  	s6 =	sld [smem:$0x3FA1]  }
0x2c: {  	s7 =	sld [smem:$0x3FA2]  }
0x2d: {  	s3 =	simm.s32 $0x108;
	s8 =	sld [smem:$0x3FA3]  }
0x2e: {  	s3 =	simm.s32 @!p0 $0x1082;
	s9 =	sld [smem:$0x3FA4]  }
0x2f: {  	lr =	sadd.s32 s0, s3;
	s0 =	sld [smem:$0x3F9B]  }
0x30: {  	s3 =	sld [smem:$0x3F9E]  }
0x31: {  	[smem:$0x3FA7] =	sst s10  }
0x32: {  	s10 =	sld [smem:$0x3FA5];
	_ =	sdelay $0x3  }
0x33: {  	p0 =	seq.s32 s10, $0x1;
	s10 =	sld [smem:$0x3FA7];
	_ =	sdelay $0x3  }
0x34: {  	[smem:$0x3FA7] =	sst s10  }
0x35: {  	s10 =	sld [smem:$0x3FA6];
	_ =	sdelay $0x3  }
0x36: {  	p1 =	seq.s32 s10, $0x1;
	s10 =	sld [smem:$0x3FA7];
	_ =	sdelay $0x3  }
0x37: {  	[smem:$0x3FA7] =	sst s10  }
0x38: {  	s10 =	sld [smem:$0x3FA8]  }
0x39: {  	_ = 	snop;
	(pc) =	sbr.ind lr, $3  }
0x3a: {  	_ = 	snop  }
0x3b: {  	_ = 	snop  }
0x3c: {  	p2 =	seq.s32 s10, $0x1;
	s10 =	sld [smem:$0x3FA7]  }
0x3d: {  	_ =	shalt  }
0x3e: {  	_ =	shalt  }
0x3f: {  	_ =	shalt  }
0x40: {  	_ =	shalt  }
0x41: {  	_ =	shalt  }
0x42: {  	_ =	shalt  }
0x43: {  	_ =	shalt  }
0x44: {  	_ =	shalt  }
0x45: {  	_ =	shalt  }
0x46: {  	_ =	shalt  }
0x47: {  	_ =	shalt  }
0x48: {  	_ =	shalt  }
0x49: {  	_ =	shalt  }
0x4a: {  	_ =	shalt  }
0x4b: {  	_ =	shalt  }
0x4c: {  	_ =	shalt  }
0x4d: {  	_ =	shalt  }
0x4e: {  	_ =	shalt  }
0x4f: {  	_ =	shalt  }
0x50: {  	_ =	shalt  }
0x51: {  	_ =	shalt  }
0x52: {  	_ =	shalt  }
0x53: {  	_ =	shalt  }
0x54: {  	_ =	shalt  }
0x55: {  	_ =	shalt  }
0x56: {  	_ =	shalt  }
0x57: {  	_ =	shalt  }
0x58: {  	_ =	shalt  }
0x59: {  	_ =	shalt  }
0x5a: {  	_ =	shalt  }
0x5b: {  	_ =	shalt  }
0x5c: {  	_ =	shalt  }
0x5d: {  	_ =	shalt  }
0x5e: {  	_ =	shalt  }
0x5f: {  	_ =	shalt  }
0x60: {  	_ =	shalt  }
0x61: {  	_ =	shalt  }
0x62: {  	_ =	shalt  }
0x63: {  	_ =	shalt  }
0x64: {  	_ =	shalt  }
0x65: {  	_ =	shalt  }
0x66: {  	_ =	shalt  }
0x67: {  	_ =	shalt  }
0x68: {  	_ =	shalt  }
0x69: {  	_ =	shalt  }
0x6a: {  	_ =	shalt  }
0x6b: {  	_ =	shalt  }
0x6c: {  	_ =	shalt  }
0x6d: {  	_ =	shalt  }
0x6e: {  	_ =	shalt  }
0x6f: {  	_ =	shalt  }
0x70: {  	_ =	shalt  }
0x71: {  	_ =	shalt  }
0x72: {  	_ =	shalt  }
0x73: {  	_ =	shalt  }
0x74: {  	_ =	shalt  }
0x75: {  	_ =	shalt  }
0x76: {  	_ =	shalt  }
0x77: {  	_ =	shalt  }
0x78: {  	_ =	shalt  }
0x79: {  	_ =	shalt  }
0x7a: {  	_ =	shalt  }
0x7b: {  	_ =	shalt  }
0x7c: {  	_ =	shalt  }
0x7d: {  	_ =	shalt  }
0x7e: {  	_ =	shalt  }
0x7f: {  	_ =	shalt  }
0x80: {  	_ =	shalt  }
0x81: {  	_ =	shalt  }
0x82: {  	_ =	shalt  }
0x83: {  	_ =	shalt  }
0x84: {  	_ =	shalt  }
0x85: {  	_ =	shalt  }
0x86: {  	_ =	shalt  }
0x87: {  	_ =	shalt  }
.Lfunc_end0:
.L_simem_size_0:
called_computation.7_lowered:
.L_overlay_start_0:
0x88: {  	s2 =	sld [smem:$0x3FD9]  }
0x89: {  	s3 =	sld [smem:$0x3FFE];
	_ =	sdelay $0x1  }
0x8a: {  	s1 =	srdreg.scid  }
0x8b: {  	s0 =	sand.u32 $0x1, s1  }
0x8c: {  	s17 =	sshll.u32 s0, $0xA;
	s2 =	sadd.s32 s3, s2  }
0x8d: {  	s2 =	sadd.s32 s2, s17  }
0x8e: {  	[smem:$0x3FB3] =	sst s2  }
0x8f: {  	_ = 	snop  }
0x90: {  	s2 =	sld [smem:$0x3FD0];
	(tm) =	ssettm $0x1  }
0x91: {  	s18 =	sld [smem:$0x3FFB];
	_ =	sdelay $0x3  }
0x92: {  	_ =	strace s18  }
0x93: {  	s3 =	sld [smem:$0x3FFC];
	_ =	sdelay $0x3  }
0x94: {  	_ =	strace s3  }
0x95: {  	s3 =	sld [smem:$0x3FFD];
	_ =	sdelay $0x3  }
0x96: {  	_ =	strace s3  }
0x97: {  	_ =	strace $0x8FFFFFFF  }
0x98: {  	s19 =	sld [smem:$0x3FDB];
	_ =	sdelay $0x1  }
0x99: {  	s4 =	simm.s32 $_scs_section_size  }
0x9a: {  	s5 =	simm.s32 $_size__tile_overlayer_lowered;
	s6 =	simm.s32 $_tile_overlayer_lowered  }
0x9b: {  	s22 =	simm.s32 $0x1BFF;
	s21 =	sshll.u32 s6, $0x1;
	s3 =	sadd.s32 s4, s19  }
0x9c: {  	s7 =	simm.s32 $0x0;
	s20 =	sshll.u32 s5, $0x1;
	s5 =	sadd.s32 s21, s3  }
0x9d: {  	[timem:s7], [sflag:s22] =	dma.local [hbm:s5], s20  }
0x9e: {  	_ =	swait.ge [sflag:s22], s20  }
0x9f: {  	s4 =	ssub.s32 $0x0, s20;
	[sflag:s22] =	ssyncset.done $0x0  }
0xa0: {  	[sflag:s22] =	ssyncadd.s32 s4;
	_ =	sdelay $0x1  }
0xa1: {  	s23 =	simm.s32 $0x1B8B  }
0xa2: {  	_ =	swait.ge [sflag:s23], $0x1  }
0xa3: {  	[sflag:s23] =	ssyncset.done $0x0  }
0xa4: {  	s25 =	simm.s32 $0x1B8E;
	s24 =	sld [smem:$0x3FFE];
	[sflag:s23] =	ssyncadd.s32 $0xFFFFFFFF  }
0xa5: {  	s26 =	simm.s32 $execute0_lowered;
	[smem:$0x3FD2] =	sst s25  }
0xa6: {  	s5 =	sshll.u32 s26, $0x1;
	_ =	strace $0x8000005B;
	[dreg:$0x1] =	wrdreg $0xFFFFFFFF  }
0xa7: {  	s28 =	simm.s32 $_size_execute0_lowered;
	s3 =	sadd.s32 s3, s5;
	[dreg:$0x0] =	wrdreg $0x0  }
0xa8: {  	s5 =	sshll.u32 s28, $0x1;
	[dreg:$0x2] =	wrdreg s3  }
0xa9: {  	[dreg:$0x3] =	wrdreg s5  }
0xaa: {  	[dreg:$0x4] =	wrdreg $0xC0  }
0xab: {  	_ =	task [dreg:s7], $0x5FFFF  }
0xac: {  	[dreg:$0x1] =	wrdreg $0xFFFFFFFF  }
0xad: {  	[dreg:$0x0] =	wrdreg $0x60  }
0xae: {  	[dreg:$0x2] =	wrdreg s2  }
0xaf: {  	[dreg:$0x3] =	wrdreg s24  }
0xb0: {  	[dreg:$0x4] =	wrdreg $0x9  }
0xb1: {  	_ =	task.clear_ibuf [dreg:s7], $0x5FFFF;
	_ =	strace $0x9000005B  }
0xb2: {  	s29 =	simm.s32 $0x9;
	_ =	strace $0x8000005D  }
0xb3: {  	_ =	swait.ge [sflag:s29], $0x1  }
0xb4: {  	[sflag:s29] =	ssyncadd.s32 $0xFFFFFFFF  }
0xb5: {  	_ =	strace $0x9000005D  }
0xb6: {  	_ =	sfence  }
0xb7: {  	s30 =	sld [smem:$0x0];
	_ =	sdelay $0x2  }
0xb8: {  	s31 =	sshll.u32 s1, $0xD;
	s1 =	sshrl.u32 s1, $0x2  }
0xb9: {  	s3 =	sand.u32 $0x4000, s31;
	s1 =	sadd.s32 s1, s30  }
0xba: {  	s0 =	sor.u32 s3, s0;
	s1 =	sshll.u32 s1, $0x11  }
0xbb: {  	s0 =	sor.u32 s1, s0  }
0xbc: {  	s0 =	sadd.s32 $0x8F2B, s0  }
0xbd: {  	[sflag:s0] =	ssyncadd.remote.s32 $0x1  }
0xbe: {  	_ =	sfence.sel $0xFFFF  }
0xbf: {  	[dreg:$0x0] =	wrdreg $0xFFFFFFFF;
	(pc) =	sbr.abs _section_cstart, $3  }
0xc0: {  	[dreg:$0x1] =	wrdreg $0xFFFFFFFF  }
0xc1: {  	_ =	task.clear_ibuf [dreg:s7], $0x2FFFF;
	_ =	strace $0x9FFFFFFF  }
0xc2: {  	(tm) =	ssettm $0x7FFFFFFF  }
0xc3: {  	_ =	shalt  }
tec
execute0_lowered:
.L_overlay_start_1:
0x0: {  	(tag) =	ssettag $0x1  }
0x1: {  	s5 =	rddreg [dreg:$0x0]  }
0x2: {  	s4 =	rddreg [dreg:$0x1]  }
0x3: {  	s0 =	rddreg [dreg:$0x2]  }
0x4: {  	s2 =	simm.s32 $0x0;
	s1 =	stileid.u32;
	s3 =	srdreg.scid  }
0x5: {  	s12 =	simm.s32 $0x2080;
	s13 =	simm.s32 $0x2880;
	s14 =	simm.s32 $0x3080  }
0x6: {  	s15 =	simm.s32 $0x3880;
	s16 =	simm.s32 $0x4080;
	s17 =	simm.s32 $0x4880  }
0x7: {  	s18 =	simm.s32 $0x5080;
	s19 =	simm.s32 $0x5880;
	s20 =	simm.s32 $0x6080  }
0x8: {  	s21 =	simm.s32 $0x6880;
	s22 =	simm.s32 $0x7080;
	s23 =	simm.s32 $0x7880  }
0x9: {  	s24 =	simm.s32 $0x1;
	s25 =	simm.s32 $0x0;
	s6 =	smul.u32 $0x6000, s1  }
0xa: {  	[smem:$0x7FF] =	sst s2;
	s7 =	sand.u32 $0x1, s3;
	s11 =	smul.u32 $0x60, s1  }
0xb: {  	s3 =	sadd.s32 $0x63E00, s4;
	s8 =	ssub.s32 $0x2, s7;
	s9 =	smul.u32 $0x3000, s7  }
0xc: {  	_ =	strace $0x8000005C;
	s7 =	smul.u32 $0x30, s7;
	s10 =	sshrl.u32 s8, $0x1  }
0xd: {  	s6 =	sadd.s32 s6, s4;
	s31 =	sadd.s32 s11, s5;
	s11 =	simm.s32 $0x1880  }
0xe: {  	v2 =	vlaneseq.u32;
	s30 =	ssub.s32 s8, s10;
	s6 =	sadd.s32 s9, s6;
	s8 =	simm.s32 $0x80  }
0xf: {  	vm0 =	vmmov $0xffff;
	v1 =	vshrl.u32 v2, $0x3;
	s9 =	simm.s32 $0x880;
	s10 =	simm.s32 $0x1080;
	s4 =	smax.u32 s30, $0x1  }
0x10: {  	v0 =	vand.u32 $0x7, v2;
	v2 =	vor.u32 $0x8, v2;
	v1 =	vmul.u32 $0x8, v1;
	s5 =	sadd.s32 $0x563E00, s6;
	s6 =	sadd.s32 s7, s31;
	s7 =	simm.s32 $0x2  }
.LBB2_1:
0x11: {  	s26 =	smov.u32 s5;
	s28 =	simm.s32 $0x0  }
.LBB2_2:
0x12: {  	s29 =	sadd.s32 s28, s6  }
0x13: {  	[tilespmem:s2], [sflag:$0x2] =	stream.linear.gather [hbm4b:s29+s2], $0x80, $0x38;
	[tilespmem:$0x8080] =	vst v63  }
0x14: {  	_ =	swait.ge [sflag:s7], $0x80  }
0x15: {  	[sflag:s7] =	ssyncset.done $0x0  }
0x16: {  	[sflag:s7] =	ssyncadd.s32 $0xFFFFFF80  }
0x17: {  	v3 =	vld [tilespmem:$0x0];
	_ =	sdelay $0x4  }
0x18: {  	v4 =	vshll.u32 v3, $0x1  }
0x19: {  	v3 =	vand.u32 $0x7, v3;
	v4 =	vand.u32 $0xFFFFFFF0, v4  }
0x1a: {  	v3 =	vor.u32 v3, v4  }
0x1b: {  	v4 =	vperm.xlane v3, v0;
	_ =	sdelay $0x1  }
0x1c: {  	v3 =	vperm.xlane v3, v2;
	v4 =	vadd.s32 v1, v4;
	_ =	sdelay $0x1  }
0x1d: {  	v3 =	vadd.s32 v1, v3;
	_ =	sdelay $0x2  }
0x1e: {  	[tilespmem:s8], [sflag:$0x1] =	stream.indirect_vreg.gather [hbm4b:s3+s2], $0x80, v4, vm0, $0xb8;
	[tilespmem:$0x8080] =	vst v63  }
0x1f: {  	_ = 	snop  }
0x20: {  	[tilespmem:s9], [sflag:$0x1] =	stream.indirect_vreg.gather [hbm4b:s3+s2], $0x80, v3, vm0, $0xb8;
	[tilespmem:$0x8080] =	vst v63  }
0x21: {  	v3 =	vld [tilespmem:$0x10];
	_ =	sdelay $0x4  }
0x22: {  	v57 =	vshll.u32 v3, $0x1  }
0x23: {  	v3 =	vand.u32 $0x7, v3;
	v4 =	vand.u32 $0xFFFFFFF0, v57  }
0x24: {  	v3 =	vor.u32 v3, v4  }
0x25: {  	v4 =	vperm.xlane v3, v0;
	_ =	sdelay $0x1  }
0x26: {  	v3 =	vperm.xlane v3, v2;
	v4 =	vadd.s32 v1, v4;
	_ =	sdelay $0x1  }
0x27: {  	v3 =	vadd.s32 v1, v3;
	_ =	sdelay $0x2  }
0x28: {  	[tilespmem:s10], [sflag:$0x1] =	stream.indirect_vreg.gather [hbm4b:s3+s2], $0x80, v4, vm0, $0xb8;
	[tilespmem:$0x8080] =	vst v63  }
0x29: {  	_ = 	snop  }
0x2a: {  	[tilespmem:s11], [sflag:$0x1] =	stream.indirect_vreg.gather [hbm4b:s3+s2], $0x80, v3, vm0, $0xb8;
	[tilespmem:$0x8080] =	vst v63  }
0x2b: {  	v3 =	vld [tilespmem:$0x20];
	_ =	sdelay $0x4  }
0x2c: {  	v58 =	vshll.u32 v3, $0x1  }
0x2d: {  	v3 =	vand.u32 $0x7, v3;
	v4 =	vand.u32 $0xFFFFFFF0, v58  }
0x2e: {  	v3 =	vor.u32 v3, v4  }
0x2f: {  	v4 =	vperm.xlane v3, v0;
	_ =	sdelay $0x1  }
0x30: {  	v3 =	vperm.xlane v3, v2;
	v4 =	vadd.s32 v1, v4;
	_ =	sdelay $0x1  }
0x31: {  	v3 =	vadd.s32 v1, v3;
	_ =	sdelay $0x2  }
0x32: {  	[tilespmem:s12], [sflag:$0x1] =	stream.indirect_vreg.gather [hbm4b:s3+s2], $0x80, v4, vm0, $0xb8;
	[tilespmem:$0x8080] =	vst v63  }
0x33: {  	_ = 	snop  }
0x34: {  	[tilespmem:s13], [sflag:$0x1] =	stream.indirect_vreg.gather [hbm4b:s3+s2], $0x80, v3, vm0, $0xb8;
	[tilespmem:$0x8080] =	vst v63  }
0x35: {  	v3 =	vld [tilespmem:$0x30];
	_ =	sdelay $0x4  }
0x36: {  	v59 =	vshll.u32 v3, $0x1  }
0x37: {  	v3 =	vand.u32 $0x7, v3;
	v4 =	vand.u32 $0xFFFFFFF0, v59  }
0x38: {  	v3 =	vor.u32 v3, v4  }
0x39: {  	v4 =	vperm.xlane v3, v0;
	_ =	sdelay $0x1  }
0x3a: {  	v3 =	vperm.xlane v3, v2;
	v4 =	vadd.s32 v1, v4;
	_ =	sdelay $0x1  }
0x3b: {  	v3 =	vadd.s32 v1, v3;
	_ =	sdelay $0x2  }
0x3c: {  	[tilespmem:s14], [sflag:$0x1] =	stream.indirect_vreg.gather [hbm4b:s3+s2], $0x80, v4, vm0, $0xb8;
	[tilespmem:$0x8080] =	vst v63  }
0x3d: {  	_ = 	snop  }
0x3e: {  	[tilespmem:s15], [sflag:$0x1] =	stream.indirect_vreg.gather [hbm4b:s3+s2], $0x80, v3, vm0, $0xb8;
	[tilespmem:$0x8080] =	vst v63  }
0x3f: {  	v3 =	vld [tilespmem:$0x40];
	_ =	sdelay $0x4  }
0x40: {  	v60 =	vshll.u32 v3, $0x1  }
0x41: {  	v3 =	vand.u32 $0x7, v3;
	v4 =	vand.u32 $0xFFFFFFF0, v60  }
0x42: {  	v3 =	vor.u32 v3, v4  }
0x43: {  	v4 =	vperm.xlane v3, v0;
	_ =	sdelay $0x1  }
0x44: {  	v3 =	vperm.xlane v3, v2;
	v4 =	vadd.s32 v1, v4;
	_ =	sdelay $0x1  }
0x45: {  	v3 =	vadd.s32 v1, v3;
	_ =	sdelay $0x2  }
0x46: {  	[tilespmem:s16], [sflag:$0x1] =	stream.indirect_vreg.gather [hbm4b:s3+s2], $0x80, v4, vm0, $0xb8;
	[tilespmem:$0x8080] =	vst v63  }
0x47: {  	_ = 	snop  }
0x48: {  	[tilespmem:s17], [sflag:$0x1] =	stream.indirect_vreg.gather [hbm4b:s3+s2], $0x80, v3, vm0, $0xb8;
	[tilespmem:$0x8080] =	vst v63  }
0x49: {  	v3 =	vld [tilespmem:$0x50];
	_ =	sdelay $0x4  }
0x4a: {  	v61 =	vshll.u32 v3, $0x1  }
0x4b: {  	v3 =	vand.u32 $0x7, v3;
	v4 =	vand.u32 $0xFFFFFFF0, v61  }
0x4c: {  	v3 =	vor.u32 v3, v4  }
0x4d: {  	v4 =	vperm.xlane v3, v0;
	_ =	sdelay $0x1  }
0x4e: {  	v3 =	vperm.xlane v3, v2;
	v4 =	vadd.s32 v1, v4;
	_ =	sdelay $0x1  }
0x4f: {  	v3 =	vadd.s32 v1, v3;
	_ =	sdelay $0x2  }
0x50: {  	[tilespmem:s18], [sflag:$0x1] =	stream.indirect_vreg.gather [hbm4b:s3+s2], $0x80, v4, vm0, $0xb8;
	[tilespmem:$0x8080] =	vst v63  }
0x51: {  	_ = 	snop  }
0x52: {  	[tilespmem:s19], [sflag:$0x1] =	stream.indirect_vreg.gather [hbm4b:s3+s2], $0x80, v3, vm0, $0xb8;
	[tilespmem:$0x8080] =	vst v63  }
0x53: {  	v3 =	vld [tilespmem:$0x60];
	_ =	sdelay $0x4  }
0x54: {  	v62 =	vshll.u32 v3, $0x1  }
0x55: {  	v3 =	vand.u32 $0x7, v3;
	v4 =	vand.u32 $0xFFFFFFF0, v62  }
0x56: {  	v3 =	vor.u32 v3, v4  }
0x57: {  	v4 =	vperm.xlane v3, v0;
	_ =	sdelay $0x1  }
0x58: {  	v3 =	vperm.xlane v3, v2;
	v4 =	vadd.s32 v1, v4;
	_ =	sdelay $0x1  }
0x59: {  	v3 =	vadd.s32 v1, v3;
	_ =	sdelay $0x2  }
0x5a: {  	[tilespmem:s20], [sflag:$0x1] =	stream.indirect_vreg.gather [hbm4b:s3+s2], $0x80, v4, vm0, $0xb8;
	[tilespmem:$0x8080] =	vst v63  }
0x5b: {  	_ = 	snop  }
0x5c: {  	[tilespmem:s21], [sflag:$0x1] =	stream.indirect_vreg.gather [hbm4b:s3+s2], $0x80, v3, vm0, $0xb8;
	[tilespmem:$0x8080] =	vst v63  }
0x5d: {  	v3 =	vld [tilespmem:$0x70];
	_ =	sdelay $0x4  }
0x5e: {  	v63 =	vshll.u32 v3, $0x1  }
0x5f: {  	v3 =	vand.u32 $0x7, v3;
	v4 =	vand.u32 $0xFFFFFFF0, v63  }
0x60: {  	v3 =	vor.u32 v3, v4  }
0x61: {  	v4 =	vperm.xlane v3, v0;
	_ =	sdelay $0x1  }
0x62: {  	v3 =	vperm.xlane v3, v2;
	v4 =	vadd.s32 v1, v4;
	_ =	sdelay $0x1  }
0x63: {  	v3 =	vadd.s32 v1, v3;
	_ =	sdelay $0x2  }
0x64: {  	[tilespmem:s22], [sflag:$0x1] =	stream.indirect_vreg.gather [hbm4b:s3+s2], $0x80, v4, vm0, $0xb8;
	[tilespmem:$0x8080] =	vst v63  }
0x65: {  	_ = 	snop  }
0x66: {  	[tilespmem:s23], [sflag:$0x1] =	stream.indirect_vreg.gather [hbm4b:s3+s2], $0x80, v3, vm0, $0xb8;
	[tilespmem:$0x8080] =	vst v63  }
0x67: {  	_ =	swait.ge [sflag:s24], $0x8000  }
0x68: {  	p0 =	sne.s32 s28, $0x20;
	[sflag:s24] =	ssyncset.done $0x0  }
.Ltmp0:
0x69: {  	[sflag:s24] =	ssyncadd.s32 $0xFFFF8000;
	(pc) =	sbr.rel @p0 .LBB2_2-.Ltmp0, $4  }
0x6a: {  	[hbm4b:s26+s2] =	stream.linear.scatter [tilespmem:s8], [sflag:$0x2], $0x8000, $0x38;
	[tilespmem:$0x8080] =	vst v63  }
0x6b: {  	_ =	swait.ge [sflag:s7], $0x8000  }
0x6c: {  	[sflag:s7] =	ssyncset.done $0x0  }
0x6d: {  	s28 =	sadd.s32 $0x10, s28;
	s26 =	sadd.s32 $0x1000, s26;
	[sflag:s7] =	ssyncadd.s32 $0xFFFF8000  }
0x6e: {  	s25 =	sadd.s32 $0x1, s25  }
0x6f: {  	p0 =	sne.s32 s25, s4  }
.Ltmp1:
0x70: {  	_ = 	snop;
	(pc) =	sbr.rel @p0 .LBB2_1-.Ltmp1, $1  }
0x71: {  	_ =	sdelay $0x3  }
0x72: {  	_ =	sfence.sel $0x180000  }
0x73: {  	[bflag:$0x0] =	sbarrier.arrive $0xFFFF  }
0x74: {  	p0 =	sne.s32 s1, $0x0;
	_ =	strace $0x9000005C  }
0x75: {  	s0 =	sadd.s32 @!p0 $0x100000, s0;
	[bflag:$0x2] =	sbarrier.arrive $0xFFFF  }
0x76: {  	[sflag:s0] =	ssyncadd.tile.s32 @!p0 $0x1;
	_ =	shalt  }
.Lfunc_end2:
_tile_overlayer_lowered:
.L_overlay_start_2:
0x77: {  	(tag) =	ssettag $0x2  }
0x78: {  	s0 =	rddreg [dreg:$0x0];
	s2 =	stileid.u32  }
0x79: {  	s1 =	rddreg [dreg:$0x1];
	p0 =	sne.s32 s2, $0x0  }
0x7a: {  	s3 =	rddreg [dreg:$0x2];
	[bflag:$0x3] =	sbarrier.arrive $0xFFFF;
	s2 =	simm.s32 @!p0 $0x1C02  }
0x7b: {  	[timem:s3], [sflag:s2] =	dma.local @!p0 [hbm:s0], s1  }
0x7c: {  	s0 =	simm.s32 @!p0 $0x2  }
0x7d: {  	_ =	swait.ge @!p0 [sflag:s0], s1  }
0x7e: {  	s1 =	ssub.s32 @!p0 $0x0, s1;
	[sflag:s0] =	ssyncset.done @!p0 $0x0  }
0x7f: {  	[sflag:s0] =	ssyncadd.s32 @!p0 s1  }
0x80: {  	[bflag:$0x3] =	sbarrier.arrive $0xFFFF  }
0x81: {  	_ =	shalt  }

</sc_bundles>
